<compile_context>
chip_gen: v7x
topology: tpu7x:2x2x1
jax: 0.10.2.dev20260603
libtpu: 0.0.44.dev20260713+nightly
codegen_flags: <defaults>
</compile_context>

<pallas_src>
import jax
import jax.numpy as jnp
from jax import lax
from jax.experimental import pallas as pl
from jax.experimental.pallas import tpu as pltpu
from jax.experimental.pallas import tpu_sc as plsc

NN = 10000
EE = 160000
DD = 128
RR = 16
INV_T_C = 0.1

NTILES = 32
CHUNK = 80
DCH = 128
EPAD = 163840
EPT = EPAD // NTILES
NCH = EPT // CHUNK
NCHD = EPT // DCH
NPAD = 10240
RPT = NPAD // 16

BN = 400



def _fill_zero(buf, nrows):
    z16 = jnp.zeros((16,), jnp.float32)

    def _fill(i, _):
        for j in range(DD // 16):
            buf[i, pl.ds(j * 16, 16)] = z16
        return 0

    lax.fori_loop(0, nrows, _fill, 0)


def _zero_spmem(sh, zbuf, r0, step):
    def _z(k, _):
        pltpu.sync_copy(zbuf, sh.at[pl.ds(r0 + k * step, step)])
        return 0

    lax.fori_loop(0, RPT // step, _z, 0)


def _copy_out(sh, zbuf, out, r0, ob, step):
    def _c(k, _):
        pltpu.sync_copy(sh.at[pl.ds(r0 + k * step, step)], zbuf)
        pltpu.sync_copy(zbuf, out.at[pl.ds(ob + k * step, step)])
        return 0

    lax.fori_loop(0, RPT // step, _c, 0)


def _sc_agg_body(z_hbm, gidx_hbm, dst_hbm, agg_out,
                 agg_sh, gv0, gv1, dv0, dv1, rows0, rows1, zbuf,
                 ms0, ms1, gs0, gs1, ss0, ss1):
    cid = lax.axis_index("c")
    sid = lax.axis_index("s")
    wid = sid * 2 + cid

    _fill_zero(zbuf, 32)
    r0 = sid * RPT
    _zero_spmem(agg_sh, zbuf, r0, 32)
    plsc.subcore_barrier()

    base = wid * EPT
    gv = (gv0, gv1)
    dv = (dv0, dv1)
    rows = (rows0, rows1)
    msem = (ms0, ms1)
    gsem = (gs0, gs1)
    ssem = (ss0, ss1)

    def _prep(c, b):
        off = base + c * CHUNK
        pltpu.async_copy(gidx_hbm.at[pl.ds(off, CHUNK)], gv[b], msem[b])
        pltpu.async_copy(dst_hbm.at[pl.ds(off, CHUNK)], dv[b], msem[b])
        pltpu.make_async_copy(gidx_hbm.at[pl.ds(off, CHUNK)], gv[b], msem[b]).wait()
        pltpu.make_async_copy(dst_hbm.at[pl.ds(off, CHUNK)], dv[b], msem[b]).wait()
        pltpu.async_copy(z_hbm.at[gv[b]], rows[b], gsem[b])

    for b in range(2):
        _prep(b, b)

    def _pipe(g, _):
        for b in range(2):
            pltpu.make_async_copy(z_hbm.at[gv[b]], rows[b], gsem[b]).wait()
            pltpu.async_copy(rows[b], agg_sh.at[dv[b]], ssem[b], add=True)
        for b in range(2):
            pltpu.make_async_copy(rows[b], agg_sh.at[dv[b]], ssem[b]).wait()
            _prep(2 * g + 2 + b, b)
        return 0

    lax.fori_loop(0, NCH // 2 - 1, _pipe, 0)
    for b in range(2):
        pltpu.make_async_copy(z_hbm.at[gv[b]], rows[b], gsem[b]).wait()
        pltpu.async_copy(rows[b], agg_sh.at[dv[b]], ssem[b], add=True)
    for b in range(2):
        pltpu.make_async_copy(rows[b], agg_sh.at[dv[b]], ssem[b]).wait()

    plsc.subcore_barrier()
    _copy_out(agg_sh, zbuf, agg_out, r0, cid * NPAD + r0, 32)


_sc_agg = pl.kernel(
    _sc_agg_body,
    out_type=jax.ShapeDtypeStruct((2 * NPAD, DD), jnp.float32),
    mesh=plsc.VectorSubcoreMesh(core_axis_name="c", subcore_axis_name="s"),
    scratch_types=[
        pltpu.VMEM_SHARED((NPAD, DD), jnp.float32),
        pltpu.VMEM((CHUNK,), jnp.int32),
        pltpu.VMEM((CHUNK,), jnp.int32),
        pltpu.VMEM((CHUNK,), jnp.int32),
        pltpu.VMEM((CHUNK,), jnp.int32),
        pltpu.VMEM((CHUNK, DD), jnp.float32),
        pltpu.VMEM((CHUNK, DD), jnp.float32),
        pltpu.VMEM((32, DD), jnp.float32),
        pltpu.SemaphoreType.DMA,
        pltpu.SemaphoreType.DMA,
        pltpu.SemaphoreType.DMA,
        pltpu.SemaphoreType.DMA,
        pltpu.SemaphoreType.DMA,
        pltpu.SemaphoreType.DMA,
    ],
)


def _sc_deg_body(dst_hbm, deg_out, deg_sh, dstv, ones, zbuf):
    cid = lax.axis_index("c")
    sid = lax.axis_index("s")
    wid = sid * 2 + cid

    _fill_zero(zbuf, 32)
    o16 = jnp.full((16,), 1.0, jnp.float32)

    def _fill_o(i, _):
        for j in range(DD // 16):
            ones[i, pl.ds(j * 16, 16)] = o16
        return 0

    lax.fori_loop(0, DCH, _fill_o, 0)

    r0 = sid * RPT
    _zero_spmem(deg_sh, zbuf, r0, 32)
    plsc.subcore_barrier()

    base = wid * EPT

    def _edge_chunk(c, _):
        off = base + c * DCH
        pltpu.sync_copy(dst_hbm.at[pl.ds(off, DCH)], dstv)
        pltpu.sync_copy(ones, deg_sh.at[dstv], add=True)
        return 0

    lax.fori_loop(0, NCHD, _edge_chunk, 0)
    plsc.subcore_barrier()
    _copy_out(deg_sh, zbuf, deg_out, r0, cid * NPAD + r0, 32)


_sc_deg = pl.kernel(
    _sc_deg_body,
    out_type=jax.ShapeDtypeStruct((2 * NPAD, DD), jnp.float32),
    mesh=plsc.VectorSubcoreMesh(core_axis_name="c", subcore_axis_name="s"),
    scratch_types=[
        pltpu.VMEM_SHARED((NPAD, DD), jnp.float32),
        pltpu.VMEM((DCH,), jnp.int32),
        pltpu.VMEM((DCH, DD), jnp.float32),
        pltpu.VMEM((32, DD), jnp.float32),
    ],
)


def _gidx_body(src_ref, et_ref, out_ref):
    out_ref[...] = et_ref[...] * NN + src_ref[...]


def _gidx_build(src_p, et_p):
    g = pl.pallas_call(
        _gidx_body,
        out_shape=jax.ShapeDtypeStruct((EPAD // 128, 128), jnp.int32),
    )(src_p.reshape(EPAD // 128, 128), et_p.reshape(EPAD // 128, 128))
    return g.reshape(EPAD)



def _zbuild_body(ft_ref, basis_ref, c0_ref, c1_ref, z_ref):
    ft = ft_ref[...]
    xb0 = jnp.dot(ft, basis_ref[0], preferred_element_type=jnp.float32)
    xb1 = jnp.dot(ft, basis_ref[1], preferred_element_type=jnp.float32)
    for r in range(RR):
        z_ref[r] = c0_ref[r] * xb0 + c1_ref[r] * xb1


def _zbuild(ft, basis, coeff):
    c0 = coeff[:, 0]
    c1 = coeff[:, 1]
    z = pl.pallas_call(
        _zbuild_body,
        grid=(NN // BN,),
        in_specs=[
            pl.BlockSpec((BN, DD), lambda i: (i, 0)),
            pl.BlockSpec((2, DD, DD), lambda i: (0, 0, 0)),
            pl.BlockSpec(memory_space=pltpu.SMEM),
            pl.BlockSpec(memory_space=pltpu.SMEM),
        ],
        out_specs=pl.BlockSpec((RR, BN, DD), lambda i: (0, i, 0)),
        out_shape=jax.ShapeDtypeStruct((RR, NN, DD), jnp.float32),
    )(ft, basis, c0, c1)
    return z.reshape(RR * NN, DD)


def _gru_math(pre, adj, wx_ref, wh_ref, bx_ref, bh_ref):
    gi = jnp.dot(pre, wx_ref[...], preferred_element_type=jnp.float32) + bx_ref[...][None, :]
    gh = jnp.dot(adj, wh_ref[...], preferred_element_type=jnp.float32) + bh_ref[...][None, :]
    r = jax.nn.sigmoid(gi[:, :DD] + gh[:, :DD])
    zg = jax.nn.sigmoid(gi[:, DD:2 * DD] + gh[:, DD:2 * DD])
    n = jnp.tanh(gi[:, 2 * DD:] + r * gh[:, 2 * DD:])
    return (1.0 - zg) * n + zg * adj


def _agg_pre(aggp_ref, degp_ref, ft, wself_ref, bias_ref):
    agg = (aggp_ref[0] + aggp_ref[1]) / jnp.maximum(
        degp_ref[0, :, 0:1] + degp_ref[1, :, 0:1], 1.0)
    sf = jnp.dot(ft, wself_ref[...], preferred_element_type=jnp.float32)
    return jax.nn.relu(agg + sf + bias_ref[...][None, :])


def _dense0_body(aggp_ref, degp_ref, ft_ref, prev_ref, td_ref,
                 wself_ref, bias_ref, wx_ref, wh_ref, bx_ref, bh_ref,
                 h_ref, ftn_ref):
    ft = ft_ref[...]
    pre = _agg_pre(aggp_ref, degp_ref, ft, wself_ref, bias_ref)
    adj = prev_ref[...] * jnp.exp(-td_ref[...] * INV_T_C)
    h_ref[...] = _gru_math(pre, adj, wx_ref, wh_ref, bx_ref, bh_ref)
    ftn_ref[...] = pre + ft


def _dense1_body(aggp_ref, degp_ref, ft_ref, prev_ref, td_ref, h0_ref,
                 alpha_ref, wself_ref, bias_ref, wx_ref, wh_ref, bx_ref,
                 bh_ref, h_ref, fin_ref):
    ft = ft_ref[...]
    pre = _agg_pre(aggp_ref, degp_ref, ft, wself_ref, bias_ref)
    adj = prev_ref[...] * jnp.exp(-td_ref[...] * INV_T_C)
    h = _gru_math(pre, adj, wx_ref, wh_ref, bx_ref, bh_ref)
    h_ref[...] = h
    a0 = alpha_ref[0]
    a1 = alpha_ref[1]
    m = jnp.maximum(a0, a1)
    e0 = jnp.exp(a0 - m)
    e1 = jnp.exp(a1 - m)
    w0 = e0 / (e0 + e1)
    fin_ref[...] = w0 * h0_ref[...] + (1.0 - w0) * h


def _full(shape):
    nd = len(shape)
    return pl.BlockSpec(shape, lambda i, _nd=nd: (0,) * _nd)


def _dense0(aggp, degp, ft, prev, td, wself, bias, wx, wh, bx, bh):
    return pl.pallas_call(
        _dense0_body,
        grid=(NN // BN,),
        in_specs=[
            pl.BlockSpec((2, BN, DD), lambda i: (0, i, 0)),
            pl.BlockSpec((2, BN, DD), lambda i: (0, i, 0)),
            pl.BlockSpec((BN, DD), lambda i: (i, 0)),
            pl.BlockSpec((BN, DD), lambda i: (i, 0)),
            pl.BlockSpec((BN, 1), lambda i: (i, 0)),
            _full((DD, DD)),
            _full((DD,)),
            _full((DD, 3 * DD)),
            _full((DD, 3 * DD)),
            _full((3 * DD,)),
            _full((3 * DD,)),
        ],
        out_specs=[
            pl.BlockSpec((BN, DD), lambda i: (i, 0)),
            pl.BlockSpec((BN, DD), lambda i: (i, 0)),
        ],
        out_shape=[
            jax.ShapeDtypeStruct((NN, DD), jnp.float32),
            jax.ShapeDtypeStruct((NN, DD), jnp.float32),
        ],
    )(aggp, degp, ft, prev, td, wself, bias, wx, wh, bx, bh)


def _dense1(aggp, degp, ft, prev, td, h0, alpha, wself, bias, wx, wh, bx, bh):
    return pl.pallas_call(
        _dense1_body,
        grid=(NN // BN,),
        in_specs=[
            pl.BlockSpec((2, BN, DD), lambda i: (0, i, 0)),
            pl.BlockSpec((2, BN, DD), lambda i: (0, i, 0)),
            pl.BlockSpec((BN, DD), lambda i: (i, 0)),
            pl.BlockSpec((BN, DD), lambda i: (i, 0)),
            pl.BlockSpec((BN, 1), lambda i: (i, 0)),
            pl.BlockSpec((BN, DD), lambda i: (i, 0)),
            pl.BlockSpec(memory_space=pltpu.SMEM),
            _full((DD, DD)),
            _full((DD,)),
            _full((DD, 3 * DD)),
            _full((DD, 3 * DD)),
            _full((3 * DD,)),
            _full((3 * DD,)),
        ],
        out_specs=[
            pl.BlockSpec((BN, DD), lambda i: (i, 0)),
            pl.BlockSpec((BN, DD), lambda i: (i, 0)),
        ],
        out_shape=[
            jax.ShapeDtypeStruct((NN, DD), jnp.float32),
            jax.ShapeDtypeStruct((NN, DD), jnp.float32),
        ],
    )(aggp, degp, ft, prev, td, h0, alpha, wself, bias, wx, wh, bx, bh)



def kernel(x, edge_index, edge_type, prev_embed_0, prev_embed_1, time_diff,
           prev_tr_0, prev_tr_1, local_attn_mask, basis_0, coeff_0, wself_0,
           bias_0, gru_wx_0, gru_wh_0, gru_bx_0, gru_bh_0, basis_1, coeff_1,
           wself_1, bias_1, gru_wx_1, gru_wh_1, gru_bx_1, gru_bh_1, lf_alpha):
    src = edge_index[0]
    dst = edge_index[1]
    padlen = EPAD - EE
    src_p = jnp.concatenate([src, jnp.zeros((padlen,), jnp.int32)])
    dst_p = jnp.concatenate([dst, jnp.full((padlen,), NN, jnp.int32)])
    et_p = jnp.concatenate([edge_type, jnp.zeros((padlen,), jnp.int32)])

    degp = _sc_deg(dst_p).reshape(2, NPAD, DD)[:, :NN]
    gidx = _gidx_build(src_p, et_p)

    z0 = _zbuild(x, basis_0, coeff_0)
    aggp0 = _sc_agg(z0, gidx, dst_p).reshape(2, NPAD, DD)[:, :NN]
    h0, ft = _dense0(aggp0, degp, x, prev_embed_0, time_diff,
                     wself_0, bias_0, gru_wx_0, gru_wh_0, gru_bx_0, gru_bh_0)

    z1 = _zbuild(ft, basis_1, coeff_1)
    aggp1 = _sc_agg(z1, gidx, dst_p).reshape(2, NPAD, DD)[:, :NN]
    h1, final = _dense1(aggp1, degp, ft, prev_embed_1, time_diff, h0,
                        lf_alpha, wself_1, bias_1, gru_wx_1, gru_wh_1,
                        gru_bx_1, gru_bh_1)

    return (jnp.stack([h0, h1], axis=0), final)

# --- scband reference (transcript-rebuilt; emitter-appended) ---
"""Pipeline reference for scband-espatune-26190710571668 (READ-ONLY COPY).

The authoritative reference and input builder live on the scoring server;
editing this copy changes nothing except your own understanding.
"""

import jax, jax.numpy as jnp
import numpy as np

N = 10000
E = 160000
D = 128
R = 16
NB = 2
INV_T = 0.1

def setup_inputs(seed: int = 0) -> dict:
    key = jax.random.key(seed)
    ks = jax.random.split(key, 30)
    inp = {}
    inp['x'] = jax.random.normal(ks[0], (N, D), dtype=jnp.float32)
    inp['edge_index'] = jax.random.randint(ks[1], (2, E), 0, N, dtype=jnp.int32)
    inp['edge_type'] = jax.random.randint(ks[2], (E,), 0, R, dtype=jnp.int32)
    inp['prev_embed_0'] = jax.random.normal(ks[3], (N, D), dtype=jnp.float32)
    inp['prev_embed_1'] = jax.random.normal(ks[4], (N, D), dtype=jnp.float32)
    inp['time_diff'] = jax.random.uniform(ks[5], (N, 1), dtype=jnp.float32)
    inp['prev_tr_0'] = jax.random.normal(ks[6], (N, D), dtype=jnp.float32)
    inp['prev_tr_1'] = jax.random.normal(ks[7], (N, D), dtype=jnp.float32)
    inp['local_attn_mask'] = jnp.ones((1, 1), dtype=bool)
    s = 0.05
    for i in range(2):
        inp['basis_%d' % i] = jax.random.normal(ks[8 + 8 * i], (NB, D, D), dtype=jnp.float32) * s
        inp['coeff_%d' % i] = jax.random.normal(ks[9 + 8 * i], (R, NB), dtype=jnp.float32) * s
        inp['wself_%d' % i] = jax.random.normal(ks[10 + 8 * i], (D, D), dtype=jnp.float32) * s
        inp['bias_%d' % i] = jnp.zeros((D,), dtype=jnp.float32)
        inp['gru_wx_%d' % i] = jax.random.normal(ks[11 + 8 * i], (D, 3 * D), dtype=jnp.float32) * s
        inp['gru_wh_%d' % i] = jax.random.normal(ks[12 + 8 * i], (D, 3 * D), dtype=jnp.float32) * s
        inp['gru_bx_%d' % i] = jnp.zeros((3 * D,), dtype=jnp.float32)
        inp['gru_bh_%d' % i] = jnp.zeros((3 * D,), dtype=jnp.float32)
    inp['lf_alpha'] = jnp.zeros((2,), dtype=jnp.float32)
    return inp

def _rgcn(x, src, dst, etype, basis, coeff, wself, bias):
    # RGCN with basis decomposition: transform nodes by each basis, then mix per-edge by relation coeffs
    xb = jnp.einsum('ni,bio->nbo', x, basis)           # [N, NB, D]
    ce = coeff[etype]                                   # [E, NB] gather
    msg = jnp.sum(ce[:, :, None] * xb[src], axis=1)     # [E, D] gather + mix
    agg = jax.ops.segment_sum(msg, dst, num_segments=N) # scatter-add
    deg = jax.ops.segment_sum(jnp.ones((E,), jnp.float32), dst, num_segments=N)
    return jax.nn.relu(agg / jnp.clip(deg, 1.0)[:, None] + x @ wself + bias)

def _gru(xin, h, wx, wh, bx, bh):
    gi = xin @ wx + bx
    gh = h @ wh + bh
    r = jax.nn.sigmoid(gi[:, :D] + gh[:, :D])
    z = jax.nn.sigmoid(gi[:, D:2 * D] + gh[:, D:2 * D])
    n = jnp.tanh(gi[:, 2 * D:] + r * gh[:, 2 * D:])
    return (1.0 - z) * n + z * h

def reference(x, edge_index, edge_type, prev_embed_0, prev_embed_1, time_diff, prev_tr_0, prev_tr_1, local_attn_mask, basis_0, coeff_0, wself_0, bias_0, gru_wx_0, gru_wh_0, gru_bx_0, gru_bh_0, basis_1, coeff_1, wself_1, bias_1, gru_wx_1, gru_wh_1, gru_bx_1, gru_bh_1, lf_alpha):
    src = edge_index[0]
    dst = edge_index[1]
    decay = jnp.exp(-time_diff * INV_T)
    prev = [prev_embed_0, prev_embed_1]
    params = [
        (basis_0, coeff_0, wself_0, bias_0, gru_wx_0, gru_wh_0, gru_bx_0, gru_bh_0),
        (basis_1, coeff_1, wself_1, bias_1, gru_wx_1, gru_wh_1, gru_bx_1, gru_bh_1),
    ]
    ft = x
    lf = []
    for i in range(2):
        b, c, w, bb, wx, wh, bx, bh = params[i]
        lc_in = ft
        ft = _rgcn(ft, src, dst, edge_type, b, c, w, bb)        # NaOp
        adjusted_prev = prev[i] * decay                          # time-decayed history
        h = _gru(ft, adjusted_prev, wx, wh, bx, bh)              # TOp (gru primitive ignores transformer embeds/mask)
        lf.append(h)
        if i != 1:
            ft = ft + lc_in                                      # LcOp 'skip'
    w_lf = jax.nn.softmax(lf_alpha)                              # LfOp 'att' (learned layer fusion)
    final = w_lf[0] * lf[0] + w_lf[1] * lf[1]
    return (jnp.stack(lf, axis=0), final)

if __name__ == "__main__":
    import jax
    _d = setup_inputs()
    print(jax.jit(kernel)(*tuple(_d.values())))

</pallas_src>

<mosaic_0001>
#map = affine_map<(d0, d1) -> (0)>
#map1 = affine_map<(d0, d1) -> (0, 0)>
module attributes {stable_mosaic.version = 14 : i64} {
  func.func @_sc_deg_body(%arg0: i32, %arg1: i32, %arg2: memref<163840xi32, #tpu.memory_space<hbm>>, %arg3: memref<20480x128xf32, #tpu.memory_space<hbm>>, %arg4: memref<10240x128xf32, #tpu.memory_space<vmem_shared>>, %arg5: memref<128xi32, #tpu.memory_space<vmem>>, %arg6: memref<128x128xf32, #tpu.memory_space<vmem>>, %arg7: memref<32x128xf32, #tpu.memory_space<vmem>>) attributes {dimension_semantics = [#tpu.dimension_semantics<core_parallel>, #tpu.dimension_semantics<subcore_parallel>], iteration_bounds = array<i64: 2, 16>, scalar_prefetch = 0 : i64, scratch_operands = 4 : i64, tpu.core_type = #tpu.core_type<sc_vector_subcore>, window_params = [{transform_indices = #map}, {transform_indices = #map1}]} {
    %mul3A = arith.constant 2 : i32
    %mul3A_0 = arith.muli %arg1, %mul3A : i32
    %add3A = arith.addi %mul3A_0, %arg0 : i32
    %broadcast_in_dim3A = arith.constant 0.000000e+00 : f32
    %broadcast_in_dim3A_1 = vector.broadcast %broadcast_in_dim3A : f32 to vector<16xf32>
    %scan3A = arith.constant 0 : i32
    %scan3A_2 = arith.constant 0 : i32
    %scan3A_3 = arith.constant 32 : i32
    %scan3A_4 = arith.addi %scan3A_2, %scan3A_3 : i32
    %scan3A_5 = arith.constant 1 : i32
    %scan3A_6 = scf.for %scan3A_46 = %scan3A_2 to %scan3A_4 step %scan3A_5 iter_args(%scan3A_47 = %scan3A) -> (i32)  : i32 {
      %swap3A = arith.index_cast %scan3A_46 : i32 to index
      %swap3A_48 = arith.constant 0 : index
      %swap3A_49 = tpu.vector_load %arg7[%swap3A, %swap3A_48] {strides = array<i32>} : memref<32x128xf32, #tpu.memory_space<vmem>>, vector<1x16xf32>,
      %swap3A_50 = vector.shape_cast %swap3A_49 : vector<1x16xf32> to vector<16xf32>
      %swap3A_51 = vector.shape_cast %broadcast_in_dim3A_1 : vector<16xf32> to vector<1x16xf32>
      tpu.vector_store %arg7[%swap3A, %swap3A_48], %swap3A_51 {strides = array<i32>} : memref<32x128xf32, #tpu.memory_space<vmem>>, vector<1x16xf32>,
      %swap3A_52 = arith.index_cast %scan3A_46 : i32 to index
      %swap3A_53 = arith.constant 16 : index
      %swap3A_54 = tpu.vector_load %arg7[%swap3A_52, %swap3A_53] {strides = array<i32>} : memref<32x128xf32, #tpu.memory_space<vmem>>, vector<1x16xf32>,
      %swap3A_55 = vector.shape_cast %swap3A_54 : vector<1x16xf32> to vector<16xf32>
      %swap3A_56 = vector.shape_cast %broadcast_in_dim3A_1 : vector<16xf32> to vector<1x16xf32>
      tpu.vector_store %arg7[%swap3A_52, %swap3A_53], %swap3A_56 {strides = array<i32>} : memref<32x128xf32, #tpu.memory_space<vmem>>, vector<1x16xf32>,
      %swap3A_57 = arith.index_cast %scan3A_46 : i32 to index
      %swap3A_58 = arith.constant 32 : index
      %swap3A_59 = tpu.vector_load %arg7[%swap3A_57, %swap3A_58] {strides = array<i32>} : memref<32x128xf32, #tpu.memory_space<vmem>>, vector<1x16xf32>,
      %swap3A_60 = vector.shape_cast %swap3A_59 : vector<1x16xf32> to vector<16xf32>
      %swap3A_61 = vector.shape_cast %broadcast_in_dim3A_1 : vector<16xf32> to vector<1x16xf32>
      tpu.vector_store %arg7[%swap3A_57, %swap3A_58], %swap3A_61 {strides = array<i32>} : memref<32x128xf32, #tpu.memory_space<vmem>>, vector<1x16xf32>,
      %swap3A_62 = arith.index_cast %scan3A_46 : i32 to index
      %swap3A_63 = arith.constant 48 : index
      %swap3A_64 = tpu.vector_load %arg7[%swap3A_62, %swap3A_63] {strides = array<i32>} : memref<32x128xf32, #tpu.memory_space<vmem>>, vector<1x16xf32>,
      %swap3A_65 = vector.shape_cast %swap3A_64 : vector<1x16xf32> to vector<16xf32>
      %swap3A_66 = vector.shape_cast %broadcast_in_dim3A_1 : vector<16xf32> to vector<1x16xf32>
      tpu.vector_store %arg7[%swap3A_62, %swap3A_63], %swap3A_66 {strides = array<i32>} : memref<32x128xf32, #tpu.memory_space<vmem>>, vector<1x16xf32>,
      %swap3A_67 = arith.index_cast %scan3A_46 : i32 to index
      %swap3A_68 = arith.constant 64 : index
      %swap3A_69 = tpu.vector_load %arg7[%swap3A_67, %swap3A_68] {strides = array<i32>} : memref<32x128xf32, #tpu.memory_space<vmem>>, vector<1x16xf32>,
      %swap3A_70 = vector.shape_cast %swap3A_69 : vector<1x16xf32> to vector<16xf32>
      %swap3A_71 = vector.shape_cast %broadcast_in_dim3A_1 : vector<16xf32> to vector<1x16xf32>
      tpu.vector_store %arg7[%swap3A_67, %swap3A_68], %swap3A_71 {strides = array<i32>} : memref<32x128xf32, #tpu.memory_space<vmem>>, vector<1x16xf32>,
      %swap3A_72 = arith.index_cast %scan3A_46 : i32 to index
      %swap3A_73 = arith.constant 80 : index
      %swap3A_74 = tpu.vector_load %arg7[%swap3A_72, %swap3A_73] {strides = array<i32>} : memref<32x128xf32, #tpu.memory_space<vmem>>, vector<1x16xf32>,
      %swap3A_75 = vector.shape_cast %swap3A_74 : vector<1x16xf32> to vector<16xf32>
      %swap3A_76 = vector.shape_cast %broadcast_in_dim3A_1 : vector<16xf32> to vector<1x16xf32>
      tpu.vector_store %arg7[%swap3A_72, %swap3A_73], %swap3A_76 {strides = array<i32>} : memref<32x128xf32, #tpu.memory_space<vmem>>, vector<1x16xf32>,
      %swap3A_77 = arith.index_cast %scan3A_46 : i32 to index
      %swap3A_78 = arith.constant 96 : index
      %swap3A_79 = tpu.vector_load %arg7[%swap3A_77, %swap3A_78] {strides = array<i32>} : memref<32x128xf32, #tpu.memory_space<vmem>>, vector<1x16xf32>,
      %swap3A_80 = vector.shape_cast %swap3A_79 : vector<1x16xf32> to vector<16xf32>
      %swap3A_81 = vector.shape_cast %broadcast_in_dim3A_1 : vector<16xf32> to vector<1x16xf32>
      tpu.vector_store %arg7[%swap3A_77, %swap3A_78], %swap3A_81 {strides = array<i32>} : memref<32x128xf32, #tpu.memory_space<vmem>>, vector<1x16xf32>,
      %swap3A_82 = arith.index_cast %scan3A_46 : i32 to index
      %swap3A_83 = arith.constant 112 : index
      %swap3A_84 = tpu.vector_load %arg7[%swap3A_82, %swap3A_83] {strides = array<i32>} : memref<32x128xf32, #tpu.memory_space<vmem>>, vector<1x16xf32>,
      %swap3A_85 = vector.shape_cast %swap3A_84 : vector<1x16xf32> to vector<16xf32>
      %swap3A_86 = vector.shape_cast %broadcast_in_dim3A_1 : vector<16xf32> to vector<1x16xf32>
      tpu.vector_store %arg7[%swap3A_82, %swap3A_83], %swap3A_86 {strides = array<i32>} : memref<32x128xf32, #tpu.memory_space<vmem>>, vector<1x16xf32>,
      %scan3A_87 = arith.constant 0 : i32
      scf.yield %scan3A_87 : i32
    }
    %scan3A_7 = arith.constant 32 : i32
    %broadcast_in_dim3A_8 = arith.constant 1.000000e+00 : f32
    %broadcast_in_dim3A_9 = vector.broadcast %broadcast_in_dim3A_8 : f32 to vector<16xf32>
    %scan3A_10 = arith.constant 0 : i32
    %scan3A_11 = arith.constant 0 : i32
    %scan3A_12 = arith.constant 128 : i32
    %scan3A_13 = arith.addi %scan3A_11, %scan3A_12 : i32
    %scan3A_14 = arith.constant 1 : i32
    %scan3A_15 = scf.for %scan3A_46 = %scan3A_11 to %scan3A_13 step %scan3A_14 iter_args(%scan3A_47 = %scan3A_10) -> (i32)  : i32 {
      %swap3A = arith.index_cast %scan3A_46 : i32 to index
      %swap3A_48 = arith.constant 0 : index
      %swap3A_49 = tpu.vector_load %arg6[%swap3A, %swap3A_48] {strides = array<i32>} : memref<128x128xf32, #tpu.memory_space<vmem>>, vector<1x16xf32>,
      %swap3A_50 = vector.shape_cast %swap3A_49 : vector<1x16xf32> to vector<16xf32>
      %swap3A_51 = vector.shape_cast %broadcast_in_dim3A_9 : vector<16xf32> to vector<1x16xf32>
      tpu.vector_store %arg6[%swap3A, %swap3A_48], %swap3A_51 {strides = array<i32>} : memref<128x128xf32, #tpu.memory_space<vmem>>, vector<1x16xf32>,
      %swap3A_52 = arith.index_cast %scan3A_46 : i32 to index
      %swap3A_53 = arith.constant 16 : index
      %swap3A_54 = tpu.vector_load %arg6[%swap3A_52, %swap3A_53] {strides = array<i32>} : memref<128x128xf32, #tpu.memory_space<vmem>>, vector<1x16xf32>,
      %swap3A_55 = vector.shape_cast %swap3A_54 : vector<1x16xf32> to vector<16xf32>
      %swap3A_56 = vector.shape_cast %broadcast_in_dim3A_9 : vector<16xf32> to vector<1x16xf32>
      tpu.vector_store %arg6[%swap3A_52, %swap3A_53], %swap3A_56 {strides = array<i32>} : memref<128x128xf32, #tpu.memory_space<vmem>>, vector<1x16xf32>,
      %swap3A_57 = arith.index_cast %scan3A_46 : i32 to index
      %swap3A_58 = arith.constant 32 : index
      %swap3A_59 = tpu.vector_load %arg6[%swap3A_57, %swap3A_58] {strides = array<i32>} : memref<128x128xf32, #tpu.memory_space<vmem>>, vector<1x16xf32>,
      %swap3A_60 = vector.shape_cast %swap3A_59 : vector<1x16xf32> to vector<16xf32>
      %swap3A_61 = vector.shape_cast %broadcast_in_dim3A_9 : vector<16xf32> to vector<1x16xf32>
      tpu.vector_store %arg6[%swap3A_57, %swap3A_58], %swap3A_61 {strides = array<i32>} : memref<128x128xf32, #tpu.memory_space<vmem>>, vector<1x16xf32>,
      %swap3A_62 = arith.index_cast %scan3A_46 : i32 to index
      %swap3A_63 = arith.constant 48 : index
      %swap3A_64 = tpu.vector_load %arg6[%swap3A_62, %swap3A_63] {strides = array<i32>} : memref<128x128xf32, #tpu.memory_space<vmem>>, vector<1x16xf32>,
      %swap3A_65 = vector.shape_cast %swap3A_64 : vector<1x16xf32> to vector<16xf32>
      %swap3A_66 = vector.shape_cast %broadcast_in_dim3A_9 : vector<16xf32> to vector<1x16xf32>
      tpu.vector_store %arg6[%swap3A_62, %swap3A_63], %swap3A_66 {strides = array<i32>} : memref<128x128xf32, #tpu.memory_space<vmem>>, vector<1x16xf32>,
      %swap3A_67 = arith.index_cast %scan3A_46 : i32 to index
      %swap3A_68 = arith.constant 64 : index
      %swap3A_69 = tpu.vector_load %arg6[%swap3A_67, %swap3A_68] {strides = array<i32>} : memref<128x128xf32, #tpu.memory_space<vmem>>, vector<1x16xf32>,
      %swap3A_70 = vector.shape_cast %swap3A_69 : vector<1x16xf32> to vector<16xf32>
      %swap3A_71 = vector.shape_cast %broadcast_in_dim3A_9 : vector<16xf32> to vector<1x16xf32>
      tpu.vector_store %arg6[%swap3A_67, %swap3A_68], %swap3A_71 {strides = array<i32>} : memref<128x128xf32, #tpu.memory_space<vmem>>, vector<1x16xf32>,
      %swap3A_72 = arith.index_cast %scan3A_46 : i32 to index
      %swap3A_73 = arith.constant 80 : index
      %swap3A_74 = tpu.vector_load %arg6[%swap3A_72, %swap3A_73] {strides = array<i32>} : memref<128x128xf32, #tpu.memory_space<vmem>>, vector<1x16xf32>,
      %swap3A_75 = vector.shape_cast %swap3A_74 : vector<1x16xf32> to vector<16xf32>
      %swap3A_76 = vector.shape_cast %broadcast_in_dim3A_9 : vector<16xf32> to vector<1x16xf32>
      tpu.vector_store %arg6[%swap3A_72, %swap3A_73], %swap3A_76 {strides = array<i32>} : memref<128x128xf32, #tpu.memory_space<vmem>>, vector<1x16xf32>,
      %swap3A_77 = arith.index_cast %scan3A_46 : i32 to index
      %swap3A_78 = arith.constant 96 : index
      %swap3A_79 = tpu.vector_load %arg6[%swap3A_77, %swap3A_78] {strides = array<i32>} : memref<128x128xf32, #tpu.memory_space<vmem>>, vector<1x16xf32>,
      %swap3A_80 = vector.shape_cast %swap3A_79 : vector<1x16xf32> to vector<16xf32>
      %swap3A_81 = vector.shape_cast %broadcast_in_dim3A_9 : vector<16xf32> to vector<1x16xf32>
      tpu.vector_store %arg6[%swap3A_77, %swap3A_78], %swap3A_81 {strides = array<i32>} : memref<128x128xf32, #tpu.memory_space<vmem>>, vector<1x16xf32>,
      %swap3A_82 = arith.index_cast %scan3A_46 : i32 to index
      %swap3A_83 = arith.constant 112 : index
      %swap3A_84 = tpu.vector_load %arg6[%swap3A_82, %swap3A_83] {strides = array<i32>} : memref<128x128xf32, #tpu.memory_space<vmem>>, vector<1x16xf32>,
      %swap3A_85 = vector.shape_cast %swap3A_84 : vector<1x16xf32> to vector<16xf32>
      %swap3A_86 = vector.shape_cast %broadcast_in_dim3A_9 : vector<16xf32> to vector<1x16xf32>
      tpu.vector_store %arg6[%swap3A_82, %swap3A_83], %swap3A_86 {strides = array<i32>} : memref<128x128xf32, #tpu.memory_space<vmem>>, vector<1x16xf32>,
      %scan3A_87 = arith.constant 0 : i32
      scf.yield %scan3A_87 : i32
    }
    %scan3A_16 = arith.constant 128 : i32
    %mul3A_17 = arith.constant 640 : i32
    %mul3A_18 = arith.muli %arg1, %mul3A_17 : i32
    %scan3A_19 = arith.constant 0 : i32
    %scan3A_20 = arith.constant 0 : i32
    %scan3A_21 = arith.constant 20 : i32
    %scan3A_22 = arith.addi %scan3A_20, %scan3A_21 : i32
    %scan3A_23 = arith.constant 1 : i32
    %scan3A_24 = scf.for %scan3A_46 = %scan3A_20 to %scan3A_22 step %scan3A_23 iter_args(%scan3A_47 = %scan3A_19) -> (i32)  : i32 {
      %mul3A_48 = arith.constant 32 : i32
      %mul3A_49 = arith.muli %scan3A_46, %mul3A_48 : i32
      %add3A_50 = arith.addi %mul3A_18, %mul3A_49 : i32
      "tpu.region"() ({
        %run_scoped3A = tpu.sem_alloc : memref<!tpu.dma_semaphore, #tpu.memory_space<semaphore_mem>>
        %dma_start3A = arith.constant 0 : i32
        %dma_start3A_52 = tpu.memref_slice %arg4[%add3A_50, %dma_start3A] : memref<10240x128xf32, #tpu.memory_space<vmem_shared>> -> memref<32x128xf32, #tpu.memory_space<vmem_shared>>
        %dma_start3A_53 = arith.constant 0 : i32
        %dma_start3A_54 = tpu.memref_slice %arg4[%add3A_50, %dma_start3A_53] : memref<10240x128xf32, #tpu.memory_space<vmem_shared>> -> memref<32x128xf32, #tpu.memory_space<vmem_shared>>
        tpu.enqueue_dma source(%arg7 : memref<32x128xf32, #tpu.memory_space<vmem>>) target(%dma_start3A_54 : memref<32x128xf32, #tpu.memory_space<vmem_shared>>) target_semaphore(%run_scoped3A : memref<!tpu.dma_semaphore, #tpu.memory_space<semaphore_mem>>)
        %dma_wait3A = arith.constant 0 : i32
        %dma_wait3A_55 = tpu.memref_slice %arg4[%add3A_50, %dma_wait3A] : memref<10240x128xf32, #tpu.memory_space<vmem_shared>> -> memref<32x128xf32, #tpu.memory_space<vmem_shared>>
        %dma_wait3A_56 = arith.constant 0 : i32
        %dma_wait3A_57 = tpu.memref_slice %arg4[%add3A_50, %dma_wait3A_56] : memref<10240x128xf32, #tpu.memory_space<vmem_shared>> -> memref<32x128xf32, #tpu.memory_space<vmem_shared>>
        tpu.wait_dma2 semaphore(%run_scoped3A : memref<!tpu.dma_semaphore, #tpu.memory_space<semaphore_mem>>) src(%arg7 : memref<32x128xf32, #tpu.memory_space<vmem>>) dst(%dma_wait3A_57 : memref<32x128xf32, #tpu.memory_space<vmem_shared>>)
        tpu.yield
      }) : () -> ()
      %scan3A_51 = arith.constant 0 : i32
      scf.yield %scan3A_51 : i32
    }
    %scan3A_25 = arith.constant 20 : i32
    %barrier3A = arith.constant 0 : index
    tpu.barrier barrier_id(%barrier3A)
    %mul3A_26 = arith.constant 5120 : i32
    %mul3A_27 = arith.muli %add3A, %mul3A_26 : i32
    %scan3A_28 = arith.constant 0 : i32
    %scan3A_29 = arith.constant 0 : i32
    %scan3A_30 = arith.constant 40 : i32
    %scan3A_31 = arith.addi %scan3A_29, %scan3A_30 : i32
    %scan3A_32 = arith.constant 1 : i32
    %scan3A_33 = scf.for %scan3A_46 = %scan3A_29 to %scan3A_31 step %scan3A_32 iter_args(%scan3A_47 = %scan3A_28) -> (i32)  : i32 {
      %mul3A_48 = arith.constant 128 : i32
      %mul3A_49 = arith.muli %scan3A_46, %mul3A_48 : i32
      %add3A_50 = arith.addi %mul3A_27, %mul3A_49 : i32
      "tpu.region"() ({
        %run_scoped3A = tpu.sem_alloc : memref<!tpu.dma_semaphore, #tpu.memory_space<semaphore_mem>>
        %dma_start3A = tpu.memref_slice %arg2[%add3A_50] : memref<163840xi32, #tpu.memory_space<hbm>> -> memref<128xi32, #tpu.memory_space<hbm>>
        %dma_start3A_52 = tpu.memref_slice %arg2[%add3A_50] : memref<163840xi32, #tpu.memory_space<hbm>> -> memref<128xi32, #tpu.memory_space<hbm>>
        tpu.enqueue_dma source(%dma_start3A_52 : memref<128xi32, #tpu.memory_space<hbm>>) target(%arg5 : memref<128xi32, #tpu.memory_space<vmem>>) target_semaphore(%run_scoped3A : memref<!tpu.dma_semaphore, #tpu.memory_space<semaphore_mem>>)
        %dma_wait3A = tpu.memref_slice %arg2[%add3A_50] : memref<163840xi32, #tpu.memory_space<hbm>> -> memref<128xi32, #tpu.memory_space<hbm>>
        %dma_wait3A_53 = tpu.memref_slice %arg2[%add3A_50] : memref<163840xi32, #tpu.memory_space<hbm>> -> memref<128xi32, #tpu.memory_space<hbm>>
        tpu.wait_dma2 semaphore(%run_scoped3A : memref<!tpu.dma_semaphore, #tpu.memory_space<semaphore_mem>>) src(%dma_wait3A_53 : memref<128xi32, #tpu.memory_space<hbm>>) dst(%arg5 : memref<128xi32, #tpu.memory_space<vmem>>)
        tpu.yield
      }) : () -> ()
      "tpu.region"() ({
        %run_scoped3A = tpu.sem_alloc : memref<!tpu.dma_semaphore, #tpu.memory_space<semaphore_mem>>
        %dma_start3A = arith.constant 0 : i32
        %dma_start3A_52 = arith.constant 0 : i32
        %dma_start3A_53 = tpu.memref_slice %arg4[%dma_start3A, %dma_start3A_52] : memref<10240x128xf32, #tpu.memory_space<vmem_shared>> -> memref<10240x128xf32, #tpu.memory_space<vmem_shared>>
        tpu.enqueue_indirect_dma source(%arg6 : memref<128x128xf32, #tpu.memory_space<vmem>>) target(%dma_start3A_53 : memref<10240x128xf32, #tpu.memory_space<vmem_shared>>) offsets(%arg5 : memref<128xi32, #tpu.memory_space<vmem>>) semaphore(%run_scoped3A : memref<!tpu.dma_semaphore, #tpu.memory_space<semaphore_mem>>) {add = true}
        %dma_wait3A = arith.constant 0 : i32
        %dma_wait3A_54 = arith.constant 0 : i32
        %dma_wait3A_55 = tpu.memref_slice %arg4[%dma_wait3A, %dma_wait3A_54] : memref<10240x128xf32, #tpu.memory_space<vmem_shared>> -> memref<10240x128xf32, #tpu.memory_space<vmem_shared>>
        tpu.wait_indirect_dma semaphore(%run_scoped3A : memref<!tpu.dma_semaphore, #tpu.memory_space<semaphore_mem>>) src(%arg6 : memref<128x128xf32, #tpu.memory_space<vmem>>) dst(%dma_wait3A_55 : memref<10240x128xf32, #tpu.memory_space<vmem_shared>>)
        tpu.yield
      }) : () -> ()
      %scan3A_51 = arith.constant 0 : i32
      scf.yield %scan3A_51 : i32
    }
    %scan3A_34 = arith.constant 40 : i32
    %barrier3A_35 = arith.constant 0 : index
    tpu.barrier barrier_id(%barrier3A_35)
    %mul3A_36 = arith.constant 10240 : i32
    %mul3A_37 = arith.muli %arg0, %mul3A_36 : i32
    %add3A_38 = arith.addi %mul3A_37, %mul3A_18 : i32
    %scan3A_39 = arith.constant 0 : i32
    %scan3A_40 = arith.constant 0 : i32
    %scan3A_41 = arith.constant 20 : i32
    %scan3A_42 = arith.addi %scan3A_40, %scan3A_41 : i32
    %scan3A_43 = arith.constant 1 : i32
    %scan3A_44 = scf.for %scan3A_46 = %scan3A_40 to %scan3A_42 step %scan3A_43 iter_args(%scan3A_47 = %scan3A_39) -> (i32)  : i32 {
      %mul3A_48 = arith.constant 32 : i32
      %mul3A_49 = arith.muli %scan3A_46, %mul3A_48 : i32
      %add3A_50 = arith.addi %mul3A_18, %mul3A_49 : i32
      "tpu.region"() ({
        %run_scoped3A = tpu.sem_alloc : memref<!tpu.dma_semaphore, #tpu.memory_space<semaphore_mem>>
        %dma_start3A = arith.constant 0 : i32
        %dma_start3A_55 = tpu.memref_slice %arg4[%add3A_50, %dma_start3A] : memref<10240x128xf32, #tpu.memory_space<vmem_shared>> -> memref<32x128xf32, #tpu.memory_space<vmem_shared>>
        %dma_start3A_56 = arith.constant 0 : i32
        %dma_start3A_57 = tpu.memref_slice %arg4[%add3A_50, %dma_start3A_56] : memref<10240x128xf32, #tpu.memory_space<vmem_shared>> -> memref<32x128xf32, #tpu.memory_space<vmem_shared>>
        tpu.enqueue_dma source(%dma_start3A_57 : memref<32x128xf32, #tpu.memory_space<vmem_shared>>) target(%arg7 : memref<32x128xf32, #tpu.memory_space<vmem>>) target_semaphore(%run_scoped3A : memref<!tpu.dma_semaphore, #tpu.memory_space<semaphore_mem>>)
        %dma_wait3A = arith.constant 0 : i32
        %dma_wait3A_58 = tpu.memref_slice %arg4[%add3A_50, %dma_wait3A] : memref<10240x128xf32, #tpu.memory_space<vmem_shared>> -> memref<32x128xf32, #tpu.memory_space<vmem_shared>>
        %dma_wait3A_59 = arith.constant 0 : i32
        %dma_wait3A_60 = tpu.memref_slice %arg4[%add3A_50, %dma_wait3A_59] : memref<10240x128xf32, #tpu.memory_space<vmem_shared>> -> memref<32x128xf32, #tpu.memory_space<vmem_shared>>
        tpu.wait_dma2 semaphore(%run_scoped3A : memref<!tpu.dma_semaphore, #tpu.memory_space<semaphore_mem>>) src(%dma_wait3A_60 : memref<32x128xf32, #tpu.memory_space<vmem_shared>>) dst(%arg7 : memref<32x128xf32, #tpu.memory_space<vmem>>)
        tpu.yield
      }) : () -> ()
      %mul3A_51 = arith.constant 32 : i32
      %mul3A_52 = arith.muli %scan3A_46, %mul3A_51 : i32
      %add3A_53 = arith.addi %add3A_38, %mul3A_52 : i32
      "tpu.region"() ({
        %run_scoped3A = tpu.sem_alloc : memref<!tpu.dma_semaphore, #tpu.memory_space<semaphore_mem>>
        %dma_start3A = arith.constant 0 : i32
        %dma_start3A_55 = tpu.memref_slice %arg3[%add3A_53, %dma_start3A] : memref<20480x128xf32, #tpu.memory_space<hbm>> -> memref<32x128xf32, #tpu.memory_space<hbm>>
        %dma_start3A_56 = arith.constant 0 : i32
        %dma_start3A_57 = tpu.memref_slice %arg3[%add3A_53, %dma_start3A_56] : memref<20480x128xf32, #tpu.memory_space<hbm>> -> memref<32x128xf32, #tpu.memory_space<hbm>>
        tpu.enqueue_dma source(%arg7 : memref<32x128xf32, #tpu.memory_space<vmem>>) target(%dma_start3A_57 : memref<32x128xf32, #tpu.memory_space<hbm>>) target_semaphore(%run_scoped3A : memref<!tpu.dma_semaphore, #tpu.memory_space<semaphore_mem>>)
        %dma_wait3A = arith.constant 0 : i32
        %dma_wait3A_58 = tpu.memref_slice %arg3[%add3A_53, %dma_wait3A] : memref<20480x128xf32, #tpu.memory_space<hbm>> -> memref<32x128xf32, #tpu.memory_space<hbm>>
        %dma_wait3A_59 = arith.constant 0 : i32
        %dma_wait3A_60 = tpu.memref_slice %arg3[%add3A_53, %dma_wait3A_59] : memref<20480x128xf32, #tpu.memory_space<hbm>> -> memref<32x128xf32, #tpu.memory_space<hbm>>
        tpu.wait_dma2 semaphore(%run_scoped3A : memref<!tpu.dma_semaphore, #tpu.memory_space<semaphore_mem>>) src(%arg7 : memref<32x128xf32, #tpu.memory_space<vmem>>) dst(%dma_wait3A_60 : memref<32x128xf32, #tpu.memory_space<hbm>>)
        tpu.yield
      }) : () -> ()
      %scan3A_54 = arith.constant 0 : i32
      scf.yield %scan3A_54 : i32
    }
    %scan3A_45 = arith.constant 20 : i32
    return
  }
}

#map = affine_map<(d0, d1) -> (0, 0)>
#map1 = affine_map<(d0, d1) -> (0)>
module attributes {stable_mosaic.version = 14 : i64} {
  func.func @_sc_agg_body(%arg0: i32, %arg1: i32, %arg2: memref<160000x128xf32, #tpu.memory_space<hbm>>, %arg3: memref<163840xi32, #tpu.memory_space<hbm>>, %arg4: memref<163840xi32, #tpu.memory_space<hbm>>, %arg5: memref<20480x128xf32, #tpu.memory_space<hbm>>, %arg6: memref<10240x128xf32, #tpu.memory_space<vmem_shared>>, %arg7: memref<80xi32, #tpu.memory_space<vmem>>, %arg8: memref<80xi32, #tpu.memory_space<vmem>>, %arg9: memref<80xi32, #tpu.memory_space<vmem>>, %arg10: memref<80xi32, #tpu.memory_space<vmem>>, %arg11: memref<80x128xf32, #tpu.memory_space<vmem>>, %arg12: memref<80x128xf32, #tpu.memory_space<vmem>>, %arg13: memref<32x128xf32, #tpu.memory_space<vmem>>, %arg14: memref<!tpu.dma_semaphore, #tpu.memory_space<semaphore_mem>>, %arg15: memref<!tpu.dma_semaphore, #tpu.memory_space<semaphore_mem>>, %arg16: memref<!tpu.dma_semaphore, #tpu.memory_space<semaphore_mem>>, %arg17: memref<!tpu.dma_semaphore, #tpu.memory_space<semaphore_mem>>, %arg18: memref<!tpu.dma_semaphore, #tpu.memory_space<semaphore_mem>>, %arg19: memref<!tpu.dma_semaphore, #tpu.memory_space<semaphore_mem>>) attributes {dimension_semantics = [#tpu.dimension_semantics<core_parallel>, #tpu.dimension_semantics<subcore_parallel>], iteration_bounds = array<i64: 2, 16>, scalar_prefetch = 0 : i64, scratch_operands = 14 : i64, tpu.core_type = #tpu.core_type<sc_vector_subcore>, window_params = [{transform_indices = #map}, {transform_indices = #map1}, {transform_indices = #map1}, {transform_indices = #map}]} {
    %mul3A = arith.constant 2 : i32
    %mul3A_0 = arith.muli %arg1, %mul3A : i32
    %add3A = arith.addi %mul3A_0, %arg0 : i32
    %broadcast_in_dim3A = arith.constant 0.000000e+00 : f32
    %broadcast_in_dim3A_1 = vector.broadcast %broadcast_in_dim3A : f32 to vector<16xf32>
    %scan3A = arith.constant 0 : i32
    %scan3A_2 = arith.constant 0 : i32
    %scan3A_3 = arith.constant 32 : i32
    %scan3A_4 = arith.addi %scan3A_2, %scan3A_3 : i32
    %scan3A_5 = arith.constant 1 : i32
    %scan3A_6 = scf.for %scan3A_79 = %scan3A_2 to %scan3A_4 step %scan3A_5 iter_args(%scan3A_80 = %scan3A) -> (i32)  : i32 {
      %swap3A = arith.index_cast %scan3A_79 : i32 to index
      %swap3A_81 = arith.constant 0 : index
      %swap3A_82 = tpu.vector_load %arg13[%swap3A, %swap3A_81] {strides = array<i32>} : memref<32x128xf32, #tpu.memory_space<vmem>>, vector<1x16xf32>,
      %swap3A_83 = vector.shape_cast %swap3A_82 : vector<1x16xf32> to vector<16xf32>
      %swap3A_84 = vector.shape_cast %broadcast_in_dim3A_1 : vector<16xf32> to vector<1x16xf32>
      tpu.vector_store %arg13[%swap3A, %swap3A_81], %swap3A_84 {strides = array<i32>} : memref<32x128xf32, #tpu.memory_space<vmem>>, vector<1x16xf32>,
      %swap3A_85 = arith.index_cast %scan3A_79 : i32 to index
      %swap3A_86 = arith.constant 16 : index
      %swap3A_87 = tpu.vector_load %arg13[%swap3A_85, %swap3A_86] {strides = array<i32>} : memref<32x128xf32, #tpu.memory_space<vmem>>, vector<1x16xf32>,
      %swap3A_88 = vector.shape_cast %swap3A_87 : vector<1x16xf32> to vector<16xf32>
      %swap3A_89 = vector.shape_cast %broadcast_in_dim3A_1 : vector<16xf32> to vector<1x16xf32>
      tpu.vector_store %arg13[%swap3A_85, %swap3A_86], %swap3A_89 {strides = array<i32>} : memref<32x128xf32, #tpu.memory_space<vmem>>, vector<1x16xf32>,
      %swap3A_90 = arith.index_cast %scan3A_79 : i32 to index
      %swap3A_91 = arith.constant 32 : index
      %swap3A_92 = tpu.vector_load %arg13[%swap3A_90, %swap3A_91] {strides = array<i32>} : memref<32x128xf32, #tpu.memory_space<vmem>>, vector<1x16xf32>,
      %swap3A_93 = vector.shape_cast %swap3A_92 : vector<1x16xf32> to vector<16xf32>
      %swap3A_94 = vector.shape_cast %broadcast_in_dim3A_1 : vector<16xf32> to vector<1x16xf32>
      tpu.vector_store %arg13[%swap3A_90, %swap3A_91], %swap3A_94 {strides = array<i32>} : memref<32x128xf32, #tpu.memory_space<vmem>>, vector<1x16xf32>,
      %swap3A_95 = arith.index_cast %scan3A_79 : i32 to index
      %swap3A_96 = arith.constant 48 : index
      %swap3A_97 = tpu.vector_load %arg13[%swap3A_95, %swap3A_96] {strides = array<i32>} : memref<32x128xf32, #tpu.memory_space<vmem>>, vector<1x16xf32>,
      %swap3A_98 = vector.shape_cast %swap3A_97 : vector<1x16xf32> to vector<16xf32>
      %swap3A_99 = vector.shape_cast %broadcast_in_dim3A_1 : vector<16xf32> to vector<1x16xf32>
      tpu.vector_store %arg13[%swap3A_95, %swap3A_96], %swap3A_99 {strides = array<i32>} : memref<32x128xf32, #tpu.memory_space<vmem>>, vector<1x16xf32>,
      %swap3A_100 = arith.index_cast %scan3A_79 : i32 to index
      %swap3A_101 = arith.constant 64 : index
      %swap3A_102 = tpu.vector_load %arg13[%swap3A_100, %swap3A_101] {strides = array<i32>} : memref<32x128xf32, #tpu.memory_space<vmem>>, vector<1x16xf32>,
      %swap3A_103 = vector.shape_cast %swap3A_102 : vector<1x16xf32> to vector<16xf32>
      %swap3A_104 = vector.shape_cast %broadcast_in_dim3A_1 : vector<16xf32> to vector<1x16xf32>
      tpu.vector_store %arg13[%swap3A_100, %swap3A_101], %swap3A_104 {strides = array<i32>} : memref<32x128xf32, #tpu.memory_space<vmem>>, vector<1x16xf32>,
      %swap3A_105 = arith.index_cast %scan3A_79 : i32 to index
      %swap3A_106 = arith.constant 80 : index
      %swap3A_107 = tpu.vector_load %arg13[%swap3A_105, %swap3A_106] {strides = array<i32>} : memref<32x128xf32, #tpu.memory_space<vmem>>, vector<1x16xf32>,
      %swap3A_108 = vector.shape_cast %swap3A_107 : vector<1x16xf32> to vector<16xf32>
      %swap3A_109 = vector.shape_cast %broadcast_in_dim3A_1 : vector<16xf32> to vector<1x16xf32>
      tpu.vector_store %arg13[%swap3A_105, %swap3A_106], %swap3A_109 {strides = array<i32>} : memref<32x128xf32, #tpu.memory_space<vmem>>, vector<1x16xf32>,
      %swap3A_110 = arith.index_cast %scan3A_79 : i32 to index
      %swap3A_111 = arith.constant 96 : index
      %swap3A_112 = tpu.vector_load %arg13[%swap3A_110, %swap3A_111] {strides = array<i32>} : memref<32x128xf32, #tpu.memory_space<vmem>>, vector<1x16xf32>,
      %swap3A_113 = vector.shape_cast %swap3A_112 : vector<1x16xf32> to vector<16xf32>
      %swap3A_114 = vector.shape_cast %broadcast_in_dim3A_1 : vector<16xf32> to vector<1x16xf32>
      tpu.vector_store %arg13[%swap3A_110, %swap3A_111], %swap3A_114 {strides = array<i32>} : memref<32x128xf32, #tpu.memory_space<vmem>>, vector<1x16xf32>,
      %swap3A_115 = arith.index_cast %scan3A_79 : i32 to index
      %swap3A_116 = arith.constant 112 : index
      %swap3A_117 = tpu.vector_load %arg13[%swap3A_115, %swap3A_116] {strides = array<i32>} : memref<32x128xf32, #tpu.memory_space<vmem>>, vector<1x16xf32>,
      %swap3A_118 = vector.shape_cast %swap3A_117 : vector<1x16xf32> to vector<16xf32>
      %swap3A_119 = vector.shape_cast %broadcast_in_dim3A_1 : vector<16xf32> to vector<1x16xf32>
      tpu.vector_store %arg13[%swap3A_115, %swap3A_116], %swap3A_119 {strides = array<i32>} : memref<32x128xf32, #tpu.memory_space<vmem>>, vector<1x16xf32>,
      %scan3A_120 = arith.constant 0 : i32
      scf.yield %scan3A_120 : i32
    }
    %scan3A_7 = arith.constant 32 : i32
    %mul3A_8 = arith.constant 640 : i32
    %mul3A_9 = arith.muli %arg1, %mul3A_8 : i32
    %scan3A_10 = arith.constant 0 : i32
    %scan3A_11 = arith.constant 0 : i32
    %scan3A_12 = arith.constant 20 : i32
    %scan3A_13 = arith.addi %scan3A_11, %scan3A_12 : i32
    %scan3A_14 = arith.constant 1 : i32
    %scan3A_15 = scf.for %scan3A_79 = %scan3A_11 to %scan3A_13 step %scan3A_14 iter_args(%scan3A_80 = %scan3A_10) -> (i32)  : i32 {
      %mul3A_81 = arith.constant 32 : i32
      %mul3A_82 = arith.muli %scan3A_79, %mul3A_81 : i32
      %add3A_83 = arith.addi %mul3A_9, %mul3A_82 : i32
      "tpu.region"() ({
        %run_scoped3A = tpu.sem_alloc : memref<!tpu.dma_semaphore, #tpu.memory_space<semaphore_mem>>
        %dma_start3A_85 = arith.constant 0 : i32
        %dma_start3A_86 = tpu.memref_slice %arg6[%add3A_83, %dma_start3A_85] : memref<10240x128xf32, #tpu.memory_space<vmem_shared>> -> memref<32x128xf32, #tpu.memory_space<vmem_shared>>
        %dma_start3A_87 = arith.constant 0 : i32
        %dma_start3A_88 = tpu.memref_slice %arg6[%add3A_83, %dma_start3A_87] : memref<10240x128xf32, #tpu.memory_space<vmem_shared>> -> memref<32x128xf32, #tpu.memory_space<vmem_shared>>
        tpu.enqueue_dma source(%arg13 : memref<32x128xf32, #tpu.memory_space<vmem>>) target(%dma_start3A_88 : memref<32x128xf32, #tpu.memory_space<vmem_shared>>) target_semaphore(%run_scoped3A : memref<!tpu.dma_semaphore, #tpu.memory_space<semaphore_mem>>)
        %dma_wait3A_89 = arith.constant 0 : i32
        %dma_wait3A_90 = tpu.memref_slice %arg6[%add3A_83, %dma_wait3A_89] : memref<10240x128xf32, #tpu.memory_space<vmem_shared>> -> memref<32x128xf32, #tpu.memory_space<vmem_shared>>
        %dma_wait3A_91 = arith.constant 0 : i32
        %dma_wait3A_92 = tpu.memref_slice %arg6[%add3A_83, %dma_wait3A_91] : memref<10240x128xf32, #tpu.memory_space<vmem_shared>> -> memref<32x128xf32, #tpu.memory_space<vmem_shared>>
        tpu.wait_dma2 semaphore(%run_scoped3A : memref<!tpu.dma_semaphore, #tpu.memory_space<semaphore_mem>>) src(%arg13 : memref<32x128xf32, #tpu.memory_space<vmem>>) dst(%dma_wait3A_92 : memref<32x128xf32, #tpu.memory_space<vmem_shared>>)
        tpu.yield
      }) : () -> ()
      %scan3A_84 = arith.constant 0 : i32
      scf.yield %scan3A_84 : i32
    }
    %scan3A_16 = arith.constant 20 : i32
    %barrier3A = arith.constant 0 : index
    tpu.barrier barrier_id(%barrier3A)
    %mul3A_17 = arith.constant 5120 : i32
    %mul3A_18 = arith.muli %add3A, %mul3A_17 : i32
    %add3A_19 = arith.constant 0 : i32
    %add3A_20 = arith.addi %mul3A_18, %add3A_19 : i32
    %dma_start3A = tpu.memref_slice %arg3[%add3A_20] : memref<163840xi32, #tpu.memory_space<hbm>> -> memref<80xi32, #tpu.memory_space<hbm>>
    %dma_start3A_21 = tpu.memref_slice %arg3[%add3A_20] : memref<163840xi32, #tpu.memory_space<hbm>> -> memref<80xi32, #tpu.memory_space<hbm>>
    tpu.enqueue_dma source(%dma_start3A_21 : memref<80xi32, #tpu.memory_space<hbm>>) target(%arg7 : memref<80xi32, #tpu.memory_space<vmem>>) target_semaphore(%arg14 : memref<!tpu.dma_semaphore, #tpu.memory_space<semaphore_mem>>)
    %dma_start3A_22 = tpu.memref_slice %arg4[%add3A_20] : memref<163840xi32, #tpu.memory_space<hbm>> -> memref<80xi32, #tpu.memory_space<hbm>>
    %dma_start3A_23 = tpu.memref_slice %arg4[%add3A_20] : memref<163840xi32, #tpu.memory_space<hbm>> -> memref<80xi32, #tpu.memory_space<hbm>>
    tpu.enqueue_dma source(%dma_start3A_23 : memref<80xi32, #tpu.memory_space<hbm>>) target(%arg9 : memref<80xi32, #tpu.memory_space<vmem>>) target_semaphore(%arg14 : memref<!tpu.dma_semaphore, #tpu.memory_space<semaphore_mem>>)
    %dma_wait3A = tpu.memref_slice %arg3[%add3A_20] : memref<163840xi32, #tpu.memory_space<hbm>> -> memref<80xi32, #tpu.memory_space<hbm>>
    %dma_wait3A_24 = tpu.memref_slice %arg3[%add3A_20] : memref<163840xi32, #tpu.memory_space<hbm>> -> memref<80xi32, #tpu.memory_space<hbm>>
    tpu.wait_dma2 semaphore(%arg14 : memref<!tpu.dma_semaphore, #tpu.memory_space<semaphore_mem>>) src(%dma_wait3A_24 : memref<80xi32, #tpu.memory_space<hbm>>) dst(%arg7 : memref<80xi32, #tpu.memory_space<vmem>>)
    %dma_wait3A_25 = tpu.memref_slice %arg4[%add3A_20] : memref<163840xi32, #tpu.memory_space<hbm>> -> memref<80xi32, #tpu.memory_space<hbm>>
    %dma_wait3A_26 = tpu.memref_slice %arg4[%add3A_20] : memref<163840xi32, #tpu.memory_space<hbm>> -> memref<80xi32, #tpu.memory_space<hbm>>
    tpu.wait_dma2 semaphore(%arg14 : memref<!tpu.dma_semaphore, #tpu.memory_space<semaphore_mem>>) src(%dma_wait3A_26 : memref<80xi32, #tpu.memory_space<hbm>>) dst(%arg9 : memref<80xi32, #tpu.memory_space<vmem>>)
    %dma_start3A_27 = arith.constant 0 : i32
    %dma_start3A_28 = arith.constant 0 : i32
    %dma_start3A_29 = tpu.memref_slice %arg2[%dma_start3A_27, %dma_start3A_28] : memref<160000x128xf32, #tpu.memory_space<hbm>> -> memref<160000x128xf32, #tpu.memory_space<hbm>>
    tpu.enqueue_indirect_dma source(%dma_start3A_29 : memref<160000x128xf32, #tpu.memory_space<hbm>>) target(%arg11 : memref<80x128xf32, #tpu.memory_space<vmem>>) offsets(%arg7 : memref<80xi32, #tpu.memory_space<vmem>>) semaphore(%arg16 : memref<!tpu.dma_semaphore, #tpu.memory_space<semaphore_mem>>)
    %add3A_30 = arith.constant 80 : i32
    %add3A_31 = arith.addi %mul3A_18, %add3A_30 : i32
    %dma_start3A_32 = tpu.memref_slice %arg3[%add3A_31] : memref<163840xi32, #tpu.memory_space<hbm>> -> memref<80xi32, #tpu.memory_space<hbm>>
    %dma_start3A_33 = tpu.memref_slice %arg3[%add3A_31] : memref<163840xi32, #tpu.memory_space<hbm>> -> memref<80xi32, #tpu.memory_space<hbm>>
    tpu.enqueue_dma source(%dma_start3A_33 : memref<80xi32, #tpu.memory_space<hbm>>) target(%arg8 : memref<80xi32, #tpu.memory_space<vmem>>) target_semaphore(%arg15 : memref<!tpu.dma_semaphore, #tpu.memory_space<semaphore_mem>>)
    %dma_start3A_34 = tpu.memref_slice %arg4[%add3A_31] : memref<163840xi32, #tpu.memory_space<hbm>> -> memref<80xi32, #tpu.memory_space<hbm>>
    %dma_start3A_35 = tpu.memref_slice %arg4[%add3A_31] : memref<163840xi32, #tpu.memory_space<hbm>> -> memref<80xi32, #tpu.memory_space<hbm>>
    tpu.enqueue_dma source(%dma_start3A_35 : memref<80xi32, #tpu.memory_space<hbm>>) target(%arg10 : memref<80xi32, #tpu.memory_space<vmem>>) target_semaphore(%arg15 : memref<!tpu.dma_semaphore, #tpu.memory_space<semaphore_mem>>)
    %dma_wait3A_36 = tpu.memref_slice %arg3[%add3A_31] : memref<163840xi32, #tpu.memory_space<hbm>> -> memref<80xi32, #tpu.memory_space<hbm>>
    %dma_wait3A_37 = tpu.memref_slice %arg3[%add3A_31] : memref<163840xi32, #tpu.memory_space<hbm>> -> memref<80xi32, #tpu.memory_space<hbm>>
    tpu.wait_dma2 semaphore(%arg15 : memref<!tpu.dma_semaphore, #tpu.memory_space<semaphore_mem>>) src(%dma_wait3A_37 : memref<80xi32, #tpu.memory_space<hbm>>) dst(%arg8 : memref<80xi32, #tpu.memory_space<vmem>>)
    %dma_wait3A_38 = tpu.memref_slice %arg4[%add3A_31] : memref<163840xi32, #tpu.memory_space<hbm>> -> memref<80xi32, #tpu.memory_space<hbm>>
    %dma_wait3A_39 = tpu.memref_slice %arg4[%add3A_31] : memref<163840xi32, #tpu.memory_space<hbm>> -> memref<80xi32, #tpu.memory_space<hbm>>
    tpu.wait_dma2 semaphore(%arg15 : memref<!tpu.dma_semaphore, #tpu.memory_space<semaphore_mem>>) src(%dma_wait3A_39 : memref<80xi32, #tpu.memory_space<hbm>>) dst(%arg10 : memref<80xi32, #tpu.memory_space<vmem>>)
    %dma_start3A_40 = arith.constant 0 : i32
    %dma_start3A_41 = arith.constant 0 : i32
    %dma_start3A_42 = tpu.memref_slice %arg2[%dma_start3A_40, %dma_start3A_41] : memref<160000x128xf32, #tpu.memory_space<hbm>> -> memref<160000x128xf32, #tpu.memory_space<hbm>>
    tpu.enqueue_indirect_dma source(%dma_start3A_42 : memref<160000x128xf32, #tpu.memory_space<hbm>>) target(%arg12 : memref<80x128xf32, #tpu.memory_space<vmem>>) offsets(%arg8 : memref<80xi32, #tpu.memory_space<vmem>>) semaphore(%arg17 : memref<!tpu.dma_semaphore, #tpu.memory_space<semaphore_mem>>)
    %scan3A_43 = arith.constant 0 : i32
    %scan3A_44 = arith.constant 0 : i32
    %scan3A_45 = arith.constant 31 : i32
    %scan3A_46 = arith.addi %scan3A_44, %scan3A_45 : i32
    %scan3A_47 = arith.constant 1 : i32
    %scan3A_48 = scf.for %scan3A_79 = %scan3A_44 to %scan3A_46 step %scan3A_47 iter_args(%scan3A_80 = %scan3A_43) -> (i32)  : i32 {
      %dma_wait3A_81 = arith.constant 0 : i32
      %dma_wait3A_82 = arith.constant 0 : i32
      %dma_wait3A_83 = tpu.memref_slice %arg2[%dma_wait3A_81, %dma_wait3A_82] : memref<160000x128xf32, #tpu.memory_space<hbm>> -> memref<160000x128xf32, #tpu.memory_space<hbm>>
      tpu.wait_indirect_dma semaphore(%arg16 : memref<!tpu.dma_semaphore, #tpu.memory_space<semaphore_mem>>) src(%dma_wait3A_83 : memref<160000x128xf32, #tpu.memory_space<hbm>>) dst(%arg11 : memref<80x128xf32, #tpu.memory_space<vmem>>)
      %dma_start3A_84 = arith.constant 0 : i32
      %dma_start3A_85 = arith.constant 0 : i32
      %dma_start3A_86 = tpu.memref_slice %arg6[%dma_start3A_84, %dma_start3A_85] : memref<10240x128xf32, #tpu.memory_space<vmem_shared>> -> memref<10240x128xf32, #tpu.memory_space<vmem_shared>>
      tpu.enqueue_indirect_dma source(%arg11 : memref<80x128xf32, #tpu.memory_space<vmem>>) target(%dma_start3A_86 : memref<10240x128xf32, #tpu.memory_space<vmem_shared>>) offsets(%arg9 : memref<80xi32, #tpu.memory_space<vmem>>) semaphore(%arg18 : memref<!tpu.dma_semaphore, #tpu.memory_space<semaphore_mem>>) {add = true}
      %dma_wait3A_87 = arith.constant 0 : i32
      %dma_wait3A_88 = arith.constant 0 : i32
      %dma_wait3A_89 = tpu.memref_slice %arg2[%dma_wait3A_87, %dma_wait3A_88] : memref<160000x128xf32, #tpu.memory_space<hbm>> -> memref<160000x128xf32, #tpu.memory_space<hbm>>
      tpu.wait_indirect_dma semaphore(%arg17 : memref<!tpu.dma_semaphore, #tpu.memory_space<semaphore_mem>>) src(%dma_wait3A_89 : memref<160000x128xf32, #tpu.memory_space<hbm>>) dst(%arg12 : memref<80x128xf32, #tpu.memory_space<vmem>>)
      %dma_start3A_90 = arith.constant 0 : i32
      %dma_start3A_91 = arith.constant 0 : i32
      %dma_start3A_92 = tpu.memref_slice %arg6[%dma_start3A_90, %dma_start3A_91] : memref<10240x128xf32, #tpu.memory_space<vmem_shared>> -> memref<10240x128xf32, #tpu.memory_space<vmem_shared>>
      tpu.enqueue_indirect_dma source(%arg12 : memref<80x128xf32, #tpu.memory_space<vmem>>) target(%dma_start3A_92 : memref<10240x128xf32, #tpu.memory_space<vmem_shared>>) offsets(%arg10 : memref<80xi32, #tpu.memory_space<vmem>>) semaphore(%arg19 : memref<!tpu.dma_semaphore, #tpu.memory_space<semaphore_mem>>) {add = true}
      %dma_wait3A_93 = arith.constant 0 : i32
      %dma_wait3A_94 = arith.constant 0 : i32
      %dma_wait3A_95 = tpu.memref_slice %arg6[%dma_wait3A_93, %dma_wait3A_94] : memref<10240x128xf32, #tpu.memory_space<vmem_shared>> -> memref<10240x128xf32, #tpu.memory_space<vmem_shared>>
      tpu.wait_indirect_dma semaphore(%arg18 : memref<!tpu.dma_semaphore, #tpu.memory_space<semaphore_mem>>) src(%arg11 : memref<80x128xf32, #tpu.memory_space<vmem>>) dst(%dma_wait3A_95 : memref<10240x128xf32, #tpu.memory_space<vmem_shared>>)
      %mul3A_96 = arith.constant 2 : i32
      %mul3A_97 = arith.muli %mul3A_96, %scan3A_79 : i32
      %add3A_98 = arith.constant 2 : i32
      %add3A_99 = arith.addi %mul3A_97, %add3A_98 : i32
      %add3A_100 = arith.constant 0 : i32
      %add3A_101 = arith.addi %add3A_99, %add3A_100 : i32
      %mul3A_102 = arith.constant 80 : i32
      %mul3A_103 = arith.muli %add3A_101, %mul3A_102 : i32
      %add3A_104 = arith.addi %mul3A_18, %mul3A_103 : i32
      %dma_start3A_105 = tpu.memref_slice %arg3[%add3A_104] : memref<163840xi32, #tpu.memory_space<hbm>> -> memref<80xi32, #tpu.memory_space<hbm>>
      %dma_start3A_106 = tpu.memref_slice %arg3[%add3A_104] : memref<163840xi32, #tpu.memory_space<hbm>> -> memref<80xi32, #tpu.memory_space<hbm>>
      tpu.enqueue_dma source(%dma_start3A_106 : memref<80xi32, #tpu.memory_space<hbm>>) target(%arg7 : memref<80xi32, #tpu.memory_space<vmem>>) target_semaphore(%arg14 : memref<!tpu.dma_semaphore, #tpu.memory_space<semaphore_mem>>)
      %dma_start3A_107 = tpu.memref_slice %arg4[%add3A_104] : memref<163840xi32, #tpu.memory_space<hbm>> -> memref<80xi32, #tpu.memory_space<hbm>>
      %dma_start3A_108 = tpu.memref_slice %arg4[%add3A_104] : memref<163840xi32, #tpu.memory_space<hbm>> -> memref<80xi32, #tpu.memory_space<hbm>>
      tpu.enqueue_dma source(%dma_start3A_108 : memref<80xi32, #tpu.memory_space<hbm>>) target(%arg9 : memref<80xi32, #tpu.memory_space<vmem>>) target_semaphore(%arg14 : memref<!tpu.dma_semaphore, #tpu.memory_space<semaphore_mem>>)
      %dma_wait3A_109 = tpu.memref_slice %arg3[%add3A_104] : memref<163840xi32, #tpu.memory_space<hbm>> -> memref<80xi32, #tpu.memory_space<hbm>>
      %dma_wait3A_110 = tpu.memref_slice %arg3[%add3A_104] : memref<163840xi32, #tpu.memory_space<hbm>> -> memref<80xi32, #tpu.memory_space<hbm>>
      tpu.wait_dma2 semaphore(%arg14 : memref<!tpu.dma_semaphore, #tpu.memory_space<semaphore_mem>>) src(%dma_wait3A_110 : memref<80xi32, #tpu.memory_space<hbm>>) dst(%arg7 : memref<80xi32, #tpu.memory_space<vmem>>)
      %dma_wait3A_111 = tpu.memref_slice %arg4[%add3A_104] : memref<163840xi32, #tpu.memory_space<hbm>> -> memref<80xi32, #tpu.memory_space<hbm>>
      %dma_wait3A_112 = tpu.memref_slice %arg4[%add3A_104] : memref<163840xi32, #tpu.memory_space<hbm>> -> memref<80xi32, #tpu.memory_space<hbm>>
      tpu.wait_dma2 semaphore(%arg14 : memref<!tpu.dma_semaphore, #tpu.memory_space<semaphore_mem>>) src(%dma_wait3A_112 : memref<80xi32, #tpu.memory_space<hbm>>) dst(%arg9 : memref<80xi32, #tpu.memory_space<vmem>>)
      %dma_start3A_113 = arith.constant 0 : i32
      %dma_start3A_114 = arith.constant 0 : i32
      %dma_start3A_115 = tpu.memref_slice %arg2[%dma_start3A_113, %dma_start3A_114] : memref<160000x128xf32, #tpu.memory_space<hbm>> -> memref<160000x128xf32, #tpu.memory_space<hbm>>
      tpu.enqueue_indirect_dma source(%dma_start3A_115 : memref<160000x128xf32, #tpu.memory_space<hbm>>) target(%arg11 : memref<80x128xf32, #tpu.memory_space<vmem>>) offsets(%arg7 : memref<80xi32, #tpu.memory_space<vmem>>) semaphore(%arg16 : memref<!tpu.dma_semaphore, #tpu.memory_space<semaphore_mem>>)
      %dma_wait3A_116 = arith.constant 0 : i32
      %dma_wait3A_117 = arith.constant 0 : i32
      %dma_wait3A_118 = tpu.memref_slice %arg6[%dma_wait3A_116, %dma_wait3A_117] : memref<10240x128xf32, #tpu.memory_space<vmem_shared>> -> memref<10240x128xf32, #tpu.memory_space<vmem_shared>>
      tpu.wait_indirect_dma semaphore(%arg19 : memref<!tpu.dma_semaphore, #tpu.memory_space<semaphore_mem>>) src(%arg12 : memref<80x128xf32, #tpu.memory_space<vmem>>) dst(%dma_wait3A_118 : memref<10240x128xf32, #tpu.memory_space<vmem_shared>>)
      %mul3A_119 = arith.constant 2 : i32
      %mul3A_120 = arith.muli %mul3A_119, %scan3A_79 : i32
      %add3A_121 = arith.constant 2 : i32
      %add3A_122 = arith.addi %mul3A_120, %add3A_121 : i32
      %add3A_123 = arith.constant 1 : i32
      %add3A_124 = arith.addi %add3A_122, %add3A_123 : i32
      %mul3A_125 = arith.constant 80 : i32
      %mul3A_126 = arith.muli %add3A_124, %mul3A_125 : i32
      %add3A_127 = arith.addi %mul3A_18, %mul3A_126 : i32
      %dma_start3A_128 = tpu.memref_slice %arg3[%add3A_127] : memref<163840xi32, #tpu.memory_space<hbm>> -> memref<80xi32, #tpu.memory_space<hbm>>
      %dma_start3A_129 = tpu.memref_slice %arg3[%add3A_127] : memref<163840xi32, #tpu.memory_space<hbm>> -> memref<80xi32, #tpu.memory_space<hbm>>
      tpu.enqueue_dma source(%dma_start3A_129 : memref<80xi32, #tpu.memory_space<hbm>>) target(%arg8 : memref<80xi32, #tpu.memory_space<vmem>>) target_semaphore(%arg15 : memref<!tpu.dma_semaphore, #tpu.memory_space<semaphore_mem>>)
      %dma_start3A_130 = tpu.memref_slice %arg4[%add3A_127] : memref<163840xi32, #tpu.memory_space<hbm>> -> memref<80xi32, #tpu.memory_space<hbm>>
      %dma_start3A_131 = tpu.memref_slice %arg4[%add3A_127] : memref<163840xi32, #tpu.memory_space<hbm>> -> memref<80xi32, #tpu.memory_space<hbm>>
      tpu.enqueue_dma source(%dma_start3A_131 : memref<80xi32, #tpu.memory_space<hbm>>) target(%arg10 : memref<80xi32, #tpu.memory_space<vmem>>) target_semaphore(%arg15 : memref<!tpu.dma_semaphore, #tpu.memory_space<semaphore_mem>>)
      %dma_wait3A_132 = tpu.memref_slice %arg3[%add3A_127] : memref<163840xi32, #tpu.memory_space<hbm>> -> memref<80xi32, #tpu.memory_space<hbm>>
      %dma_wait3A_133 = tpu.memref_slice %arg3[%add3A_127] : memref<163840xi32, #tpu.memory_space<hbm>> -> memref<80xi32, #tpu.memory_space<hbm>>
      tpu.wait_dma2 semaphore(%arg15 : memref<!tpu.dma_semaphore, #tpu.memory_space<semaphore_mem>>) src(%dma_wait3A_133 : memref<80xi32, #tpu.memory_space<hbm>>) dst(%arg8 : memref<80xi32, #tpu.memory_space<vmem>>)
      %dma_wait3A_134 = tpu.memref_slice %arg4[%add3A_127] : memref<163840xi32, #tpu.memory_space<hbm>> -> memref<80xi32, #tpu.memory_space<hbm>>
      %dma_wait3A_135 = tpu.memref_slice %arg4[%add3A_127] : memref<163840xi32, #tpu.memory_space<hbm>> -> memref<80xi32, #tpu.memory_space<hbm>>
      tpu.wait_dma2 semaphore(%arg15 : memref<!tpu.dma_semaphore, #tpu.memory_space<semaphore_mem>>) src(%dma_wait3A_135 : memref<80xi32, #tpu.memory_space<hbm>>) dst(%arg10 : memref<80xi32, #tpu.memory_space<vmem>>)
      %dma_start3A_136 = arith.constant 0 : i32
      %dma_start3A_137 = arith.constant 0 : i32
      %dma_start3A_138 = tpu.memref_slice %arg2[%dma_start3A_136, %dma_start3A_137] : memref<160000x128xf32, #tpu.memory_space<hbm>> -> memref<160000x128xf32, #tpu.memory_space<hbm>>
      tpu.enqueue_indirect_dma source(%dma_start3A_138 : memref<160000x128xf32, #tpu.memory_space<hbm>>) target(%arg12 : memref<80x128xf32, #tpu.memory_space<vmem>>) offsets(%arg8 : memref<80xi32, #tpu.memory_space<vmem>>) semaphore(%arg17 : memref<!tpu.dma_semaphore, #tpu.memory_space<semaphore_mem>>)
      %scan3A_139 = arith.constant 0 : i32
      scf.yield %scan3A_139 : i32
    }
    %scan3A_49 = arith.constant 31 : i32
    %dma_wait3A_50 = arith.constant 0 : i32
    %dma_wait3A_51 = arith.constant 0 : i32
    %dma_wait3A_52 = tpu.memref_slice %arg2[%dma_wait3A_50, %dma_wait3A_51] : memref<160000x128xf32, #tpu.memory_space<hbm>> -> memref<160000x128xf32, #tpu.memory_space<hbm>>
    tpu.wait_indirect_dma semaphore(%arg16 : memref<!tpu.dma_semaphore, #tpu.memory_space<semaphore_mem>>) src(%dma_wait3A_52 : memref<160000x128xf32, #tpu.memory_space<hbm>>) dst(%arg11 : memref<80x128xf32, #tpu.memory_space<vmem>>)
    %dma_start3A_53 = arith.constant 0 : i32
    %dma_start3A_54 = arith.constant 0 : i32
    %dma_start3A_55 = tpu.memref_slice %arg6[%dma_start3A_53, %dma_start3A_54] : memref<10240x128xf32, #tpu.memory_space<vmem_shared>> -> memref<10240x128xf32, #tpu.memory_space<vmem_shared>>
    tpu.enqueue_indirect_dma source(%arg11 : memref<80x128xf32, #tpu.memory_space<vmem>>) target(%dma_start3A_55 : memref<10240x128xf32, #tpu.memory_space<vmem_shared>>) offsets(%arg9 : memref<80xi32, #tpu.memory_space<vmem>>) semaphore(%arg18 : memref<!tpu.dma_semaphore, #tpu.memory_space<semaphore_mem>>) {add = true}
    %dma_wait3A_56 = arith.constant 0 : i32
    %dma_wait3A_57 = arith.constant 0 : i32
    %dma_wait3A_58 = tpu.memref_slice %arg2[%dma_wait3A_56, %dma_wait3A_57] : memref<160000x128xf32, #tpu.memory_space<hbm>> -> memref<160000x128xf32, #tpu.memory_space<hbm>>
    tpu.wait_indirect_dma semaphore(%arg17 : memref<!tpu.dma_semaphore, #tpu.memory_space<semaphore_mem>>) src(%dma_wait3A_58 : memref<160000x128xf32, #tpu.memory_space<hbm>>) dst(%arg12 : memref<80x128xf32, #tpu.memory_space<vmem>>)
    %dma_start3A_59 = arith.constant 0 : i32
    %dma_start3A_60 = arith.constant 0 : i32
    %dma_start3A_61 = tpu.memref_slice %arg6[%dma_start3A_59, %dma_start3A_60] : memref<10240x128xf32, #tpu.memory_space<vmem_shared>> -> memref<10240x128xf32, #tpu.memory_space<vmem_shared>>
    tpu.enqueue_indirect_dma source(%arg12 : memref<80x128xf32, #tpu.memory_space<vmem>>) target(%dma_start3A_61 : memref<10240x128xf32, #tpu.memory_space<vmem_shared>>) offsets(%arg10 : memref<80xi32, #tpu.memory_space<vmem>>) semaphore(%arg19 : memref<!tpu.dma_semaphore, #tpu.memory_space<semaphore_mem>>) {add = true}
    %dma_wait3A_62 = arith.constant 0 : i32
    %dma_wait3A_63 = arith.constant 0 : i32
    %dma_wait3A_64 = tpu.memref_slice %arg6[%dma_wait3A_62, %dma_wait3A_63] : memref<10240x128xf32, #tpu.memory_space<vmem_shared>> -> memref<10240x128xf32, #tpu.memory_space<vmem_shared>>
    tpu.wait_indirect_dma semaphore(%arg18 : memref<!tpu.dma_semaphore, #tpu.memory_space<semaphore_mem>>) src(%arg11 : memref<80x128xf32, #tpu.memory_space<vmem>>) dst(%dma_wait3A_64 : memref<10240x128xf32, #tpu.memory_space<vmem_shared>>)
    %dma_wait3A_65 = arith.constant 0 : i32
    %dma_wait3A_66 = arith.constant 0 : i32
    %dma_wait3A_67 = tpu.memref_slice %arg6[%dma_wait3A_65, %dma_wait3A_66] : memref<10240x128xf32, #tpu.memory_space<vmem_shared>> -> memref<10240x128xf32, #tpu.memory_space<vmem_shared>>
    tpu.wait_indirect_dma semaphore(%arg19 : memref<!tpu.dma_semaphore, #tpu.memory_space<semaphore_mem>>) src(%arg12 : memref<80x128xf32, #tpu.memory_space<vmem>>) dst(%dma_wait3A_67 : memref<10240x128xf32, #tpu.memory_space<vmem_shared>>)
    %barrier3A_68 = arith.constant 0 : index
    tpu.barrier barrier_id(%barrier3A_68)
    %mul3A_69 = arith.constant 10240 : i32
    %mul3A_70 = arith.muli %arg0, %mul3A_69 : i32
    %add3A_71 = arith.addi %mul3A_70, %mul3A_9 : i32
    %scan3A_72 = arith.constant 0 : i32
    %scan3A_73 = arith.constant 0 : i32
    %scan3A_74 = arith.constant 20 : i32
    %scan3A_75 = arith.addi %scan3A_73, %scan3A_74 : i32
    %scan3A_76 = arith.constant 1 : i32
    %scan3A_77 = scf.for %scan3A_79 = %scan3A_73 to %scan3A_75 step %scan3A_76 iter_args(%scan3A_80 = %scan3A_72) -> (i32)  : i32 {
      %mul3A_81 = arith.constant 32 : i32
      %mul3A_82 = arith.muli %scan3A_79, %mul3A_81 : i32
      %add3A_83 = arith.addi %mul3A_9, %mul3A_82 : i32
      "tpu.region"() ({
        %run_scoped3A = tpu.sem_alloc : memref<!tpu.dma_semaphore, #tpu.memory_space<semaphore_mem>>
        %dma_start3A_88 = arith.constant 0 : i32
        %dma_start3A_89 = tpu.memref_slice %arg6[%add3A_83, %dma_start3A_88] : memref<10240x128xf32, #tpu.memory_space<vmem_shared>> -> memref<32x128xf32, #tpu.memory_space<vmem_shared>>
        %dma_start3A_90 = arith.constant 0 : i32
        %dma_start3A_91 = tpu.memref_slice %arg6[%add3A_83, %dma_start3A_90] : memref<10240x128xf32, #tpu.memory_space<vmem_shared>> -> memref<32x128xf32, #tpu.memory_space<vmem_shared>>
        tpu.enqueue_dma source(%dma_start3A_91 : memref<32x128xf32, #tpu.memory_space<vmem_shared>>) target(%arg13 : memref<32x128xf32, #tpu.memory_space<vmem>>) target_semaphore(%run_scoped3A : memref<!tpu.dma_semaphore, #tpu.memory_space<semaphore_mem>>)
        %dma_wait3A_92 = arith.constant 0 : i32
        %dma_wait3A_93 = tpu.memref_slice %arg6[%add3A_83, %dma_wait3A_92] : memref<10240x128xf32, #tpu.memory_space<vmem_shared>> -> memref<32x128xf32, #tpu.memory_space<vmem_shared>>
        %dma_wait3A_94 = arith.constant 0 : i32
        %dma_wait3A_95 = tpu.memref_slice %arg6[%add3A_83, %dma_wait3A_94] : memref<10240x128xf32, #tpu.memory_space<vmem_shared>> -> memref<32x128xf32, #tpu.memory_space<vmem_shared>>
        tpu.wait_dma2 semaphore(%run_scoped3A : memref<!tpu.dma_semaphore, #tpu.memory_space<semaphore_mem>>) src(%dma_wait3A_95 : memref<32x128xf32, #tpu.memory_space<vmem_shared>>) dst(%arg13 : memref<32x128xf32, #tpu.memory_space<vmem>>)
        tpu.yield
      }) : () -> ()
      %mul3A_84 = arith.constant 32 : i32
      %mul3A_85 = arith.muli %scan3A_79, %mul3A_84 : i32
      %add3A_86 = arith.addi %add3A_71, %mul3A_85 : i32
      "tpu.region"() ({
        %run_scoped3A = tpu.sem_alloc : memref<!tpu.dma_semaphore, #tpu.memory_space<semaphore_mem>>
        %dma_start3A_88 = arith.constant 0 : i32
        %dma_start3A_89 = tpu.memref_slice %arg5[%add3A_86, %dma_start3A_88] : memref<20480x128xf32, #tpu.memory_space<hbm>> -> memref<32x128xf32, #tpu.memory_space<hbm>>
        %dma_start3A_90 = arith.constant 0 : i32
        %dma_start3A_91 = tpu.memref_slice %arg5[%add3A_86, %dma_start3A_90] : memref<20480x128xf32, #tpu.memory_space<hbm>> -> memref<32x128xf32, #tpu.memory_space<hbm>>
        tpu.enqueue_dma source(%arg13 : memref<32x128xf32, #tpu.memory_space<vmem>>) target(%dma_start3A_91 : memref<32x128xf32, #tpu.memory_space<hbm>>) target_semaphore(%run_scoped3A : memref<!tpu.dma_semaphore, #tpu.memory_space<semaphore_mem>>)
        %dma_wait3A_92 = arith.constant 0 : i32
        %dma_wait3A_93 = tpu.memref_slice %arg5[%add3A_86, %dma_wait3A_92] : memref<20480x128xf32, #tpu.memory_space<hbm>> -> memref<32x128xf32, #tpu.memory_space<hbm>>
        %dma_wait3A_94 = arith.constant 0 : i32
        %dma_wait3A_95 = tpu.memref_slice %arg5[%add3A_86, %dma_wait3A_94] : memref<20480x128xf32, #tpu.memory_space<hbm>> -> memref<32x128xf32, #tpu.memory_space<hbm>>
        tpu.wait_dma2 semaphore(%run_scoped3A : memref<!tpu.dma_semaphore, #tpu.memory_space<semaphore_mem>>) src(%arg13 : memref<32x128xf32, #tpu.memory_space<vmem>>) dst(%dma_wait3A_95 : memref<32x128xf32, #tpu.memory_space<hbm>>)
        tpu.yield
      }) : () -> ()
      %scan3A_87 = arith.constant 0 : i32
      scf.yield %scan3A_87 : i32
    }
    %scan3A_78 = arith.constant 20 : i32
    return
  }
}

#map = affine_map<(d0, d1) -> (0, 0)>
#map1 = affine_map<(d0, d1) -> (0)>
module attributes {stable_mosaic.version = 14 : i64} {
  func.func @_sc_agg_body(%arg0: i32, %arg1: i32, %arg2: memref<160000x128xf32, #tpu.memory_space<hbm>>, %arg3: memref<163840xi32, #tpu.memory_space<hbm>>, %arg4: memref<163840xi32, #tpu.memory_space<hbm>>, %arg5: memref<20480x128xf32, #tpu.memory_space<hbm>>, %arg6: memref<10240x128xf32, #tpu.memory_space<vmem_shared>>, %arg7: memref<80xi32, #tpu.memory_space<vmem>>, %arg8: memref<80xi32, #tpu.memory_space<vmem>>, %arg9: memref<80xi32, #tpu.memory_space<vmem>>, %arg10: memref<80xi32, #tpu.memory_space<vmem>>, %arg11: memref<80x128xf32, #tpu.memory_space<vmem>>, %arg12: memref<80x128xf32, #tpu.memory_space<vmem>>, %arg13: memref<32x128xf32, #tpu.memory_space<vmem>>, %arg14: memref<!tpu.dma_semaphore, #tpu.memory_space<semaphore_mem>>, %arg15: memref<!tpu.dma_semaphore, #tpu.memory_space<semaphore_mem>>, %arg16: memref<!tpu.dma_semaphore, #tpu.memory_space<semaphore_mem>>, %arg17: memref<!tpu.dma_semaphore, #tpu.memory_space<semaphore_mem>>, %arg18: memref<!tpu.dma_semaphore, #tpu.memory_space<semaphore_mem>>, %arg19: memref<!tpu.dma_semaphore, #tpu.memory_space<semaphore_mem>>) attributes {dimension_semantics = [#tpu.dimension_semantics<core_parallel>, #tpu.dimension_semantics<subcore_parallel>], iteration_bounds = array<i64: 2, 16>, scalar_prefetch = 0 : i64, scratch_operands = 14 : i64, tpu.core_type = #tpu.core_type<sc_vector_subcore>, window_params = [{transform_indices = #map}, {transform_indices = #map1}, {transform_indices = #map1}, {transform_indices = #map}]} {
    %mul3A = arith.constant 2 : i32
    %mul3A_0 = arith.muli %arg1, %mul3A : i32
    %add3A = arith.addi %mul3A_0, %arg0 : i32
    %broadcast_in_dim3A = arith.constant 0.000000e+00 : f32
    %broadcast_in_dim3A_1 = vector.broadcast %broadcast_in_dim3A : f32 to vector<16xf32>
    %scan3A = arith.constant 0 : i32
    %scan3A_2 = arith.constant 0 : i32
    %scan3A_3 = arith.constant 32 : i32
    %scan3A_4 = arith.addi %scan3A_2, %scan3A_3 : i32
    %scan3A_5 = arith.constant 1 : i32
    %scan3A_6 = scf.for %scan3A_79 = %scan3A_2 to %scan3A_4 step %scan3A_5 iter_args(%scan3A_80 = %scan3A) -> (i32)  : i32 {
      %swap3A = arith.index_cast %scan3A_79 : i32 to index
      %swap3A_81 = arith.constant 0 : index
      %swap3A_82 = tpu.vector_load %arg13[%swap3A, %swap3A_81] {strides = array<i32>} : memref<32x128xf32, #tpu.memory_space<vmem>>, vector<1x16xf32>,
      %swap3A_83 = vector.shape_cast %swap3A_82 : vector<1x16xf32> to vector<16xf32>
      %swap3A_84 = vector.shape_cast %broadcast_in_dim3A_1 : vector<16xf32> to vector<1x16xf32>
      tpu.vector_store %arg13[%swap3A, %swap3A_81], %swap3A_84 {strides = array<i32>} : memref<32x128xf32, #tpu.memory_space<vmem>>, vector<1x16xf32>,
      %swap3A_85 = arith.index_cast %scan3A_79 : i32 to index
      %swap3A_86 = arith.constant 16 : index
      %swap3A_87 = tpu.vector_load %arg13[%swap3A_85, %swap3A_86] {strides = array<i32>} : memref<32x128xf32, #tpu.memory_space<vmem>>, vector<1x16xf32>,
      %swap3A_88 = vector.shape_cast %swap3A_87 : vector<1x16xf32> to vector<16xf32>
      %swap3A_89 = vector.shape_cast %broadcast_in_dim3A_1 : vector<16xf32> to vector<1x16xf32>
      tpu.vector_store %arg13[%swap3A_85, %swap3A_86], %swap3A_89 {strides = array<i32>} : memref<32x128xf32, #tpu.memory_space<vmem>>, vector<1x16xf32>,
      %swap3A_90 = arith.index_cast %scan3A_79 : i32 to index
      %swap3A_91 = arith.constant 32 : index
      %swap3A_92 = tpu.vector_load %arg13[%swap3A_90, %swap3A_91] {strides = array<i32>} : memref<32x128xf32, #tpu.memory_space<vmem>>, vector<1x16xf32>,
      %swap3A_93 = vector.shape_cast %swap3A_92 : vector<1x16xf32> to vector<16xf32>
      %swap3A_94 = vector.shape_cast %broadcast_in_dim3A_1 : vector<16xf32> to vector<1x16xf32>
      tpu.vector_store %arg13[%swap3A_90, %swap3A_91], %swap3A_94 {strides = array<i32>} : memref<32x128xf32, #tpu.memory_space<vmem>>, vector<1x16xf32>,
      %swap3A_95 = arith.index_cast %scan3A_79 : i32 to index
      %swap3A_96 = arith.constant 48 : index
      %swap3A_97 = tpu.vector_load %arg13[%swap3A_95, %swap3A_96] {strides = array<i32>} : memref<32x128xf32, #tpu.memory_space<vmem>>, vector<1x16xf32>,
      %swap3A_98 = vector.shape_cast %swap3A_97 : vector<1x16xf32> to vector<16xf32>
      %swap3A_99 = vector.shape_cast %broadcast_in_dim3A_1 : vector<16xf32> to vector<1x16xf32>
      tpu.vector_store %arg13[%swap3A_95, %swap3A_96], %swap3A_99 {strides = array<i32>} : memref<32x128xf32, #tpu.memory_space<vmem>>, vector<1x16xf32>,
      %swap3A_100 = arith.index_cast %scan3A_79 : i32 to index
      %swap3A_101 = arith.constant 64 : index
      %swap3A_102 = tpu.vector_load %arg13[%swap3A_100, %swap3A_101] {strides = array<i32>} : memref<32x128xf32, #tpu.memory_space<vmem>>, vector<1x16xf32>,
      %swap3A_103 = vector.shape_cast %swap3A_102 : vector<1x16xf32> to vector<16xf32>
      %swap3A_104 = vector.shape_cast %broadcast_in_dim3A_1 : vector<16xf32> to vector<1x16xf32>
      tpu.vector_store %arg13[%swap3A_100, %swap3A_101], %swap3A_104 {strides = array<i32>} : memref<32x128xf32, #tpu.memory_space<vmem>>, vector<1x16xf32>,
      %swap3A_105 = arith.index_cast %scan3A_79 : i32 to index
      %swap3A_106 = arith.constant 80 : index
      %swap3A_107 = tpu.vector_load %arg13[%swap3A_105, %swap3A_106] {strides = array<i32>} : memref<32x128xf32, #tpu.memory_space<vmem>>, vector<1x16xf32>,
      %swap3A_108 = vector.shape_cast %swap3A_107 : vector<1x16xf32> to vector<16xf32>
      %swap3A_109 = vector.shape_cast %broadcast_in_dim3A_1 : vector<16xf32> to vector<1x16xf32>
      tpu.vector_store %arg13[%swap3A_105, %swap3A_106], %swap3A_109 {strides = array<i32>} : memref<32x128xf32, #tpu.memory_space<vmem>>, vector<1x16xf32>,
      %swap3A_110 = arith.index_cast %scan3A_79 : i32 to index
      %swap3A_111 = arith.constant 96 : index
      %swap3A_112 = tpu.vector_load %arg13[%swap3A_110, %swap3A_111] {strides = array<i32>} : memref<32x128xf32, #tpu.memory_space<vmem>>, vector<1x16xf32>,
      %swap3A_113 = vector.shape_cast %swap3A_112 : vector<1x16xf32> to vector<16xf32>
      %swap3A_114 = vector.shape_cast %broadcast_in_dim3A_1 : vector<16xf32> to vector<1x16xf32>
      tpu.vector_store %arg13[%swap3A_110, %swap3A_111], %swap3A_114 {strides = array<i32>} : memref<32x128xf32, #tpu.memory_space<vmem>>, vector<1x16xf32>,
      %swap3A_115 = arith.index_cast %scan3A_79 : i32 to index
      %swap3A_116 = arith.constant 112 : index
      %swap3A_117 = tpu.vector_load %arg13[%swap3A_115, %swap3A_116] {strides = array<i32>} : memref<32x128xf32, #tpu.memory_space<vmem>>, vector<1x16xf32>,
      %swap3A_118 = vector.shape_cast %swap3A_117 : vector<1x16xf32> to vector<16xf32>
      %swap3A_119 = vector.shape_cast %broadcast_in_dim3A_1 : vector<16xf32> to vector<1x16xf32>
      tpu.vector_store %arg13[%swap3A_115, %swap3A_116], %swap3A_119 {strides = array<i32>} : memref<32x128xf32, #tpu.memory_space<vmem>>, vector<1x16xf32>,
      %scan3A_120 = arith.constant 0 : i32
      scf.yield %scan3A_120 : i32
    }
    %scan3A_7 = arith.constant 32 : i32
    %mul3A_8 = arith.constant 640 : i32
    %mul3A_9 = arith.muli %arg1, %mul3A_8 : i32
    %scan3A_10 = arith.constant 0 : i32
    %scan3A_11 = arith.constant 0 : i32
    %scan3A_12 = arith.constant 20 : i32
    %scan3A_13 = arith.addi %scan3A_11, %scan3A_12 : i32
    %scan3A_14 = arith.constant 1 : i32
    %scan3A_15 = scf.for %scan3A_79 = %scan3A_11 to %scan3A_13 step %scan3A_14 iter_args(%scan3A_80 = %scan3A_10) -> (i32)  : i32 {
      %mul3A_81 = arith.constant 32 : i32
      %mul3A_82 = arith.muli %scan3A_79, %mul3A_81 : i32
      %add3A_83 = arith.addi %mul3A_9, %mul3A_82 : i32
      "tpu.region"() ({
        %run_scoped3A = tpu.sem_alloc : memref<!tpu.dma_semaphore, #tpu.memory_space<semaphore_mem>>
        %dma_start3A_85 = arith.constant 0 : i32
        %dma_start3A_86 = tpu.memref_slice %arg6[%add3A_83, %dma_start3A_85] : memref<10240x128xf32, #tpu.memory_space<vmem_shared>> -> memref<32x128xf32, #tpu.memory_space<vmem_shared>>
        %dma_start3A_87 = arith.constant 0 : i32
        %dma_start3A_88 = tpu.memref_slice %arg6[%add3A_83, %dma_start3A_87] : memref<10240x128xf32, #tpu.memory_space<vmem_shared>> -> memref<32x128xf32, #tpu.memory_space<vmem_shared>>
        tpu.enqueue_dma source(%arg13 : memref<32x128xf32, #tpu.memory_space<vmem>>) target(%dma_start3A_88 : memref<32x128xf32, #tpu.memory_space<vmem_shared>>) target_semaphore(%run_scoped3A : memref<!tpu.dma_semaphore, #tpu.memory_space<semaphore_mem>>)
        %dma_wait3A_89 = arith.constant 0 : i32
        %dma_wait3A_90 = tpu.memref_slice %arg6[%add3A_83, %dma_wait3A_89] : memref<10240x128xf32, #tpu.memory_space<vmem_shared>> -> memref<32x128xf32, #tpu.memory_space<vmem_shared>>
        %dma_wait3A_91 = arith.constant 0 : i32
        %dma_wait3A_92 = tpu.memref_slice %arg6[%add3A_83, %dma_wait3A_91] : memref<10240x128xf32, #tpu.memory_space<vmem_shared>> -> memref<32x128xf32, #tpu.memory_space<vmem_shared>>
        tpu.wait_dma2 semaphore(%run_scoped3A : memref<!tpu.dma_semaphore, #tpu.memory_space<semaphore_mem>>) src(%arg13 : memref<32x128xf32, #tpu.memory_space<vmem>>) dst(%dma_wait3A_92 : memref<32x128xf32, #tpu.memory_space<vmem_shared>>)
        tpu.yield
      }) : () -> ()
      %scan3A_84 = arith.constant 0 : i32
      scf.yield %scan3A_84 : i32
    }
    %scan3A_16 = arith.constant 20 : i32
    %barrier3A = arith.constant 0 : index
    tpu.barrier barrier_id(%barrier3A)
    %mul3A_17 = arith.constant 5120 : i32
    %mul3A_18 = arith.muli %add3A, %mul3A_17 : i32
    %add3A_19 = arith.constant 0 : i32
    %add3A_20 = arith.addi %mul3A_18, %add3A_19 : i32
    %dma_start3A = tpu.memref_slice %arg3[%add3A_20] : memref<163840xi32, #tpu.memory_space<hbm>> -> memref<80xi32, #tpu.memory_space<hbm>>
    %dma_start3A_21 = tpu.memref_slice %arg3[%add3A_20] : memref<163840xi32, #tpu.memory_space<hbm>> -> memref<80xi32, #tpu.memory_space<hbm>>
    tpu.enqueue_dma source(%dma_start3A_21 : memref<80xi32, #tpu.memory_space<hbm>>) target(%arg7 : memref<80xi32, #tpu.memory_space<vmem>>) target_semaphore(%arg14 : memref<!tpu.dma_semaphore, #tpu.memory_space<semaphore_mem>>)
    %dma_start3A_22 = tpu.memref_slice %arg4[%add3A_20] : memref<163840xi32, #tpu.memory_space<hbm>> -> memref<80xi32, #tpu.memory_space<hbm>>
    %dma_start3A_23 = tpu.memref_slice %arg4[%add3A_20] : memref<163840xi32, #tpu.memory_space<hbm>> -> memref<80xi32, #tpu.memory_space<hbm>>
    tpu.enqueue_dma source(%dma_start3A_23 : memref<80xi32, #tpu.memory_space<hbm>>) target(%arg9 : memref<80xi32, #tpu.memory_space<vmem>>) target_semaphore(%arg14 : memref<!tpu.dma_semaphore, #tpu.memory_space<semaphore_mem>>)
    %dma_wait3A = tpu.memref_slice %arg3[%add3A_20] : memref<163840xi32, #tpu.memory_space<hbm>> -> memref<80xi32, #tpu.memory_space<hbm>>
    %dma_wait3A_24 = tpu.memref_slice %arg3[%add3A_20] : memref<163840xi32, #tpu.memory_space<hbm>> -> memref<80xi32, #tpu.memory_space<hbm>>
    tpu.wait_dma2 semaphore(%arg14 : memref<!tpu.dma_semaphore, #tpu.memory_space<semaphore_mem>>) src(%dma_wait3A_24 : memref<80xi32, #tpu.memory_space<hbm>>) dst(%arg7 : memref<80xi32, #tpu.memory_space<vmem>>)
    %dma_wait3A_25 = tpu.memref_slice %arg4[%add3A_20] : memref<163840xi32, #tpu.memory_space<hbm>> -> memref<80xi32, #tpu.memory_space<hbm>>
    %dma_wait3A_26 = tpu.memref_slice %arg4[%add3A_20] : memref<163840xi32, #tpu.memory_space<hbm>> -> memref<80xi32, #tpu.memory_space<hbm>>
    tpu.wait_dma2 semaphore(%arg14 : memref<!tpu.dma_semaphore, #tpu.memory_space<semaphore_mem>>) src(%dma_wait3A_26 : memref<80xi32, #tpu.memory_space<hbm>>) dst(%arg9 : memref<80xi32, #tpu.memory_space<vmem>>)
    %dma_start3A_27 = arith.constant 0 : i32
    %dma_start3A_28 = arith.constant 0 : i32
    %dma_start3A_29 = tpu.memref_slice %arg2[%dma_start3A_27, %dma_start3A_28] : memref<160000x128xf32, #tpu.memory_space<hbm>> -> memref<160000x128xf32, #tpu.memory_space<hbm>>
    tpu.enqueue_indirect_dma source(%dma_start3A_29 : memref<160000x128xf32, #tpu.memory_space<hbm>>) target(%arg11 : memref<80x128xf32, #tpu.memory_space<vmem>>) offsets(%arg7 : memref<80xi32, #tpu.memory_space<vmem>>) semaphore(%arg16 : memref<!tpu.dma_semaphore, #tpu.memory_space<semaphore_mem>>)
    %add3A_30 = arith.constant 80 : i32
    %add3A_31 = arith.addi %mul3A_18, %add3A_30 : i32
    %dma_start3A_32 = tpu.memref_slice %arg3[%add3A_31] : memref<163840xi32, #tpu.memory_space<hbm>> -> memref<80xi32, #tpu.memory_space<hbm>>
    %dma_start3A_33 = tpu.memref_slice %arg3[%add3A_31] : memref<163840xi32, #tpu.memory_space<hbm>> -> memref<80xi32, #tpu.memory_space<hbm>>
    tpu.enqueue_dma source(%dma_start3A_33 : memref<80xi32, #tpu.memory_space<hbm>>) target(%arg8 : memref<80xi32, #tpu.memory_space<vmem>>) target_semaphore(%arg15 : memref<!tpu.dma_semaphore, #tpu.memory_space<semaphore_mem>>)
    %dma_start3A_34 = tpu.memref_slice %arg4[%add3A_31] : memref<163840xi32, #tpu.memory_space<hbm>> -> memref<80xi32, #tpu.memory_space<hbm>>
    %dma_start3A_35 = tpu.memref_slice %arg4[%add3A_31] : memref<163840xi32, #tpu.memory_space<hbm>> -> memref<80xi32, #tpu.memory_space<hbm>>
    tpu.enqueue_dma source(%dma_start3A_35 : memref<80xi32, #tpu.memory_space<hbm>>) target(%arg10 : memref<80xi32, #tpu.memory_space<vmem>>) target_semaphore(%arg15 : memref<!tpu.dma_semaphore, #tpu.memory_space<semaphore_mem>>)
    %dma_wait3A_36 = tpu.memref_slice %arg3[%add3A_31] : memref<163840xi32, #tpu.memory_space<hbm>> -> memref<80xi32, #tpu.memory_space<hbm>>
    %dma_wait3A_37 = tpu.memref_slice %arg3[%add3A_31] : memref<163840xi32, #tpu.memory_space<hbm>> -> memref<80xi32, #tpu.memory_space<hbm>>
    tpu.wait_dma2 semaphore(%arg15 : memref<!tpu.dma_semaphore, #tpu.memory_space<semaphore_mem>>) src(%dma_wait3A_37 : memref<80xi32, #tpu.memory_space<hbm>>) dst(%arg8 : memref<80xi32, #tpu.memory_space<vmem>>)
    %dma_wait3A_38 = tpu.memref_slice %arg4[%add3A_31] : memref<163840xi32, #tpu.memory_space<hbm>> -> memref<80xi32, #tpu.memory_space<hbm>>
    %dma_wait3A_39 = tpu.memref_slice %arg4[%add3A_31] : memref<163840xi32, #tpu.memory_space<hbm>> -> memref<80xi32, #tpu.memory_space<hbm>>
    tpu.wait_dma2 semaphore(%arg15 : memref<!tpu.dma_semaphore, #tpu.memory_space<semaphore_mem>>) src(%dma_wait3A_39 : memref<80xi32, #tpu.memory_space<hbm>>) dst(%arg10 : memref<80xi32, #tpu.memory_space<vmem>>)
    %dma_start3A_40 = arith.constant 0 : i32
    %dma_start3A_41 = arith.constant 0 : i32
    %dma_start3A_42 = tpu.memref_slice %arg2[%dma_start3A_40, %dma_start3A_41] : memref<160000x128xf32, #tpu.memory_space<hbm>> -> memref<160000x128xf32, #tpu.memory_space<hbm>>
    tpu.enqueue_indirect_dma source(%dma_start3A_42 : memref<160000x128xf32, #tpu.memory_space<hbm>>) target(%arg12 : memref<80x128xf32, #tpu.memory_space<vmem>>) offsets(%arg8 : memref<80xi32, #tpu.memory_space<vmem>>) semaphore(%arg17 : memref<!tpu.dma_semaphore, #tpu.memory_space<semaphore_mem>>)
    %scan3A_43 = arith.constant 0 : i32
    %scan3A_44 = arith.constant 0 : i32
    %scan3A_45 = arith.constant 31 : i32
    %scan3A_46 = arith.addi %scan3A_44, %scan3A_45 : i32
    %scan3A_47 = arith.constant 1 : i32
    %scan3A_48 = scf.for %scan3A_79 = %scan3A_44 to %scan3A_46 step %scan3A_47 iter_args(%scan3A_80 = %scan3A_43) -> (i32)  : i32 {
      %dma_wait3A_81 = arith.constant 0 : i32
      %dma_wait3A_82 = arith.constant 0 : i32
      %dma_wait3A_83 = tpu.memref_slice %arg2[%dma_wait3A_81, %dma_wait3A_82] : memref<160000x128xf32, #tpu.memory_space<hbm>> -> memref<160000x128xf32, #tpu.memory_space<hbm>>
      tpu.wait_indirect_dma semaphore(%arg16 : memref<!tpu.dma_semaphore, #tpu.memory_space<semaphore_mem>>) src(%dma_wait3A_83 : memref<160000x128xf32, #tpu.memory_space<hbm>>) dst(%arg11 : memref<80x128xf32, #tpu.memory_space<vmem>>)
      %dma_start3A_84 = arith.constant 0 : i32
      %dma_start3A_85 = arith.constant 0 : i32
      %dma_start3A_86 = tpu.memref_slice %arg6[%dma_start3A_84, %dma_start3A_85] : memref<10240x128xf32, #tpu.memory_space<vmem_shared>> -> memref<10240x128xf32, #tpu.memory_space<vmem_shared>>
      tpu.enqueue_indirect_dma source(%arg11 : memref<80x128xf32, #tpu.memory_space<vmem>>) target(%dma_start3A_86 : memref<10240x128xf32, #tpu.memory_space<vmem_shared>>) offsets(%arg9 : memref<80xi32, #tpu.memory_space<vmem>>) semaphore(%arg18 : memref<!tpu.dma_semaphore, #tpu.memory_space<semaphore_mem>>) {add = true}
      %dma_wait3A_87 = arith.constant 0 : i32
      %dma_wait3A_88 = arith.constant 0 : i32
      %dma_wait3A_89 = tpu.memref_slice %arg2[%dma_wait3A_87, %dma_wait3A_88] : memref<160000x128xf32, #tpu.memory_space<hbm>> -> memref<160000x128xf32, #tpu.memory_space<hbm>>
      tpu.wait_indirect_dma semaphore(%arg17 : memref<!tpu.dma_semaphore, #tpu.memory_space<semaphore_mem>>) src(%dma_wait3A_89 : memref<160000x128xf32, #tpu.memory_space<hbm>>) dst(%arg12 : memref<80x128xf32, #tpu.memory_space<vmem>>)
      %dma_start3A_90 = arith.constant 0 : i32
      %dma_start3A_91 = arith.constant 0 : i32
      %dma_start3A_92 = tpu.memref_slice %arg6[%dma_start3A_90, %dma_start3A_91] : memref<10240x128xf32, #tpu.memory_space<vmem_shared>> -> memref<10240x128xf32, #tpu.memory_space<vmem_shared>>
      tpu.enqueue_indirect_dma source(%arg12 : memref<80x128xf32, #tpu.memory_space<vmem>>) target(%dma_start3A_92 : memref<10240x128xf32, #tpu.memory_space<vmem_shared>>) offsets(%arg10 : memref<80xi32, #tpu.memory_space<vmem>>) semaphore(%arg19 : memref<!tpu.dma_semaphore, #tpu.memory_space<semaphore_mem>>) {add = true}
      %dma_wait3A_93 = arith.constant 0 : i32
      %dma_wait3A_94 = arith.constant 0 : i32
      %dma_wait3A_95 = tpu.memref_slice %arg6[%dma_wait3A_93, %dma_wait3A_94] : memref<10240x128xf32, #tpu.memory_space<vmem_shared>> -> memref<10240x128xf32, #tpu.memory_space<vmem_shared>>
      tpu.wait_indirect_dma semaphore(%arg18 : memref<!tpu.dma_semaphore, #tpu.memory_space<semaphore_mem>>) src(%arg11 : memref<80x128xf32, #tpu.memory_space<vmem>>) dst(%dma_wait3A_95 : memref<10240x128xf32, #tpu.memory_space<vmem_shared>>)
      %mul3A_96 = arith.constant 2 : i32
      %mul3A_97 = arith.muli %mul3A_96, %scan3A_79 : i32
      %add3A_98 = arith.constant 2 : i32
      %add3A_99 = arith.addi %mul3A_97, %add3A_98 : i32
      %add3A_100 = arith.constant 0 : i32
      %add3A_101 = arith.addi %add3A_99, %add3A_100 : i32
      %mul3A_102 = arith.constant 80 : i32
      %mul3A_103 = arith.muli %add3A_101, %mul3A_102 : i32
      %add3A_104 = arith.addi %mul3A_18, %mul3A_103 : i32
      %dma_start3A_105 = tpu.memref_slice %arg3[%add3A_104] : memref<163840xi32, #tpu.memory_space<hbm>> -> memref<80xi32, #tpu.memory_space<hbm>>
      %dma_start3A_106 = tpu.memref_slice %arg3[%add3A_104] : memref<163840xi32, #tpu.memory_space<hbm>> -> memref<80xi32, #tpu.memory_space<hbm>>
      tpu.enqueue_dma source(%dma_start3A_106 : memref<80xi32, #tpu.memory_space<hbm>>) target(%arg7 : memref<80xi32, #tpu.memory_space<vmem>>) target_semaphore(%arg14 : memref<!tpu.dma_semaphore, #tpu.memory_space<semaphore_mem>>)
      %dma_start3A_107 = tpu.memref_slice %arg4[%add3A_104] : memref<163840xi32, #tpu.memory_space<hbm>> -> memref<80xi32, #tpu.memory_space<hbm>>
      %dma_start3A_108 = tpu.memref_slice %arg4[%add3A_104] : memref<163840xi32, #tpu.memory_space<hbm>> -> memref<80xi32, #tpu.memory_space<hbm>>
      tpu.enqueue_dma source(%dma_start3A_108 : memref<80xi32, #tpu.memory_space<hbm>>) target(%arg9 : memref<80xi32, #tpu.memory_space<vmem>>) target_semaphore(%arg14 : memref<!tpu.dma_semaphore, #tpu.memory_space<semaphore_mem>>)
      %dma_wait3A_109 = tpu.memref_slice %arg3[%add3A_104] : memref<163840xi32, #tpu.memory_space<hbm>> -> memref<80xi32, #tpu.memory_space<hbm>>
      %dma_wait3A_110 = tpu.memref_slice %arg3[%add3A_104] : memref<163840xi32, #tpu.memory_space<hbm>> -> memref<80xi32, #tpu.memory_space<hbm>>
      tpu.wait_dma2 semaphore(%arg14 : memref<!tpu.dma_semaphore, #tpu.memory_space<semaphore_mem>>) src(%dma_wait3A_110 : memref<80xi32, #tpu.memory_space<hbm>>) dst(%arg7 : memref<80xi32, #tpu.memory_space<vmem>>)
      %dma_wait3A_111 = tpu.memref_slice %arg4[%add3A_104] : memref<163840xi32, #tpu.memory_space<hbm>> -> memref<80xi32, #tpu.memory_space<hbm>>
      %dma_wait3A_112 = tpu.memref_slice %arg4[%add3A_104] : memref<163840xi32, #tpu.memory_space<hbm>> -> memref<80xi32, #tpu.memory_space<hbm>>
      tpu.wait_dma2 semaphore(%arg14 : memref<!tpu.dma_semaphore, #tpu.memory_space<semaphore_mem>>) src(%dma_wait3A_112 : memref<80xi32, #tpu.memory_space<hbm>>) dst(%arg9 : memref<80xi32, #tpu.memory_space<vmem>>)
      %dma_start3A_113 = arith.constant 0 : i32
      %dma_start3A_114 = arith.constant 0 : i32
      %dma_start3A_115 = tpu.memref_slice %arg2[%dma_start3A_113, %dma_start3A_114] : memref<160000x128xf32, #tpu.memory_space<hbm>> -> memref<160000x128xf32, #tpu.memory_space<hbm>>
      tpu.enqueue_indirect_dma source(%dma_start3A_115 : memref<160000x128xf32, #tpu.memory_space<hbm>>) target(%arg11 : memref<80x128xf32, #tpu.memory_space<vmem>>) offsets(%arg7 : memref<80xi32, #tpu.memory_space<vmem>>) semaphore(%arg16 : memref<!tpu.dma_semaphore, #tpu.memory_space<semaphore_mem>>)
      %dma_wait3A_116 = arith.constant 0 : i32
      %dma_wait3A_117 = arith.constant 0 : i32
      %dma_wait3A_118 = tpu.memref_slice %arg6[%dma_wait3A_116, %dma_wait3A_117] : memref<10240x128xf32, #tpu.memory_space<vmem_shared>> -> memref<10240x128xf32, #tpu.memory_space<vmem_shared>>
      tpu.wait_indirect_dma semaphore(%arg19 : memref<!tpu.dma_semaphore, #tpu.memory_space<semaphore_mem>>) src(%arg12 : memref<80x128xf32, #tpu.memory_space<vmem>>) dst(%dma_wait3A_118 : memref<10240x128xf32, #tpu.memory_space<vmem_shared>>)
      %mul3A_119 = arith.constant 2 : i32
      %mul3A_120 = arith.muli %mul3A_119, %scan3A_79 : i32
      %add3A_121 = arith.constant 2 : i32
      %add3A_122 = arith.addi %mul3A_120, %add3A_121 : i32
      %add3A_123 = arith.constant 1 : i32
      %add3A_124 = arith.addi %add3A_122, %add3A_123 : i32
      %mul3A_125 = arith.constant 80 : i32
      %mul3A_126 = arith.muli %add3A_124, %mul3A_125 : i32
      %add3A_127 = arith.addi %mul3A_18, %mul3A_126 : i32
      %dma_start3A_128 = tpu.memref_slice %arg3[%add3A_127] : memref<163840xi32, #tpu.memory_space<hbm>> -> memref<80xi32, #tpu.memory_space<hbm>>
      %dma_start3A_129 = tpu.memref_slice %arg3[%add3A_127] : memref<163840xi32, #tpu.memory_space<hbm>> -> memref<80xi32, #tpu.memory_space<hbm>>
      tpu.enqueue_dma source(%dma_start3A_129 : memref<80xi32, #tpu.memory_space<hbm>>) target(%arg8 : memref<80xi32, #tpu.memory_space<vmem>>) target_semaphore(%arg15 : memref<!tpu.dma_semaphore, #tpu.memory_space<semaphore_mem>>)
      %dma_start3A_130 = tpu.memref_slice %arg4[%add3A_127] : memref<163840xi32, #tpu.memory_space<hbm>> -> memref<80xi32, #tpu.memory_space<hbm>>
      %dma_start3A_131 = tpu.memref_slice %arg4[%add3A_127] : memref<163840xi32, #tpu.memory_space<hbm>> -> memref<80xi32, #tpu.memory_space<hbm>>
      tpu.enqueue_dma source(%dma_start3A_131 : memref<80xi32, #tpu.memory_space<hbm>>) target(%arg10 : memref<80xi32, #tpu.memory_space<vmem>>) target_semaphore(%arg15 : memref<!tpu.dma_semaphore, #tpu.memory_space<semaphore_mem>>)
      %dma_wait3A_132 = tpu.memref_slice %arg3[%add3A_127] : memref<163840xi32, #tpu.memory_space<hbm>> -> memref<80xi32, #tpu.memory_space<hbm>>
      %dma_wait3A_133 = tpu.memref_slice %arg3[%add3A_127] : memref<163840xi32, #tpu.memory_space<hbm>> -> memref<80xi32, #tpu.memory_space<hbm>>
      tpu.wait_dma2 semaphore(%arg15 : memref<!tpu.dma_semaphore, #tpu.memory_space<semaphore_mem>>) src(%dma_wait3A_133 : memref<80xi32, #tpu.memory_space<hbm>>) dst(%arg8 : memref<80xi32, #tpu.memory_space<vmem>>)
      %dma_wait3A_134 = tpu.memref_slice %arg4[%add3A_127] : memref<163840xi32, #tpu.memory_space<hbm>> -> memref<80xi32, #tpu.memory_space<hbm>>
      %dma_wait3A_135 = tpu.memref_slice %arg4[%add3A_127] : memref<163840xi32, #tpu.memory_space<hbm>> -> memref<80xi32, #tpu.memory_space<hbm>>
      tpu.wait_dma2 semaphore(%arg15 : memref<!tpu.dma_semaphore, #tpu.memory_space<semaphore_mem>>) src(%dma_wait3A_135 : memref<80xi32, #tpu.memory_space<hbm>>) dst(%arg10 : memref<80xi32, #tpu.memory_space<vmem>>)
      %dma_start3A_136 = arith.constant 0 : i32
      %dma_start3A_137 = arith.constant 0 : i32
      %dma_start3A_138 = tpu.memref_slice %arg2[%dma_start3A_136, %dma_start3A_137] : memref<160000x128xf32, #tpu.memory_space<hbm>> -> memref<160000x128xf32, #tpu.memory_space<hbm>>
      tpu.enqueue_indirect_dma source(%dma_start3A_138 : memref<160000x128xf32, #tpu.memory_space<hbm>>) target(%arg12 : memref<80x128xf32, #tpu.memory_space<vmem>>) offsets(%arg8 : memref<80xi32, #tpu.memory_space<vmem>>) semaphore(%arg17 : memref<!tpu.dma_semaphore, #tpu.memory_space<semaphore_mem>>)
      %scan3A_139 = arith.constant 0 : i32
      scf.yield %scan3A_139 : i32
    }
    %scan3A_49 = arith.constant 31 : i32
    %dma_wait3A_50 = arith.constant 0 : i32
    %dma_wait3A_51 = arith.constant 0 : i32
    %dma_wait3A_52 = tpu.memref_slice %arg2[%dma_wait3A_50, %dma_wait3A_51] : memref<160000x128xf32, #tpu.memory_space<hbm>> -> memref<160000x128xf32, #tpu.memory_space<hbm>>
    tpu.wait_indirect_dma semaphore(%arg16 : memref<!tpu.dma_semaphore, #tpu.memory_space<semaphore_mem>>) src(%dma_wait3A_52 : memref<160000x128xf32, #tpu.memory_space<hbm>>) dst(%arg11 : memref<80x128xf32, #tpu.memory_space<vmem>>)
    %dma_start3A_53 = arith.constant 0 : i32
    %dma_start3A_54 = arith.constant 0 : i32
    %dma_start3A_55 = tpu.memref_slice %arg6[%dma_start3A_53, %dma_start3A_54] : memref<10240x128xf32, #tpu.memory_space<vmem_shared>> -> memref<10240x128xf32, #tpu.memory_space<vmem_shared>>
    tpu.enqueue_indirect_dma source(%arg11 : memref<80x128xf32, #tpu.memory_space<vmem>>) target(%dma_start3A_55 : memref<10240x128xf32, #tpu.memory_space<vmem_shared>>) offsets(%arg9 : memref<80xi32, #tpu.memory_space<vmem>>) semaphore(%arg18 : memref<!tpu.dma_semaphore, #tpu.memory_space<semaphore_mem>>) {add = true}
    %dma_wait3A_56 = arith.constant 0 : i32
    %dma_wait3A_57 = arith.constant 0 : i32
    %dma_wait3A_58 = tpu.memref_slice %arg2[%dma_wait3A_56, %dma_wait3A_57] : memref<160000x128xf32, #tpu.memory_space<hbm>> -> memref<160000x128xf32, #tpu.memory_space<hbm>>
    tpu.wait_indirect_dma semaphore(%arg17 : memref<!tpu.dma_semaphore, #tpu.memory_space<semaphore_mem>>) src(%dma_wait3A_58 : memref<160000x128xf32, #tpu.memory_space<hbm>>) dst(%arg12 : memref<80x128xf32, #tpu.memory_space<vmem>>)
    %dma_start3A_59 = arith.constant 0 : i32
    %dma_start3A_60 = arith.constant 0 : i32
    %dma_start3A_61 = tpu.memref_slice %arg6[%dma_start3A_59, %dma_start3A_60] : memref<10240x128xf32, #tpu.memory_space<vmem_shared>> -> memref<10240x128xf32, #tpu.memory_space<vmem_shared>>
    tpu.enqueue_indirect_dma source(%arg12 : memref<80x128xf32, #tpu.memory_space<vmem>>) target(%dma_start3A_61 : memref<10240x128xf32, #tpu.memory_space<vmem_shared>>) offsets(%arg10 : memref<80xi32, #tpu.memory_space<vmem>>) semaphore(%arg19 : memref<!tpu.dma_semaphore, #tpu.memory_space<semaphore_mem>>) {add = true}
    %dma_wait3A_62 = arith.constant 0 : i32
    %dma_wait3A_63 = arith.constant 0 : i32
    %dma_wait3A_64 = tpu.memref_slice %arg6[%dma_wait3A_62, %dma_wait3A_63] : memref<10240x128xf32, #tpu.memory_space<vmem_shared>> -> memref<10240x128xf32, #tpu.memory_space<vmem_shared>>
    tpu.wait_indirect_dma semaphore(%arg18 : memref<!tpu.dma_semaphore, #tpu.memory_space<semaphore_mem>>) src(%arg11 : memref<80x128xf32, #tpu.memory_space<vmem>>) dst(%dma_wait3A_64 : memref<10240x128xf32, #tpu.memory_space<vmem_shared>>)
    %dma_wait3A_65 = arith.constant 0 : i32
    %dma_wait3A_66 = arith.constant 0 : i32
    %dma_wait3A_67 = tpu.memref_slice %arg6[%dma_wait3A_65, %dma_wait3A_66] : memref<10240x128xf32, #tpu.memory_space<vmem_shared>> -> memref<10240x128xf32, #tpu.memory_space<vmem_shared>>
    tpu.wait_indirect_dma semaphore(%arg19 : memref<!tpu.dma_semaphore, #tpu.memory_space<semaphore_mem>>) src(%arg12 : memref<80x128xf32, #tpu.memory_space<vmem>>) dst(%dma_wait3A_67 : memref<10240x128xf32, #tpu.memory_space<vmem_shared>>)
    %barrier3A_68 = arith.constant 0 : index
    tpu.barrier barrier_id(%barrier3A_68)
    %mul3A_69 = arith.constant 10240 : i32
    %mul3A_70 = arith.muli %arg0, %mul3A_69 : i32
    %add3A_71 = arith.addi %mul3A_70, %mul3A_9 : i32
    %scan3A_72 = arith.constant 0 : i32
    %scan3A_73 = arith.constant 0 : i32
    %scan3A_74 = arith.constant 20 : i32
    %scan3A_75 = arith.addi %scan3A_73, %scan3A_74 : i32
    %scan3A_76 = arith.constant 1 : i32
    %scan3A_77 = scf.for %scan3A_79 = %scan3A_73 to %scan3A_75 step %scan3A_76 iter_args(%scan3A_80 = %scan3A_72) -> (i32)  : i32 {
      %mul3A_81 = arith.constant 32 : i32
      %mul3A_82 = arith.muli %scan3A_79, %mul3A_81 : i32
      %add3A_83 = arith.addi %mul3A_9, %mul3A_82 : i32
      "tpu.region"() ({
        %run_scoped3A = tpu.sem_alloc : memref<!tpu.dma_semaphore, #tpu.memory_space<semaphore_mem>>
        %dma_start3A_88 = arith.constant 0 : i32
        %dma_start3A_89 = tpu.memref_slice %arg6[%add3A_83, %dma_start3A_88] : memref<10240x128xf32, #tpu.memory_space<vmem_shared>> -> memref<32x128xf32, #tpu.memory_space<vmem_shared>>
        %dma_start3A_90 = arith.constant 0 : i32
        %dma_start3A_91 = tpu.memref_slice %arg6[%add3A_83, %dma_start3A_90] : memref<10240x128xf32, #tpu.memory_space<vmem_shared>> -> memref<32x128xf32, #tpu.memory_space<vmem_shared>>
        tpu.enqueue_dma source(%dma_start3A_91 : memref<32x128xf32, #tpu.memory_space<vmem_shared>>) target(%arg13 : memref<32x128xf32, #tpu.memory_space<vmem>>) target_semaphore(%run_scoped3A : memref<!tpu.dma_semaphore, #tpu.memory_space<semaphore_mem>>)
        %dma_wait3A_92 = arith.constant 0 : i32
        %dma_wait3A_93 = tpu.memref_slice %arg6[%add3A_83, %dma_wait3A_92] : memref<10240x128xf32, #tpu.memory_space<vmem_shared>> -> memref<32x128xf32, #tpu.memory_space<vmem_shared>>
        %dma_wait3A_94 = arith.constant 0 : i32
        %dma_wait3A_95 = tpu.memref_slice %arg6[%add3A_83, %dma_wait3A_94] : memref<10240x128xf32, #tpu.memory_space<vmem_shared>> -> memref<32x128xf32, #tpu.memory_space<vmem_shared>>
        tpu.wait_dma2 semaphore(%run_scoped3A : memref<!tpu.dma_semaphore, #tpu.memory_space<semaphore_mem>>) src(%dma_wait3A_95 : memref<32x128xf32, #tpu.memory_space<vmem_shared>>) dst(%arg13 : memref<32x128xf32, #tpu.memory_space<vmem>>)
        tpu.yield
      }) : () -> ()
      %mul3A_84 = arith.constant 32 : i32
      %mul3A_85 = arith.muli %scan3A_79, %mul3A_84 : i32
      %add3A_86 = arith.addi %add3A_71, %mul3A_85 : i32
      "tpu.region"() ({
        %run_scoped3A = tpu.sem_alloc : memref<!tpu.dma_semaphore, #tpu.memory_space<semaphore_mem>>
        %dma_start3A_88 = arith.constant 0 : i32
        %dma_start3A_89 = tpu.memref_slice %arg5[%add3A_86, %dma_start3A_88] : memref<20480x128xf32, #tpu.memory_space<hbm>> -> memref<32x128xf32, #tpu.memory_space<hbm>>
        %dma_start3A_90 = arith.constant 0 : i32
        %dma_start3A_91 = tpu.memref_slice %arg5[%add3A_86, %dma_start3A_90] : memref<20480x128xf32, #tpu.memory_space<hbm>> -> memref<32x128xf32, #tpu.memory_space<hbm>>
        tpu.enqueue_dma source(%arg13 : memref<32x128xf32, #tpu.memory_space<vmem>>) target(%dma_start3A_91 : memref<32x128xf32, #tpu.memory_space<hbm>>) target_semaphore(%run_scoped3A : memref<!tpu.dma_semaphore, #tpu.memory_space<semaphore_mem>>)
        %dma_wait3A_92 = arith.constant 0 : i32
        %dma_wait3A_93 = tpu.memref_slice %arg5[%add3A_86, %dma_wait3A_92] : memref<20480x128xf32, #tpu.memory_space<hbm>> -> memref<32x128xf32, #tpu.memory_space<hbm>>
        %dma_wait3A_94 = arith.constant 0 : i32
        %dma_wait3A_95 = tpu.memref_slice %arg5[%add3A_86, %dma_wait3A_94] : memref<20480x128xf32, #tpu.memory_space<hbm>> -> memref<32x128xf32, #tpu.memory_space<hbm>>
        tpu.wait_dma2 semaphore(%run_scoped3A : memref<!tpu.dma_semaphore, #tpu.memory_space<semaphore_mem>>) src(%arg13 : memref<32x128xf32, #tpu.memory_space<vmem>>) dst(%dma_wait3A_95 : memref<32x128xf32, #tpu.memory_space<hbm>>)
        tpu.yield
      }) : () -> ()
      %scan3A_87 = arith.constant 0 : i32
      scf.yield %scan3A_87 : i32
    }
    %scan3A_78 = arith.constant 20 : i32
    return
  }
}

module attributes {stable_mosaic.version = 14 : i64} {
  func.func @_gidx_body(%arg0: memref<1280x128xi32, #tpu.memory_space<vmem>>, %arg1: memref<1280x128xi32, #tpu.memory_space<vmem>>, %arg2: memref<1280x128xi32, #tpu.memory_space<vmem>>) attributes {dimension_semantics = [], scalar_prefetch = 0 : i64, scratch_operands = 0 : i64, tpu.core_type = #tpu.core_type<tc>} {
    %get3A = arith.constant 0 : index
    %get3A_0 = arith.constant 0 : index
    %get3A_1 = vector.load %arg1[%get3A, %get3A_0] : memref<1280x128xi32, #tpu.memory_space<vmem>>, vector<1280x128xi32>
    %mul3A = arith.constant 10000 : i32
    %mul3A_2 = vector.broadcast %mul3A : i32 to vector<1280x128xi32>
    %mul3A_3 = arith.muli %get3A_1, %mul3A_2 : vector<1280x128xi32>
    %get3A_4 = arith.constant 0 : index
    %get3A_5 = arith.constant 0 : index
    %get3A_6 = vector.load %arg0[%get3A_4, %get3A_5] : memref<1280x128xi32, #tpu.memory_space<vmem>>, vector<1280x128xi32>
    %add3A = arith.addi %mul3A_3, %get3A_6 : vector<1280x128xi32>
    %swap3A = arith.constant 0 : index
    %swap3A_7 = arith.constant 0 : index
    %swap3A_8 = vector.load %arg2[%swap3A, %swap3A_7] : memref<1280x128xi32, #tpu.memory_space<vmem>>, vector<1280x128xi32>
    tpu.vector_store %arg2[%swap3A, %swap3A_7], %add3A {strides = array<i32>} : memref<1280x128xi32, #tpu.memory_space<vmem>>, vector<1280x128xi32>,
    return
  }
}

module attributes {stable_mosaic.version = 14 : i64} {
  func.func @_zbuild_body(%arg0: i32, %arg1: memref<400x128xf32, #tpu.memory_space<vmem>>, %arg2: memref<2x128x128xf32, #tpu.memory_space<vmem>>, %arg3: memref<16xf32, #tpu.memory_space<smem>>, %arg4: memref<16xf32, #tpu.memory_space<smem>>, %arg5: memref<16x400x128xf32, #tpu.memory_space<vmem>>) attributes {dimension_semantics = [#tpu.dimension_semantics<arbitrary>], iteration_bounds = array<i64: 25>, scalar_prefetch = 0 : i64, scratch_operands = 0 : i64, tpu.core_type = #tpu.core_type<tc>, window_params = [{transform_indices = @transform_0, window_bounds = array<i64: 400, 128>}, {pipeline_mode = #tpu.pipeline_mode<synchronous>, transform_indices = @transform_1, window_bounds = array<i64: 2, 128, 128>}, {transform_indices = @transform_2, window_bounds = array<i64: 16>}, {transform_indices = @transform_3, window_bounds = array<i64: 16>}, {transform_indices = @transform_4, window_bounds = array<i64: 16, 400, 128>}]} {
    %get3A = arith.constant 0 : index
    %get3A_0 = arith.constant 0 : index
    %get3A_1 = vector.load %arg1[%get3A, %get3A_0] : memref<400x128xf32, #tpu.memory_space<vmem>>, vector<400x128xf32>
    %get3A_2 = arith.constant 0 : index
    %get3A_3 = arith.constant 0 : index
    %get3A_4 = arith.constant 0 : index
    %get3A_5 = vector.load %arg2[%get3A_2, %get3A_3, %get3A_4] : memref<2x128x128xf32, #tpu.memory_space<vmem>>, vector<1x128x128xf32>
    %get3A_6 = vector.shape_cast %get3A_5 : vector<1x128x128xf32> to vector<128x128xf32>
    %dot_general3A = arith.constant dense<0.000000e+00> : vector<400x128xf32>
    %dot_general3A_7 = tpu.matmul %get3A_1, %get3A_6, %dot_general3A {dimension_numbers = #tpu.dot_dimension_numbers<[1], [0], [0], [1], [0, 0, 1, 1], [], []>, transpose_lhs_hint = false} : vector<400x128xf32>, vector<128x128xf32>, vector<400x128xf32> -> vector<400x128xf32>
    %get3A_8 = arith.constant 1 : index
    %get3A_9 = arith.constant 0 : index
    %get3A_10 = arith.constant 0 : index
    %get3A_11 = vector.load %arg2[%get3A_8, %get3A_9, %get3A_10] : memref<2x128x128xf32, #tpu.memory_space<vmem>>, vector<1x128x128xf32>
    %get3A_12 = vector.shape_cast %get3A_11 : vector<1x128x128xf32> to vector<128x128xf32>
    %dot_general3A_13 = arith.constant dense<0.000000e+00> : vector<400x128xf32>
    %dot_general3A_14 = tpu.matmul %get3A_1, %get3A_12, %dot_general3A_13 {dimension_numbers = #tpu.dot_dimension_numbers<[1], [0], [0], [1], [0, 0, 1, 1], [], []>, transpose_lhs_hint = false} : vector<400x128xf32>, vector<128x128xf32>, vector<400x128xf32> -> vector<400x128xf32>
    %get3A_15 = arith.constant 0 : index
    %get3A_16 = memref.load %arg3[%get3A_15] : memref<16xf32, #tpu.memory_space<smem>>
    %mul3A = vector.broadcast %get3A_16 : f32 to vector<400x128xf32>
    %mul3A_17 = arith.mulf %mul3A, %dot_general3A_7 : vector<400x128xf32>
    %get3A_18 = arith.constant 0 : index
    %get3A_19 = memref.load %arg4[%get3A_18] : memref<16xf32, #tpu.memory_space<smem>>
    %mul3A_20 = vector.broadcast %get3A_19 : f32 to vector<400x128xf32>
    %mul3A_21 = arith.mulf %mul3A_20, %dot_general3A_14 : vector<400x128xf32>
    %add3A = arith.addf %mul3A_17, %mul3A_21 : vector<400x128xf32>
    %swap3A = arith.constant 0 : index
    %swap3A_22 = arith.constant 0 : index
    %swap3A_23 = arith.constant 0 : index
    %swap3A_24 = vector.load %arg5[%swap3A, %swap3A_22, %swap3A_23] : memref<16x400x128xf32, #tpu.memory_space<vmem>>, vector<1x400x128xf32>
    %swap3A_25 = vector.shape_cast %swap3A_24 : vector<1x400x128xf32> to vector<400x128xf32>
    %swap3A_26 = vector.shape_cast %add3A : vector<400x128xf32> to vector<1x400x128xf32>
    tpu.vector_store %arg5[%swap3A, %swap3A_22, %swap3A_23], %swap3A_26 {strides = array<i32>} : memref<16x400x128xf32, #tpu.memory_space<vmem>>, vector<1x400x128xf32>,
    %get3A_27 = arith.constant 1 : index
    %get3A_28 = memref.load %arg3[%get3A_27] : memref<16xf32, #tpu.memory_space<smem>>
    %mul3A_29 = vector.broadcast %get3A_28 : f32 to vector<400x128xf32>
    %mul3A_30 = arith.mulf %mul3A_29, %dot_general3A_7 : vector<400x128xf32>
    %get3A_31 = arith.constant 1 : index
    %get3A_32 = memref.load %arg4[%get3A_31] : memref<16xf32, #tpu.memory_space<smem>>
    %mul3A_33 = vector.broadcast %get3A_32 : f32 to vector<400x128xf32>
    %mul3A_34 = arith.mulf %mul3A_33, %dot_general3A_14 : vector<400x128xf32>
    %add3A_35 = arith.addf %mul3A_30, %mul3A_34 : vector<400x128xf32>
    %swap3A_36 = arith.constant 1 : index
    %swap3A_37 = arith.constant 0 : index
    %swap3A_38 = arith.constant 0 : index
    %swap3A_39 = vector.load %arg5[%swap3A_36, %swap3A_37, %swap3A_38] : memref<16x400x128xf32, #tpu.memory_space<vmem>>, vector<1x400x128xf32>
    %swap3A_40 = vector.shape_cast %swap3A_39 : vector<1x400x128xf32> to vector<400x128xf32>
    %swap3A_41 = vector.shape_cast %add3A_35 : vector<400x128xf32> to vector<1x400x128xf32>
    tpu.vector_store %arg5[%swap3A_36, %swap3A_37, %swap3A_38], %swap3A_41 {strides = array<i32>} : memref<16x400x128xf32, #tpu.memory_space<vmem>>, vector<1x400x128xf32>,
    %get3A_42 = arith.constant 2 : index
    %get3A_43 = memref.load %arg3[%get3A_42] : memref<16xf32, #tpu.memory_space<smem>>
    %mul3A_44 = vector.broadcast %get3A_43 : f32 to vector<400x128xf32>
    %mul3A_45 = arith.mulf %mul3A_44, %dot_general3A_7 : vector<400x128xf32>
    %get3A_46 = arith.constant 2 : index
    %get3A_47 = memref.load %arg4[%get3A_46] : memref<16xf32, #tpu.memory_space<smem>>
    %mul3A_48 = vector.broadcast %get3A_47 : f32 to vector<400x128xf32>
    %mul3A_49 = arith.mulf %mul3A_48, %dot_general3A_14 : vector<400x128xf32>
    %add3A_50 = arith.addf %mul3A_45, %mul3A_49 : vector<400x128xf32>
    %swap3A_51 = arith.constant 2 : index
    %swap3A_52 = arith.constant 0 : index
    %swap3A_53 = arith.constant 0 : index
    %swap3A_54 = vector.load %arg5[%swap3A_51, %swap3A_52, %swap3A_53] : memref<16x400x128xf32, #tpu.memory_space<vmem>>, vector<1x400x128xf32>
    %swap3A_55 = vector.shape_cast %swap3A_54 : vector<1x400x128xf32> to vector<400x128xf32>
    %swap3A_56 = vector.shape_cast %add3A_50 : vector<400x128xf32> to vector<1x400x128xf32>
    tpu.vector_store %arg5[%swap3A_51, %swap3A_52, %swap3A_53], %swap3A_56 {strides = array<i32>} : memref<16x400x128xf32, #tpu.memory_space<vmem>>, vector<1x400x128xf32>,
    %get3A_57 = arith.constant 3 : index
    %get3A_58 = memref.load %arg3[%get3A_57] : memref<16xf32, #tpu.memory_space<smem>>
    %mul3A_59 = vector.broadcast %get3A_58 : f32 to vector<400x128xf32>
    %mul3A_60 = arith.mulf %mul3A_59, %dot_general3A_7 : vector<400x128xf32>
    %get3A_61 = arith.constant 3 : index
    %get3A_62 = memref.load %arg4[%get3A_61] : memref<16xf32, #tpu.memory_space<smem>>
    %mul3A_63 = vector.broadcast %get3A_62 : f32 to vector<400x128xf32>
    %mul3A_64 = arith.mulf %mul3A_63, %dot_general3A_14 : vector<400x128xf32>
    %add3A_65 = arith.addf %mul3A_60, %mul3A_64 : vector<400x128xf32>
    %swap3A_66 = arith.constant 3 : index
    %swap3A_67 = arith.constant 0 : index
    %swap3A_68 = arith.constant 0 : index
    %swap3A_69 = vector.load %arg5[%swap3A_66, %swap3A_67, %swap3A_68] : memref<16x400x128xf32, #tpu.memory_space<vmem>>, vector<1x400x128xf32>
    %swap3A_70 = vector.shape_cast %swap3A_69 : vector<1x400x128xf32> to vector<400x128xf32>
    %swap3A_71 = vector.shape_cast %add3A_65 : vector<400x128xf32> to vector<1x400x128xf32>
    tpu.vector_store %arg5[%swap3A_66, %swap3A_67, %swap3A_68], %swap3A_71 {strides = array<i32>} : memref<16x400x128xf32, #tpu.memory_space<vmem>>, vector<1x400x128xf32>,
    %get3A_72 = arith.constant 4 : index
    %get3A_73 = memref.load %arg3[%get3A_72] : memref<16xf32, #tpu.memory_space<smem>>
    %mul3A_74 = vector.broadcast %get3A_73 : f32 to vector<400x128xf32>
    %mul3A_75 = arith.mulf %mul3A_74, %dot_general3A_7 : vector<400x128xf32>
    %get3A_76 = arith.constant 4 : index
    %get3A_77 = memref.load %arg4[%get3A_76] : memref<16xf32, #tpu.memory_space<smem>>
    %mul3A_78 = vector.broadcast %get3A_77 : f32 to vector<400x128xf32>
    %mul3A_79 = arith.mulf %mul3A_78, %dot_general3A_14 : vector<400x128xf32>
    %add3A_80 = arith.addf %mul3A_75, %mul3A_79 : vector<400x128xf32>
    %swap3A_81 = arith.constant 4 : index
    %swap3A_82 = arith.constant 0 : index
    %swap3A_83 = arith.constant 0 : index
    %swap3A_84 = vector.load %arg5[%swap3A_81, %swap3A_82, %swap3A_83] : memref<16x400x128xf32, #tpu.memory_space<vmem>>, vector<1x400x128xf32>
    %swap3A_85 = vector.shape_cast %swap3A_84 : vector<1x400x128xf32> to vector<400x128xf32>
    %swap3A_86 = vector.shape_cast %add3A_80 : vector<400x128xf32> to vector<1x400x128xf32>
    tpu.vector_store %arg5[%swap3A_81, %swap3A_82, %swap3A_83], %swap3A_86 {strides = array<i32>} : memref<16x400x128xf32, #tpu.memory_space<vmem>>, vector<1x400x128xf32>,
    %get3A_87 = arith.constant 5 : index
    %get3A_88 = memref.load %arg3[%get3A_87] : memref<16xf32, #tpu.memory_space<smem>>
    %mul3A_89 = vector.broadcast %get3A_88 : f32 to vector<400x128xf32>
    %mul3A_90 = arith.mulf %mul3A_89, %dot_general3A_7 : vector<400x128xf32>
    %get3A_91 = arith.constant 5 : index
    %get3A_92 = memref.load %arg4[%get3A_91] : memref<16xf32, #tpu.memory_space<smem>>
    %mul3A_93 = vector.broadcast %get3A_92 : f32 to vector<400x128xf32>
    %mul3A_94 = arith.mulf %mul3A_93, %dot_general3A_14 : vector<400x128xf32>
    %add3A_95 = arith.addf %mul3A_90, %mul3A_94 : vector<400x128xf32>
    %swap3A_96 = arith.constant 5 : index
    %swap3A_97 = arith.constant 0 : index
    %swap3A_98 = arith.constant 0 : index
    %swap3A_99 = vector.load %arg5[%swap3A_96, %swap3A_97, %swap3A_98] : memref<16x400x128xf32, #tpu.memory_space<vmem>>, vector<1x400x128xf32>
    %swap3A_100 = vector.shape_cast %swap3A_99 : vector<1x400x128xf32> to vector<400x128xf32>
    %swap3A_101 = vector.shape_cast %add3A_95 : vector<400x128xf32> to vector<1x400x128xf32>
    tpu.vector_store %arg5[%swap3A_96, %swap3A_97, %swap3A_98], %swap3A_101 {strides = array<i32>} : memref<16x400x128xf32, #tpu.memory_space<vmem>>, vector<1x400x128xf32>,
    %get3A_102 = arith.constant 6 : index
    %get3A_103 = memref.load %arg3[%get3A_102] : memref<16xf32, #tpu.memory_space<smem>>
    %mul3A_104 = vector.broadcast %get3A_103 : f32 to vector<400x128xf32>
    %mul3A_105 = arith.mulf %mul3A_104, %dot_general3A_7 : vector<400x128xf32>
    %get3A_106 = arith.constant 6 : index
    %get3A_107 = memref.load %arg4[%get3A_106] : memref<16xf32, #tpu.memory_space<smem>>
    %mul3A_108 = vector.broadcast %get3A_107 : f32 to vector<400x128xf32>
    %mul3A_109 = arith.mulf %mul3A_108, %dot_general3A_14 : vector<400x128xf32>
    %add3A_110 = arith.addf %mul3A_105, %mul3A_109 : vector<400x128xf32>
    %swap3A_111 = arith.constant 6 : index
    %swap3A_112 = arith.constant 0 : index
    %swap3A_113 = arith.constant 0 : index
    %swap3A_114 = vector.load %arg5[%swap3A_111, %swap3A_112, %swap3A_113] : memref<16x400x128xf32, #tpu.memory_space<vmem>>, vector<1x400x128xf32>
    %swap3A_115 = vector.shape_cast %swap3A_114 : vector<1x400x128xf32> to vector<400x128xf32>
    %swap3A_116 = vector.shape_cast %add3A_110 : vector<400x128xf32> to vector<1x400x128xf32>
    tpu.vector_store %arg5[%swap3A_111, %swap3A_112, %swap3A_113], %swap3A_116 {strides = array<i32>} : memref<16x400x128xf32, #tpu.memory_space<vmem>>, vector<1x400x128xf32>,
    %get3A_117 = arith.constant 7 : index
    %get3A_118 = memref.load %arg3[%get3A_117] : memref<16xf32, #tpu.memory_space<smem>>
    %mul3A_119 = vector.broadcast %get3A_118 : f32 to vector<400x128xf32>
    %mul3A_120 = arith.mulf %mul3A_119, %dot_general3A_7 : vector<400x128xf32>
    %get3A_121 = arith.constant 7 : index
    %get3A_122 = memref.load %arg4[%get3A_121] : memref<16xf32, #tpu.memory_space<smem>>
    %mul3A_123 = vector.broadcast %get3A_122 : f32 to vector<400x128xf32>
    %mul3A_124 = arith.mulf %mul3A_123, %dot_general3A_14 : vector<400x128xf32>
    %add3A_125 = arith.addf %mul3A_120, %mul3A_124 : vector<400x128xf32>
    %swap3A_126 = arith.constant 7 : index
    %swap3A_127 = arith.constant 0 : index
    %swap3A_128 = arith.constant 0 : index
    %swap3A_129 = vector.load %arg5[%swap3A_126, %swap3A_127, %swap3A_128] : memref<16x400x128xf32, #tpu.memory_space<vmem>>, vector<1x400x128xf32>
    %swap3A_130 = vector.shape_cast %swap3A_129 : vector<1x400x128xf32> to vector<400x128xf32>
    %swap3A_131 = vector.shape_cast %add3A_125 : vector<400x128xf32> to vector<1x400x128xf32>
    tpu.vector_store %arg5[%swap3A_126, %swap3A_127, %swap3A_128], %swap3A_131 {strides = array<i32>} : memref<16x400x128xf32, #tpu.memory_space<vmem>>, vector<1x400x128xf32>,
    %get3A_132 = arith.constant 8 : index
    %get3A_133 = memref.load %arg3[%get3A_132] : memref<16xf32, #tpu.memory_space<smem>>
    %mul3A_134 = vector.broadcast %get3A_133 : f32 to vector<400x128xf32>
    %mul3A_135 = arith.mulf %mul3A_134, %dot_general3A_7 : vector<400x128xf32>
    %get3A_136 = arith.constant 8 : index
    %get3A_137 = memref.load %arg4[%get3A_136] : memref<16xf32, #tpu.memory_space<smem>>
    %mul3A_138 = vector.broadcast %get3A_137 : f32 to vector<400x128xf32>
    %mul3A_139 = arith.mulf %mul3A_138, %dot_general3A_14 : vector<400x128xf32>
    %add3A_140 = arith.addf %mul3A_135, %mul3A_139 : vector<400x128xf32>
    %swap3A_141 = arith.constant 8 : index
    %swap3A_142 = arith.constant 0 : index
    %swap3A_143 = arith.constant 0 : index
    %swap3A_144 = vector.load %arg5[%swap3A_141, %swap3A_142, %swap3A_143] : memref<16x400x128xf32, #tpu.memory_space<vmem>>, vector<1x400x128xf32>
    %swap3A_145 = vector.shape_cast %swap3A_144 : vector<1x400x128xf32> to vector<400x128xf32>
    %swap3A_146 = vector.shape_cast %add3A_140 : vector<400x128xf32> to vector<1x400x128xf32>
    tpu.vector_store %arg5[%swap3A_141, %swap3A_142, %swap3A_143], %swap3A_146 {strides = array<i32>} : memref<16x400x128xf32, #tpu.memory_space<vmem>>, vector<1x400x128xf32>,
    %get3A_147 = arith.constant 9 : index
    %get3A_148 = memref.load %arg3[%get3A_147] : memref<16xf32, #tpu.memory_space<smem>>
    %mul3A_149 = vector.broadcast %get3A_148 : f32 to vector<400x128xf32>
    %mul3A_150 = arith.mulf %mul3A_149, %dot_general3A_7 : vector<400x128xf32>
    %get3A_151 = arith.constant 9 : index
    %get3A_152 = memref.load %arg4[%get3A_151] : memref<16xf32, #tpu.memory_space<smem>>
    %mul3A_153 = vector.broadcast %get3A_152 : f32 to vector<400x128xf32>
    %mul3A_154 = arith.mulf %mul3A_153, %dot_general3A_14 : vector<400x128xf32>
    %add3A_155 = arith.addf %mul3A_150, %mul3A_154 : vector<400x128xf32>
    %swap3A_156 = arith.constant 9 : index
    %swap3A_157 = arith.constant 0 : index
    %swap3A_158 = arith.constant 0 : index
    %swap3A_159 = vector.load %arg5[%swap3A_156, %swap3A_157, %swap3A_158] : memref<16x400x128xf32, #tpu.memory_space<vmem>>, vector<1x400x128xf32>
    %swap3A_160 = vector.shape_cast %swap3A_159 : vector<1x400x128xf32> to vector<400x128xf32>
    %swap3A_161 = vector.shape_cast %add3A_155 : vector<400x128xf32> to vector<1x400x128xf32>
    tpu.vector_store %arg5[%swap3A_156, %swap3A_157, %swap3A_158], %swap3A_161 {strides = array<i32>} : memref<16x400x128xf32, #tpu.memory_space<vmem>>, vector<1x400x128xf32>,
    %get3A_162 = arith.constant 10 : index
    %get3A_163 = memref.load %arg3[%get3A_162] : memref<16xf32, #tpu.memory_space<smem>>
    %mul3A_164 = vector.broadcast %get3A_163 : f32 to vector<400x128xf32>
    %mul3A_165 = arith.mulf %mul3A_164, %dot_general3A_7 : vector<400x128xf32>
    %get3A_166 = arith.constant 10 : index
    %get3A_167 = memref.load %arg4[%get3A_166] : memref<16xf32, #tpu.memory_space<smem>>
    %mul3A_168 = vector.broadcast %get3A_167 : f32 to vector<400x128xf32>
    %mul3A_169 = arith.mulf %mul3A_168, %dot_general3A_14 : vector<400x128xf32>
    %add3A_170 = arith.addf %mul3A_165, %mul3A_169 : vector<400x128xf32>
    %swap3A_171 = arith.constant 10 : index
    %swap3A_172 = arith.constant 0 : index
    %swap3A_173 = arith.constant 0 : index
    %swap3A_174 = vector.load %arg5[%swap3A_171, %swap3A_172, %swap3A_173] : memref<16x400x128xf32, #tpu.memory_space<vmem>>, vector<1x400x128xf32>
    %swap3A_175 = vector.shape_cast %swap3A_174 : vector<1x400x128xf32> to vector<400x128xf32>
    %swap3A_176 = vector.shape_cast %add3A_170 : vector<400x128xf32> to vector<1x400x128xf32>
    tpu.vector_store %arg5[%swap3A_171, %swap3A_172, %swap3A_173], %swap3A_176 {strides = array<i32>} : memref<16x400x128xf32, #tpu.memory_space<vmem>>, vector<1x400x128xf32>,
    %get3A_177 = arith.constant 11 : index
    %get3A_178 = memref.load %arg3[%get3A_177] : memref<16xf32, #tpu.memory_space<smem>>
    %mul3A_179 = vector.broadcast %get3A_178 : f32 to vector<400x128xf32>
    %mul3A_180 = arith.mulf %mul3A_179, %dot_general3A_7 : vector<400x128xf32>
    %get3A_181 = arith.constant 11 : index
    %get3A_182 = memref.load %arg4[%get3A_181] : memref<16xf32, #tpu.memory_space<smem>>
    %mul3A_183 = vector.broadcast %get3A_182 : f32 to vector<400x128xf32>
    %mul3A_184 = arith.mulf %mul3A_183, %dot_general3A_14 : vector<400x128xf32>
    %add3A_185 = arith.addf %mul3A_180, %mul3A_184 : vector<400x128xf32>
    %swap3A_186 = arith.constant 11 : index
    %swap3A_187 = arith.constant 0 : index
    %swap3A_188 = arith.constant 0 : index
    %swap3A_189 = vector.load %arg5[%swap3A_186, %swap3A_187, %swap3A_188] : memref<16x400x128xf32, #tpu.memory_space<vmem>>, vector<1x400x128xf32>
    %swap3A_190 = vector.shape_cast %swap3A_189 : vector<1x400x128xf32> to vector<400x128xf32>
    %swap3A_191 = vector.shape_cast %add3A_185 : vector<400x128xf32> to vector<1x400x128xf32>
    tpu.vector_store %arg5[%swap3A_186, %swap3A_187, %swap3A_188], %swap3A_191 {strides = array<i32>} : memref<16x400x128xf32, #tpu.memory_space<vmem>>, vector<1x400x128xf32>,
    %get3A_192 = arith.constant 12 : index
    %get3A_193 = memref.load %arg3[%get3A_192] : memref<16xf32, #tpu.memory_space<smem>>
    %mul3A_194 = vector.broadcast %get3A_193 : f32 to vector<400x128xf32>
    %mul3A_195 = arith.mulf %mul3A_194, %dot_general3A_7 : vector<400x128xf32>
    %get3A_196 = arith.constant 12 : index
    %get3A_197 = memref.load %arg4[%get3A_196] : memref<16xf32, #tpu.memory_space<smem>>
    %mul3A_198 = vector.broadcast %get3A_197 : f32 to vector<400x128xf32>
    %mul3A_199 = arith.mulf %mul3A_198, %dot_general3A_14 : vector<400x128xf32>
    %add3A_200 = arith.addf %mul3A_195, %mul3A_199 : vector<400x128xf32>
    %swap3A_201 = arith.constant 12 : index
    %swap3A_202 = arith.constant 0 : index
    %swap3A_203 = arith.constant 0 : index
    %swap3A_204 = vector.load %arg5[%swap3A_201, %swap3A_202, %swap3A_203] : memref<16x400x128xf32, #tpu.memory_space<vmem>>, vector<1x400x128xf32>
    %swap3A_205 = vector.shape_cast %swap3A_204 : vector<1x400x128xf32> to vector<400x128xf32>
    %swap3A_206 = vector.shape_cast %add3A_200 : vector<400x128xf32> to vector<1x400x128xf32>
    tpu.vector_store %arg5[%swap3A_201, %swap3A_202, %swap3A_203], %swap3A_206 {strides = array<i32>} : memref<16x400x128xf32, #tpu.memory_space<vmem>>, vector<1x400x128xf32>,
    %get3A_207 = arith.constant 13 : index
    %get3A_208 = memref.load %arg3[%get3A_207] : memref<16xf32, #tpu.memory_space<smem>>
    %mul3A_209 = vector.broadcast %get3A_208 : f32 to vector<400x128xf32>
    %mul3A_210 = arith.mulf %mul3A_209, %dot_general3A_7 : vector<400x128xf32>
    %get3A_211 = arith.constant 13 : index
    %get3A_212 = memref.load %arg4[%get3A_211] : memref<16xf32, #tpu.memory_space<smem>>
    %mul3A_213 = vector.broadcast %get3A_212 : f32 to vector<400x128xf32>
    %mul3A_214 = arith.mulf %mul3A_213, %dot_general3A_14 : vector<400x128xf32>
    %add3A_215 = arith.addf %mul3A_210, %mul3A_214 : vector<400x128xf32>
    %swap3A_216 = arith.constant 13 : index
    %swap3A_217 = arith.constant 0 : index
    %swap3A_218 = arith.constant 0 : index
    %swap3A_219 = vector.load %arg5[%swap3A_216, %swap3A_217, %swap3A_218] : memref<16x400x128xf32, #tpu.memory_space<vmem>>, vector<1x400x128xf32>
    %swap3A_220 = vector.shape_cast %swap3A_219 : vector<1x400x128xf32> to vector<400x128xf32>
    %swap3A_221 = vector.shape_cast %add3A_215 : vector<400x128xf32> to vector<1x400x128xf32>
    tpu.vector_store %arg5[%swap3A_216, %swap3A_217, %swap3A_218], %swap3A_221 {strides = array<i32>} : memref<16x400x128xf32, #tpu.memory_space<vmem>>, vector<1x400x128xf32>,
    %get3A_222 = arith.constant 14 : index
    %get3A_223 = memref.load %arg3[%get3A_222] : memref<16xf32, #tpu.memory_space<smem>>
    %mul3A_224 = vector.broadcast %get3A_223 : f32 to vector<400x128xf32>
    %mul3A_225 = arith.mulf %mul3A_224, %dot_general3A_7 : vector<400x128xf32>
    %get3A_226 = arith.constant 14 : index
    %get3A_227 = memref.load %arg4[%get3A_226] : memref<16xf32, #tpu.memory_space<smem>>
    %mul3A_228 = vector.broadcast %get3A_227 : f32 to vector<400x128xf32>
    %mul3A_229 = arith.mulf %mul3A_228, %dot_general3A_14 : vector<400x128xf32>
    %add3A_230 = arith.addf %mul3A_225, %mul3A_229 : vector<400x128xf32>
    %swap3A_231 = arith.constant 14 : index
    %swap3A_232 = arith.constant 0 : index
    %swap3A_233 = arith.constant 0 : index
    %swap3A_234 = vector.load %arg5[%swap3A_231, %swap3A_232, %swap3A_233] : memref<16x400x128xf32, #tpu.memory_space<vmem>>, vector<1x400x128xf32>
    %swap3A_235 = vector.shape_cast %swap3A_234 : vector<1x400x128xf32> to vector<400x128xf32>
    %swap3A_236 = vector.shape_cast %add3A_230 : vector<400x128xf32> to vector<1x400x128xf32>
    tpu.vector_store %arg5[%swap3A_231, %swap3A_232, %swap3A_233], %swap3A_236 {strides = array<i32>} : memref<16x400x128xf32, #tpu.memory_space<vmem>>, vector<1x400x128xf32>,
    %get3A_237 = arith.constant 15 : index
    %get3A_238 = memref.load %arg3[%get3A_237] : memref<16xf32, #tpu.memory_space<smem>>
    %mul3A_239 = vector.broadcast %get3A_238 : f32 to vector<400x128xf32>
    %mul3A_240 = arith.mulf %mul3A_239, %dot_general3A_7 : vector<400x128xf32>
    %get3A_241 = arith.constant 15 : index
    %get3A_242 = memref.load %arg4[%get3A_241] : memref<16xf32, #tpu.memory_space<smem>>
    %mul3A_243 = vector.broadcast %get3A_242 : f32 to vector<400x128xf32>
    %mul3A_244 = arith.mulf %mul3A_243, %dot_general3A_14 : vector<400x128xf32>
    %add3A_245 = arith.addf %mul3A_240, %mul3A_244 : vector<400x128xf32>
    %swap3A_246 = arith.constant 15 : index
    %swap3A_247 = arith.constant 0 : index
    %swap3A_248 = arith.constant 0 : index
    %swap3A_249 = vector.load %arg5[%swap3A_246, %swap3A_247, %swap3A_248] : memref<16x400x128xf32, #tpu.memory_space<vmem>>, vector<1x400x128xf32>
    %swap3A_250 = vector.shape_cast %swap3A_249 : vector<1x400x128xf32> to vector<400x128xf32>
    %swap3A_251 = vector.shape_cast %add3A_245 : vector<400x128xf32> to vector<1x400x128xf32>
    tpu.vector_store %arg5[%swap3A_246, %swap3A_247, %swap3A_248], %swap3A_251 {strides = array<i32>} : memref<16x400x128xf32, #tpu.memory_space<vmem>>, vector<1x400x128xf32>,
    return
  }
  func.func @transform_0(%arg0: i32) -> (i32, i32) {
    %c0_i32 = arith.constant 0 : i32
    %c0_i32_0 = arith.constant 0 : i32
    return %arg0, %c0_i32 : i32, i32
  }
  func.func @transform_1(%arg0: i32) -> (i32, i32, i32) {
    %c0_i32 = arith.constant 0 : i32
    %c0_i32_0 = arith.constant 0 : i32
    %c0_i32_1 = arith.constant 0 : i32
    %c0_i32_2 = arith.constant 0 : i32
    return %c0_i32, %c0_i32_0, %c0_i32_1 : i32, i32, i32
  }
  func.func @transform_2(%arg0: i32) -> i32 {
    %c0_i32 = arith.constant 0 : i32
    %c0_i32_0 = arith.constant 0 : i32
    return %c0_i32 : i32
  }
  func.func @transform_3(%arg0: i32) -> i32 {
    %c0_i32 = arith.constant 0 : i32
    %c0_i32_0 = arith.constant 0 : i32
    return %c0_i32 : i32
  }
  func.func @transform_4(%arg0: i32) -> (i32, i32, i32) {
    %c0_i32 = arith.constant 0 : i32
    %c0_i32_0 = arith.constant 0 : i32
    %c0_i32_1 = arith.constant 0 : i32
    return %c0_i32, %arg0, %c0_i32_0 : i32, i32, i32
  }
}

module attributes {stable_mosaic.version = 14 : i64} {
  func.func @_dense0_body(%arg0: i32, %arg1: memref<2x400x128xf32, #tpu.memory_space<vmem>>, %arg2: memref<2x400x128xf32, #tpu.memory_space<vmem>>, %arg3: memref<400x128xf32, #tpu.memory_space<vmem>>, %arg4: memref<400x128xf32, #tpu.memory_space<vmem>>, %arg5: memref<400x1xf32, #tpu.memory_space<vmem>>, %arg6: memref<128x128xf32, #tpu.memory_space<vmem>>, %arg7: memref<128xf32, #tpu.memory_space<vmem>>, %arg8: memref<128x384xf32, #tpu.memory_space<vmem>>, %arg9: memref<128x384xf32, #tpu.memory_space<vmem>>, %arg10: memref<384xf32, #tpu.memory_space<vmem>>, %arg11: memref<384xf32, #tpu.memory_space<vmem>>, %arg12: memref<400x128xf32, #tpu.memory_space<vmem>>, %arg13: memref<400x128xf32, #tpu.memory_space<vmem>>) attributes {dimension_semantics = [#tpu.dimension_semantics<arbitrary>], iteration_bounds = array<i64: 25>, scalar_prefetch = 0 : i64, scratch_operands = 0 : i64, tpu.core_type = #tpu.core_type<tc>, window_params = [{transform_indices = @transform_0, window_bounds = array<i64: 2, 400, 128>}, {transform_indices = @transform_1, window_bounds = array<i64: 2, 400, 128>}, {transform_indices = @transform_2, window_bounds = array<i64: 400, 128>}, {transform_indices = @transform_3, window_bounds = array<i64: 400, 128>}, {transform_indices = @transform_4, window_bounds = array<i64: 400, 1>}, {pipeline_mode = #tpu.pipeline_mode<synchronous>, transform_indices = @transform_5, window_bounds = array<i64: 128, 128>}, {pipeline_mode = #tpu.pipeline_mode<synchronous>, transform_indices = @transform_6, window_bounds = array<i64: 128>}, {pipeline_mode = #tpu.pipeline_mode<synchronous>, transform_indices = @transform_7, window_bounds = array<i64: 128, 384>}, {pipeline_mode = #tpu.pipeline_mode<synchronous>, transform_indices = @transform_8, window_bounds = array<i64: 128, 384>}, {pipeline_mode = #tpu.pipeline_mode<synchronous>, transform_indices = @transform_9, window_bounds = array<i64: 384>}, {pipeline_mode = #tpu.pipeline_mode<synchronous>, transform_indices = @transform_10, window_bounds = array<i64: 384>}, {transform_indices = @transform_11, window_bounds = array<i64: 400, 128>}, {transform_indices = @transform_12, window_bounds = array<i64: 400, 128>}]} {
    %get3A = arith.constant 0 : index
    %get3A_0 = arith.constant 0 : index
    %get3A_1 = vector.load %arg3[%get3A, %get3A_0] : memref<400x128xf32, #tpu.memory_space<vmem>>, vector<400x128xf32>
    %get3A_2 = arith.constant 0 : index
    %get3A_3 = arith.constant 0 : index
    %get3A_4 = arith.constant 0 : index
    %get3A_5 = vector.load %arg1[%get3A_2, %get3A_3, %get3A_4] : memref<2x400x128xf32, #tpu.memory_space<vmem>>, vector<1x400x128xf32>
    %get3A_6 = vector.shape_cast %get3A_5 : vector<1x400x128xf32> to vector<400x128xf32>
    %get3A_7 = arith.constant 1 : index
    %get3A_8 = arith.constant 0 : index
    %get3A_9 = arith.constant 0 : index
    %get3A_10 = vector.load %arg1[%get3A_7, %get3A_8, %get3A_9] : memref<2x400x128xf32, #tpu.memory_space<vmem>>, vector<1x400x128xf32>
    %get3A_11 = vector.shape_cast %get3A_10 : vector<1x400x128xf32> to vector<400x128xf32>
    %add3A = arith.addf %get3A_6, %get3A_11 : vector<400x128xf32>
    %get3A_12 = arith.constant 0 : index
    %get3A_13 = arith.constant 0 : index
    %get3A_14 = arith.constant 0 : index
    %get3A_15 = vector.load %arg2[%get3A_12, %get3A_13, %get3A_14] : memref<2x400x128xf32, #tpu.memory_space<vmem>>, vector<1x400x1xf32>
    %get3A_16 = vector.shape_cast %get3A_15 : vector<1x400x1xf32> to vector<400x1xf32>
    %get3A_17 = arith.constant 1 : index
    %get3A_18 = arith.constant 0 : index
    %get3A_19 = arith.constant 0 : index
    %get3A_20 = vector.load %arg2[%get3A_17, %get3A_18, %get3A_19] : memref<2x400x128xf32, #tpu.memory_space<vmem>>, vector<1x400x1xf32>
    %get3A_21 = vector.shape_cast %get3A_20 : vector<1x400x1xf32> to vector<400x1xf32>
    %add3A_22 = arith.addf %get3A_16, %get3A_21 : vector<400x1xf32>
    %max3A = arith.constant 1.000000e+00 : f32
    %max3A_23 = vector.broadcast %max3A : f32 to vector<400x1xf32>
    %max3A_24 = arith.maximumf %add3A_22, %max3A_23 : vector<400x1xf32>
    %div3A = vector.broadcast %max3A_24 : vector<400x1xf32> to vector<400x128xf32>
    %div3A_25 = arith.divf %add3A, %div3A : vector<400x128xf32>
    %get3A_26 = arith.constant 0 : index
    %get3A_27 = arith.constant 0 : index
    %get3A_28 = vector.load %arg6[%get3A_26, %get3A_27] : memref<128x128xf32, #tpu.memory_space<vmem>>, vector<128x128xf32>
    %dot_general3A = arith.constant dense<0.000000e+00> : vector<400x128xf32>
    %dot_general3A_29 = tpu.matmul %get3A_1, %get3A_28, %dot_general3A {dimension_numbers = #tpu.dot_dimension_numbers<[1], [0], [0], [1], [0, 0, 1, 1], [], []>, transpose_lhs_hint = false} : vector<400x128xf32>, vector<128x128xf32>, vector<400x128xf32> -> vector<400x128xf32>
    %add3A_30 = arith.addf %div3A_25, %dot_general3A_29 : vector<400x128xf32>
    %get3A_31 = arith.constant 0 : index
    %get3A_32 = vector.load %arg7[%get3A_31] : memref<128xf32, #tpu.memory_space<vmem>>, vector<128xf32>
    %broadcast_in_dim3A = vector.shape_cast %get3A_32 : vector<128xf32> to vector<1x128xf32>
    %add3A_33 = vector.broadcast %broadcast_in_dim3A : vector<1x128xf32> to vector<400x128xf32>
    %add3A_34 = arith.addf %add3A_30, %add3A_33 : vector<400x128xf32>
    %max3A_35 = arith.constant 0.000000e+00 : f32
    %max3A_36 = vector.broadcast %max3A_35 : f32 to vector<400x128xf32>
    %max3A_37 = arith.maximumf %add3A_34, %max3A_36 : vector<400x128xf32>
    %get3A_38 = arith.constant 0 : index
    %get3A_39 = arith.constant 0 : index
    %get3A_40 = vector.load %arg4[%get3A_38, %get3A_39] : memref<400x128xf32, #tpu.memory_space<vmem>>, vector<400x128xf32>
    %get3A_41 = arith.constant 0 : index
    %get3A_42 = arith.constant 0 : index
    %get3A_43 = vector.load %arg5[%get3A_41, %get3A_42] : memref<400x1xf32, #tpu.memory_space<vmem>>, vector<400x1xf32>
    %neg3A = arith.constant 0.000000e+00 : f32
    %neg3A_44 = vector.broadcast %neg3A : f32 to vector<400x1xf32>
    %neg3A_45 = arith.subf %neg3A_44, %get3A_43 : vector<400x1xf32>
    %mul3A = arith.constant 1.000000e-01 : f32
    %mul3A_46 = vector.broadcast %mul3A : f32 to vector<400x1xf32>
    %mul3A_47 = arith.mulf %neg3A_45, %mul3A_46 : vector<400x1xf32>
    %exp3A = math.exp %mul3A_47 : vector<400x1xf32>
    %mul3A_48 = vector.broadcast %exp3A : vector<400x1xf32> to vector<400x128xf32>
    %mul3A_49 = arith.mulf %get3A_40, %mul3A_48 : vector<400x128xf32>
    %get3A_50 = arith.constant 0 : index
    %get3A_51 = arith.constant 0 : index
    %get3A_52 = vector.load %arg8[%get3A_50, %get3A_51] : memref<128x384xf32, #tpu.memory_space<vmem>>, vector<128x384xf32>
    %dot_general3A_53 = arith.constant dense<0.000000e+00> : vector<400x384xf32>
    %dot_general3A_54 = tpu.matmul %max3A_37, %get3A_52, %dot_general3A_53 {dimension_numbers = #tpu.dot_dimension_numbers<[1], [0], [0], [1], [0, 0, 1, 1], [], []>, transpose_lhs_hint = false} : vector<400x128xf32>, vector<128x384xf32>, vector<400x384xf32> -> vector<400x384xf32>
    %get3A_55 = arith.constant 0 : index
    %get3A_56 = vector.load %arg10[%get3A_55] : memref<384xf32, #tpu.memory_space<vmem>>, vector<384xf32>
    %broadcast_in_dim3A_57 = vector.shape_cast %get3A_56 : vector<384xf32> to vector<1x384xf32>
    %add3A_58 = vector.broadcast %broadcast_in_dim3A_57 : vector<1x384xf32> to vector<400x384xf32>
    %add3A_59 = arith.addf %dot_general3A_54, %add3A_58 : vector<400x384xf32>
    %get3A_60 = arith.constant 0 : index
    %get3A_61 = arith.constant 0 : index
    %get3A_62 = vector.load %arg9[%get3A_60, %get3A_61] : memref<128x384xf32, #tpu.memory_space<vmem>>, vector<128x384xf32>
    %dot_general3A_63 = arith.constant dense<0.000000e+00> : vector<400x384xf32>
    %dot_general3A_64 = tpu.matmul %mul3A_49, %get3A_62, %dot_general3A_63 {dimension_numbers = #tpu.dot_dimension_numbers<[1], [0], [0], [1], [0, 0, 1, 1], [], []>, transpose_lhs_hint = false} : vector<400x128xf32>, vector<128x384xf32>, vector<400x384xf32> -> vector<400x384xf32>
    %get3A_65 = arith.constant 0 : index
    %get3A_66 = vector.load %arg11[%get3A_65] : memref<384xf32, #tpu.memory_space<vmem>>, vector<384xf32>
    %broadcast_in_dim3A_67 = vector.shape_cast %get3A_66 : vector<384xf32> to vector<1x384xf32>
    %add3A_68 = vector.broadcast %broadcast_in_dim3A_67 : vector<1x384xf32> to vector<400x384xf32>
    %add3A_69 = arith.addf %dot_general3A_64, %add3A_68 : vector<400x384xf32>
    %slice3A = vector.extract_strided_slice %add3A_59 {offsets = [0, 0], sizes = [400, 128], strides = [1, 1]} : vector<400x384xf32> to vector<400x128xf32>
    %slice3A_70 = vector.extract_strided_slice %add3A_69 {offsets = [0, 0], sizes = [400, 128], strides = [1, 1]} : vector<400x384xf32> to vector<400x128xf32>
    %add3A_71 = arith.addf %slice3A, %slice3A_70 : vector<400x128xf32>
    %logistic3A = arith.negf %add3A_71 : vector<400x128xf32>
    %logistic3A_72 = math.exp %logistic3A : vector<400x128xf32>
    %logistic3A_73 = arith.constant 1.000000e+00 : f32
    %logistic3A_74 = vector.broadcast %logistic3A_73 : f32 to vector<400x128xf32>
    %logistic3A_75 = arith.addf %logistic3A_74, %logistic3A_72 : vector<400x128xf32>
    %logistic3A_76 = arith.divf %logistic3A_74, %logistic3A_75 : vector<400x128xf32>
    %slice3A_77 = vector.extract_strided_slice %add3A_59 {offsets = [0, 128], sizes = [400, 128], strides = [1, 1]} : vector<400x384xf32> to vector<400x128xf32>
    %slice3A_78 = vector.extract_strided_slice %add3A_69 {offsets = [0, 128], sizes = [400, 128], strides = [1, 1]} : vector<400x384xf32> to vector<400x128xf32>
    %add3A_79 = arith.addf %slice3A_77, %slice3A_78 : vector<400x128xf32>
    %logistic3A_80 = arith.negf %add3A_79 : vector<400x128xf32>
    %logistic3A_81 = math.exp %logistic3A_80 : vector<400x128xf32>
    %logistic3A_82 = arith.constant 1.000000e+00 : f32
    %logistic3A_83 = vector.broadcast %logistic3A_82 : f32 to vector<400x128xf32>
    %logistic3A_84 = arith.addf %logistic3A_83, %logistic3A_81 : vector<400x128xf32>
    %logistic3A_85 = arith.divf %logistic3A_83, %logistic3A_84 : vector<400x128xf32>
    %slice3A_86 = vector.extract_strided_slice %add3A_59 {offsets = [0, 256], sizes = [400, 128], strides = [1, 1]} : vector<400x384xf32> to vector<400x128xf32>
    %slice3A_87 = vector.extract_strided_slice %add3A_69 {offsets = [0, 256], sizes = [400, 128], strides = [1, 1]} : vector<400x384xf32> to vector<400x128xf32>
    %mul3A_88 = arith.mulf %logistic3A_76, %slice3A_87 : vector<400x128xf32>
    %add3A_89 = arith.addf %slice3A_86, %mul3A_88 : vector<400x128xf32>
    %tanh3A = math.tanh %add3A_89 : vector<400x128xf32>
    %sub3A = arith.constant 1.000000e+00 : f32
    %sub3A_90 = vector.broadcast %sub3A : f32 to vector<400x128xf32>
    %sub3A_91 = arith.subf %sub3A_90, %logistic3A_85 : vector<400x128xf32>
    %mul3A_92 = arith.mulf %sub3A_91, %tanh3A : vector<400x128xf32>
    %mul3A_93 = arith.mulf %logistic3A_85, %mul3A_49 : vector<400x128xf32>
    %add3A_94 = arith.addf %mul3A_92, %mul3A_93 : vector<400x128xf32>
    %swap3A = arith.constant 0 : index
    %swap3A_95 = arith.constant 0 : index
    %swap3A_96 = vector.load %arg12[%swap3A, %swap3A_95] : memref<400x128xf32, #tpu.memory_space<vmem>>, vector<400x128xf32>
    tpu.vector_store %arg12[%swap3A, %swap3A_95], %add3A_94 {strides = array<i32>} : memref<400x128xf32, #tpu.memory_space<vmem>>, vector<400x128xf32>,
    %add3A_97 = arith.addf %max3A_37, %get3A_1 : vector<400x128xf32>
    %swap3A_98 = arith.constant 0 : index
    %swap3A_99 = arith.constant 0 : index
    %swap3A_100 = vector.load %arg13[%swap3A_98, %swap3A_99] : memref<400x128xf32, #tpu.memory_space<vmem>>, vector<400x128xf32>
    tpu.vector_store %arg13[%swap3A_98, %swap3A_99], %add3A_97 {strides = array<i32>} : memref<400x128xf32, #tpu.memory_space<vmem>>, vector<400x128xf32>,
    return
  }
  func.func @transform_0(%arg0: i32) -> (i32, i32, i32) {
    %c0_i32 = arith.constant 0 : i32
    %c0_i32_0 = arith.constant 0 : i32
    %c0_i32_1 = arith.constant 0 : i32
    return %c0_i32, %arg0, %c0_i32_0 : i32, i32, i32
  }
  func.func @transform_1(%arg0: i32) -> (i32, i32, i32) {
    %c0_i32 = arith.constant 0 : i32
    %c0_i32_0 = arith.constant 0 : i32
    %c0_i32_1 = arith.constant 0 : i32
    return %c0_i32, %arg0, %c0_i32_0 : i32, i32, i32
  }
  func.func @transform_2(%arg0: i32) -> (i32, i32) {
    %c0_i32 = arith.constant 0 : i32
    %c0_i32_0 = arith.constant 0 : i32
    return %arg0, %c0_i32 : i32, i32
  }
  func.func @transform_3(%arg0: i32) -> (i32, i32) {
    %c0_i32 = arith.constant 0 : i32
    %c0_i32_0 = arith.constant 0 : i32
    return %arg0, %c0_i32 : i32, i32
  }
  func.func @transform_4(%arg0: i32) -> (i32, i32) {
    %c0_i32 = arith.constant 0 : i32
    %c0_i32_0 = arith.constant 0 : i32
    return %arg0, %c0_i32 : i32, i32
  }
  func.func @transform_5(%arg0: i32) -> (i32, i32) {
    %c0_i32 = arith.constant 0 : i32
    %c0_i32_0 = arith.constant 0 : i32
    %c0_i32_1 = arith.constant 0 : i32
    return %c0_i32, %c0_i32_0 : i32, i32
  }
  func.func @transform_6(%arg0: i32) -> i32 {
    %c0_i32 = arith.constant 0 : i32
    %c0_i32_0 = arith.constant 0 : i32
    return %c0_i32 : i32
  }
  func.func @transform_7(%arg0: i32) -> (i32, i32) {
    %c0_i32 = arith.constant 0 : i32
    %c0_i32_0 = arith.constant 0 : i32
    %c0_i32_1 = arith.constant 0 : i32
    return %c0_i32, %c0_i32_0 : i32, i32
  }
  func.func @transform_8(%arg0: i32) -> (i32, i32) {
    %c0_i32 = arith.constant 0 : i32
    %c0_i32_0 = arith.constant 0 : i32
    %c0_i32_1 = arith.constant 0 : i32
    return %c0_i32, %c0_i32_0 : i32, i32
  }
  func.func @transform_9(%arg0: i32) -> i32 {
    %c0_i32 = arith.constant 0 : i32
    %c0_i32_0 = arith.constant 0 : i32
    return %c0_i32 : i32
  }
  func.func @transform_10(%arg0: i32) -> i32 {
    %c0_i32 = arith.constant 0 : i32
    %c0_i32_0 = arith.constant 0 : i32
    return %c0_i32 : i32
  }
  func.func @transform_11(%arg0: i32) -> (i32, i32) {
    %c0_i32 = arith.constant 0 : i32
    %c0_i32_0 = arith.constant 0 : i32
    return %arg0, %c0_i32 : i32, i32
  }
  func.func @transform_12(%arg0: i32) -> (i32, i32) {
    %c0_i32 = arith.constant 0 : i32
    %c0_i32_0 = arith.constant 0 : i32
    return %arg0, %c0_i32 : i32, i32
  }
}

module attributes {stable_mosaic.version = 14 : i64} {
  func.func @_dense1_body(%arg0: i32, %arg1: memref<2x400x128xf32, #tpu.memory_space<vmem>>, %arg2: memref<2x400x128xf32, #tpu.memory_space<vmem>>, %arg3: memref<400x128xf32, #tpu.memory_space<vmem>>, %arg4: memref<400x128xf32, #tpu.memory_space<vmem>>, %arg5: memref<400x1xf32, #tpu.memory_space<vmem>>, %arg6: memref<400x128xf32, #tpu.memory_space<vmem>>, %arg7: memref<2xf32, #tpu.memory_space<smem>>, %arg8: memref<128x128xf32, #tpu.memory_space<vmem>>, %arg9: memref<128xf32, #tpu.memory_space<vmem>>, %arg10: memref<128x384xf32, #tpu.memory_space<vmem>>, %arg11: memref<128x384xf32, #tpu.memory_space<vmem>>, %arg12: memref<384xf32, #tpu.memory_space<vmem>>, %arg13: memref<384xf32, #tpu.memory_space<vmem>>, %arg14: memref<400x128xf32, #tpu.memory_space<vmem>>, %arg15: memref<400x128xf32, #tpu.memory_space<vmem>>) attributes {dimension_semantics = [#tpu.dimension_semantics<arbitrary>], iteration_bounds = array<i64: 25>, scalar_prefetch = 0 : i64, scratch_operands = 0 : i64, tpu.core_type = #tpu.core_type<tc>, window_params = [{transform_indices = @transform_0, window_bounds = array<i64: 2, 400, 128>}, {transform_indices = @transform_1, window_bounds = array<i64: 2, 400, 128>}, {transform_indices = @transform_2, window_bounds = array<i64: 400, 128>}, {transform_indices = @transform_3, window_bounds = array<i64: 400, 128>}, {transform_indices = @transform_4, window_bounds = array<i64: 400, 1>}, {transform_indices = @transform_5, window_bounds = array<i64: 400, 128>}, {transform_indices = @transform_6, window_bounds = array<i64: 2>}, {pipeline_mode = #tpu.pipeline_mode<synchronous>, transform_indices = @transform_7, window_bounds = array<i64: 128, 128>}, {pipeline_mode = #tpu.pipeline_mode<synchronous>, transform_indices = @transform_8, window_bounds = array<i64: 128>}, {pipeline_mode = #tpu.pipeline_mode<synchronous>, transform_indices = @transform_9, window_bounds = array<i64: 128, 384>}, {pipeline_mode = #tpu.pipeline_mode<synchronous>, transform_indices = @transform_10, window_bounds = array<i64: 128, 384>}, {pipeline_mode = #tpu.pipeline_mode<synchronous>, transform_indices = @transform_11, window_bounds = array<i64: 384>}, {pipeline_mode = #tpu.pipeline_mode<synchronous>, transform_indices = @transform_12, window_bounds = array<i64: 384>}, {transform_indices = @transform_13, window_bounds = array<i64: 400, 128>}, {transform_indices = @transform_14, window_bounds = array<i64: 400, 128>}]} {
    %get3A = arith.constant 0 : index
    %get3A_0 = arith.constant 0 : index
    %get3A_1 = vector.load %arg3[%get3A, %get3A_0] : memref<400x128xf32, #tpu.memory_space<vmem>>, vector<400x128xf32>
    %get3A_2 = arith.constant 0 : index
    %get3A_3 = arith.constant 0 : index
    %get3A_4 = arith.constant 0 : index
    %get3A_5 = vector.load %arg1[%get3A_2, %get3A_3, %get3A_4] : memref<2x400x128xf32, #tpu.memory_space<vmem>>, vector<1x400x128xf32>
    %get3A_6 = vector.shape_cast %get3A_5 : vector<1x400x128xf32> to vector<400x128xf32>
    %get3A_7 = arith.constant 1 : index
    %get3A_8 = arith.constant 0 : index
    %get3A_9 = arith.constant 0 : index
    %get3A_10 = vector.load %arg1[%get3A_7, %get3A_8, %get3A_9] : memref<2x400x128xf32, #tpu.memory_space<vmem>>, vector<1x400x128xf32>
    %get3A_11 = vector.shape_cast %get3A_10 : vector<1x400x128xf32> to vector<400x128xf32>
    %add3A = arith.addf %get3A_6, %get3A_11 : vector<400x128xf32>
    %get3A_12 = arith.constant 0 : index
    %get3A_13 = arith.constant 0 : index
    %get3A_14 = arith.constant 0 : index
    %get3A_15 = vector.load %arg2[%get3A_12, %get3A_13, %get3A_14] : memref<2x400x128xf32, #tpu.memory_space<vmem>>, vector<1x400x1xf32>
    %get3A_16 = vector.shape_cast %get3A_15 : vector<1x400x1xf32> to vector<400x1xf32>
    %get3A_17 = arith.constant 1 : index
    %get3A_18 = arith.constant 0 : index
    %get3A_19 = arith.constant 0 : index
    %get3A_20 = vector.load %arg2[%get3A_17, %get3A_18, %get3A_19] : memref<2x400x128xf32, #tpu.memory_space<vmem>>, vector<1x400x1xf32>
    %get3A_21 = vector.shape_cast %get3A_20 : vector<1x400x1xf32> to vector<400x1xf32>
    %add3A_22 = arith.addf %get3A_16, %get3A_21 : vector<400x1xf32>
    %max3A = arith.constant 1.000000e+00 : f32
    %max3A_23 = vector.broadcast %max3A : f32 to vector<400x1xf32>
    %max3A_24 = arith.maximumf %add3A_22, %max3A_23 : vector<400x1xf32>
    %div3A = vector.broadcast %max3A_24 : vector<400x1xf32> to vector<400x128xf32>
    %div3A_25 = arith.divf %add3A, %div3A : vector<400x128xf32>
    %get3A_26 = arith.constant 0 : index
    %get3A_27 = arith.constant 0 : index
    %get3A_28 = vector.load %arg8[%get3A_26, %get3A_27] : memref<128x128xf32, #tpu.memory_space<vmem>>, vector<128x128xf32>
    %dot_general3A = arith.constant dense<0.000000e+00> : vector<400x128xf32>
    %dot_general3A_29 = tpu.matmul %get3A_1, %get3A_28, %dot_general3A {dimension_numbers = #tpu.dot_dimension_numbers<[1], [0], [0], [1], [0, 0, 1, 1], [], []>, transpose_lhs_hint = false} : vector<400x128xf32>, vector<128x128xf32>, vector<400x128xf32> -> vector<400x128xf32>
    %add3A_30 = arith.addf %div3A_25, %dot_general3A_29 : vector<400x128xf32>
    %get3A_31 = arith.constant 0 : index
    %get3A_32 = vector.load %arg9[%get3A_31] : memref<128xf32, #tpu.memory_space<vmem>>, vector<128xf32>
    %broadcast_in_dim3A = vector.shape_cast %get3A_32 : vector<128xf32> to vector<1x128xf32>
    %add3A_33 = vector.broadcast %broadcast_in_dim3A : vector<1x128xf32> to vector<400x128xf32>
    %add3A_34 = arith.addf %add3A_30, %add3A_33 : vector<400x128xf32>
    %max3A_35 = arith.constant 0.000000e+00 : f32
    %max3A_36 = vector.broadcast %max3A_35 : f32 to vector<400x128xf32>
    %max3A_37 = arith.maximumf %add3A_34, %max3A_36 : vector<400x128xf32>
    %get3A_38 = arith.constant 0 : index
    %get3A_39 = arith.constant 0 : index
    %get3A_40 = vector.load %arg4[%get3A_38, %get3A_39] : memref<400x128xf32, #tpu.memory_space<vmem>>, vector<400x128xf32>
    %get3A_41 = arith.constant 0 : index
    %get3A_42 = arith.constant 0 : index
    %get3A_43 = vector.load %arg5[%get3A_41, %get3A_42] : memref<400x1xf32, #tpu.memory_space<vmem>>, vector<400x1xf32>
    %neg3A = arith.constant 0.000000e+00 : f32
    %neg3A_44 = vector.broadcast %neg3A : f32 to vector<400x1xf32>
    %neg3A_45 = arith.subf %neg3A_44, %get3A_43 : vector<400x1xf32>
    %mul3A = arith.constant 1.000000e-01 : f32
    %mul3A_46 = vector.broadcast %mul3A : f32 to vector<400x1xf32>
    %mul3A_47 = arith.mulf %neg3A_45, %mul3A_46 : vector<400x1xf32>
    %exp3A = math.exp %mul3A_47 : vector<400x1xf32>
    %mul3A_48 = vector.broadcast %exp3A : vector<400x1xf32> to vector<400x128xf32>
    %mul3A_49 = arith.mulf %get3A_40, %mul3A_48 : vector<400x128xf32>
    %get3A_50 = arith.constant 0 : index
    %get3A_51 = arith.constant 0 : index
    %get3A_52 = vector.load %arg10[%get3A_50, %get3A_51] : memref<128x384xf32, #tpu.memory_space<vmem>>, vector<128x384xf32>
    %dot_general3A_53 = arith.constant dense<0.000000e+00> : vector<400x384xf32>
    %dot_general3A_54 = tpu.matmul %max3A_37, %get3A_52, %dot_general3A_53 {dimension_numbers = #tpu.dot_dimension_numbers<[1], [0], [0], [1], [0, 0, 1, 1], [], []>, transpose_lhs_hint = false} : vector<400x128xf32>, vector<128x384xf32>, vector<400x384xf32> -> vector<400x384xf32>
    %get3A_55 = arith.constant 0 : index
    %get3A_56 = vector.load %arg12[%get3A_55] : memref<384xf32, #tpu.memory_space<vmem>>, vector<384xf32>
    %broadcast_in_dim3A_57 = vector.shape_cast %get3A_56 : vector<384xf32> to vector<1x384xf32>
    %add3A_58 = vector.broadcast %broadcast_in_dim3A_57 : vector<1x384xf32> to vector<400x384xf32>
    %add3A_59 = arith.addf %dot_general3A_54, %add3A_58 : vector<400x384xf32>
    %get3A_60 = arith.constant 0 : index
    %get3A_61 = arith.constant 0 : index
    %get3A_62 = vector.load %arg11[%get3A_60, %get3A_61] : memref<128x384xf32, #tpu.memory_space<vmem>>, vector<128x384xf32>
    %dot_general3A_63 = arith.constant dense<0.000000e+00> : vector<400x384xf32>
    %dot_general3A_64 = tpu.matmul %mul3A_49, %get3A_62, %dot_general3A_63 {dimension_numbers = #tpu.dot_dimension_numbers<[1], [0], [0], [1], [0, 0, 1, 1], [], []>, transpose_lhs_hint = false} : vector<400x128xf32>, vector<128x384xf32>, vector<400x384xf32> -> vector<400x384xf32>
    %get3A_65 = arith.constant 0 : index
    %get3A_66 = vector.load %arg13[%get3A_65] : memref<384xf32, #tpu.memory_space<vmem>>, vector<384xf32>
    %broadcast_in_dim3A_67 = vector.shape_cast %get3A_66 : vector<384xf32> to vector<1x384xf32>
    %add3A_68 = vector.broadcast %broadcast_in_dim3A_67 : vector<1x384xf32> to vector<400x384xf32>
    %add3A_69 = arith.addf %dot_general3A_64, %add3A_68 : vector<400x384xf32>
    %slice3A = vector.extract_strided_slice %add3A_59 {offsets = [0, 0], sizes = [400, 128], strides = [1, 1]} : vector<400x384xf32> to vector<400x128xf32>
    %slice3A_70 = vector.extract_strided_slice %add3A_69 {offsets = [0, 0], sizes = [400, 128], strides = [1, 1]} : vector<400x384xf32> to vector<400x128xf32>
    %add3A_71 = arith.addf %slice3A, %slice3A_70 : vector<400x128xf32>
    %logistic3A = arith.negf %add3A_71 : vector<400x128xf32>
    %logistic3A_72 = math.exp %logistic3A : vector<400x128xf32>
    %logistic3A_73 = arith.constant 1.000000e+00 : f32
    %logistic3A_74 = vector.broadcast %logistic3A_73 : f32 to vector<400x128xf32>
    %logistic3A_75 = arith.addf %logistic3A_74, %logistic3A_72 : vector<400x128xf32>
    %logistic3A_76 = arith.divf %logistic3A_74, %logistic3A_75 : vector<400x128xf32>
    %slice3A_77 = vector.extract_strided_slice %add3A_59 {offsets = [0, 128], sizes = [400, 128], strides = [1, 1]} : vector<400x384xf32> to vector<400x128xf32>
    %slice3A_78 = vector.extract_strided_slice %add3A_69 {offsets = [0, 128], sizes = [400, 128], strides = [1, 1]} : vector<400x384xf32> to vector<400x128xf32>
    %add3A_79 = arith.addf %slice3A_77, %slice3A_78 : vector<400x128xf32>
    %logistic3A_80 = arith.negf %add3A_79 : vector<400x128xf32>
    %logistic3A_81 = math.exp %logistic3A_80 : vector<400x128xf32>
    %logistic3A_82 = arith.constant 1.000000e+00 : f32
    %logistic3A_83 = vector.broadcast %logistic3A_82 : f32 to vector<400x128xf32>
    %logistic3A_84 = arith.addf %logistic3A_83, %logistic3A_81 : vector<400x128xf32>
    %logistic3A_85 = arith.divf %logistic3A_83, %logistic3A_84 : vector<400x128xf32>
    %slice3A_86 = vector.extract_strided_slice %add3A_59 {offsets = [0, 256], sizes = [400, 128], strides = [1, 1]} : vector<400x384xf32> to vector<400x128xf32>
    %slice3A_87 = vector.extract_strided_slice %add3A_69 {offsets = [0, 256], sizes = [400, 128], strides = [1, 1]} : vector<400x384xf32> to vector<400x128xf32>
    %mul3A_88 = arith.mulf %logistic3A_76, %slice3A_87 : vector<400x128xf32>
    %add3A_89 = arith.addf %slice3A_86, %mul3A_88 : vector<400x128xf32>
    %tanh3A = math.tanh %add3A_89 : vector<400x128xf32>
    %sub3A = arith.constant 1.000000e+00 : f32
    %sub3A_90 = vector.broadcast %sub3A : f32 to vector<400x128xf32>
    %sub3A_91 = arith.subf %sub3A_90, %logistic3A_85 : vector<400x128xf32>
    %mul3A_92 = arith.mulf %sub3A_91, %tanh3A : vector<400x128xf32>
    %mul3A_93 = arith.mulf %logistic3A_85, %mul3A_49 : vector<400x128xf32>
    %add3A_94 = arith.addf %mul3A_92, %mul3A_93 : vector<400x128xf32>
    %swap3A = arith.constant 0 : index
    %swap3A_95 = arith.constant 0 : index
    %swap3A_96 = vector.load %arg14[%swap3A, %swap3A_95] : memref<400x128xf32, #tpu.memory_space<vmem>>, vector<400x128xf32>
    tpu.vector_store %arg14[%swap3A, %swap3A_95], %add3A_94 {strides = array<i32>} : memref<400x128xf32, #tpu.memory_space<vmem>>, vector<400x128xf32>,
    %get3A_97 = arith.constant 0 : index
    %get3A_98 = memref.load %arg7[%get3A_97] : memref<2xf32, #tpu.memory_space<smem>>
    %get3A_99 = arith.constant 1 : index
    %get3A_100 = memref.load %arg7[%get3A_99] : memref<2xf32, #tpu.memory_space<smem>>
    %max3A_101 = arith.maximumf %get3A_98, %get3A_100 : f32
    %sub3A_102 = arith.subf %get3A_98, %max3A_101 : f32
    %exp3A_103 = math.exp %sub3A_102 : f32
    %sub3A_104 = arith.subf %get3A_100, %max3A_101 : f32
    %exp3A_105 = math.exp %sub3A_104 : f32
    %add3A_106 = arith.addf %exp3A_103, %exp3A_105 : f32
    %div3A_107 = arith.divf %exp3A_103, %add3A_106 : f32
    %get3A_108 = arith.constant 0 : index
    %get3A_109 = arith.constant 0 : index
    %get3A_110 = vector.load %arg6[%get3A_108, %get3A_109] : memref<400x128xf32, #tpu.memory_space<vmem>>, vector<400x128xf32>
    %mul3A_111 = vector.broadcast %div3A_107 : f32 to vector<400x128xf32>
    %mul3A_112 = arith.mulf %mul3A_111, %get3A_110 : vector<400x128xf32>
    %sub3A_113 = arith.constant 1.000000e+00 : f32
    %sub3A_114 = arith.subf %sub3A_113, %div3A_107 : f32
    %mul3A_115 = vector.broadcast %sub3A_114 : f32 to vector<400x128xf32>
    %mul3A_116 = arith.mulf %mul3A_115, %add3A_94 : vector<400x128xf32>
    %add3A_117 = arith.addf %mul3A_112, %mul3A_116 : vector<400x128xf32>
    %swap3A_118 = arith.constant 0 : index
    %swap3A_119 = arith.constant 0 : index
    %swap3A_120 = vector.load %arg15[%swap3A_118, %swap3A_119] : memref<400x128xf32, #tpu.memory_space<vmem>>, vector<400x128xf32>
    tpu.vector_store %arg15[%swap3A_118, %swap3A_119], %add3A_117 {strides = array<i32>} : memref<400x128xf32, #tpu.memory_space<vmem>>, vector<400x128xf32>,
    return
  }
  func.func @transform_0(%arg0: i32) -> (i32, i32, i32) {
    %c0_i32 = arith.constant 0 : i32
    %c0_i32_0 = arith.constant 0 : i32
    %c0_i32_1 = arith.constant 0 : i32
    return %c0_i32, %arg0, %c0_i32_0 : i32, i32, i32
  }
  func.func @transform_1(%arg0: i32) -> (i32, i32, i32) {
    %c0_i32 = arith.constant 0 : i32
    %c0_i32_0 = arith.constant 0 : i32
    %c0_i32_1 = arith.constant 0 : i32
    return %c0_i32, %arg0, %c0_i32_0 : i32, i32, i32
  }
  func.func @transform_2(%arg0: i32) -> (i32, i32) {
    %c0_i32 = arith.constant 0 : i32
    %c0_i32_0 = arith.constant 0 : i32
    return %arg0, %c0_i32 : i32, i32
  }
  func.func @transform_3(%arg0: i32) -> (i32, i32) {
    %c0_i32 = arith.constant 0 : i32
    %c0_i32_0 = arith.constant 0 : i32
    return %arg0, %c0_i32 : i32, i32
  }
  func.func @transform_4(%arg0: i32) -> (i32, i32) {
    %c0_i32 = arith.constant 0 : i32
    %c0_i32_0 = arith.constant 0 : i32
    return %arg0, %c0_i32 : i32, i32
  }
  func.func @transform_5(%arg0: i32) -> (i32, i32) {
    %c0_i32 = arith.constant 0 : i32
    %c0_i32_0 = arith.constant 0 : i32
    return %arg0, %c0_i32 : i32, i32
  }
  func.func @transform_6(%arg0: i32) -> i32 {
    %c0_i32 = arith.constant 0 : i32
    %c0_i32_0 = arith.constant 0 : i32
    return %c0_i32 : i32
  }
  func.func @transform_7(%arg0: i32) -> (i32, i32) {
    %c0_i32 = arith.constant 0 : i32
    %c0_i32_0 = arith.constant 0 : i32
    %c0_i32_1 = arith.constant 0 : i32
    return %c0_i32, %c0_i32_0 : i32, i32
  }
  func.func @transform_8(%arg0: i32) -> i32 {
    %c0_i32 = arith.constant 0 : i32
    %c0_i32_0 = arith.constant 0 : i32
    return %c0_i32 : i32
  }
  func.func @transform_9(%arg0: i32) -> (i32, i32) {
    %c0_i32 = arith.constant 0 : i32
    %c0_i32_0 = arith.constant 0 : i32
    %c0_i32_1 = arith.constant 0 : i32
    return %c0_i32, %c0_i32_0 : i32, i32
  }
  func.func @transform_10(%arg0: i32) -> (i32, i32) {
    %c0_i32 = arith.constant 0 : i32
    %c0_i32_0 = arith.constant 0 : i32
    %c0_i32_1 = arith.constant 0 : i32
    return %c0_i32, %c0_i32_0 : i32, i32
  }
  func.func @transform_11(%arg0: i32) -> i32 {
    %c0_i32 = arith.constant 0 : i32
    %c0_i32_0 = arith.constant 0 : i32
    return %c0_i32 : i32
  }
  func.func @transform_12(%arg0: i32) -> i32 {
    %c0_i32 = arith.constant 0 : i32
    %c0_i32_0 = arith.constant 0 : i32
    return %c0_i32 : i32
  }
  func.func @transform_13(%arg0: i32) -> (i32, i32) {
    %c0_i32 = arith.constant 0 : i32
    %c0_i32_0 = arith.constant 0 : i32
    return %arg0, %c0_i32 : i32, i32
  }
  func.func @transform_14(%arg0: i32) -> (i32, i32) {
    %c0_i32 = arith.constant 0 : i32
    %c0_i32_0 = arith.constant 0 : i32
    return %arg0, %c0_i32 : i32, i32
  }
}

</mosaic_0001>

<sc_bundles>
// kernel: kernel.10.cloned.1.call-start
scs
__scs_entry_jumppad:
0x0: {  	(pc) =	sbr.rel $0x88, $3  }
0x1: {  	(tag) =	ssettag $0x0;
	lr =	simm.s32 $0x1  }
0x2: {  	[smem:$0x3F8A] =	sst lr;
	_ =	strace $0xD0000000  }
0x3: {  	_ = 	snop  }
0x4: {  	_ = 	snop  }
0x5: {  	_ = 	snop  }
0x6: {  	_ = 	snop  }
0x7: {  	_ = 	snop  }
__scs_overlays_trampoline_lowered:
0x8: {  	[smem:$0x3F99] =	sst s0  }
0x9: {  	[smem:$0x3F9A] =	sst s1  }
0xa: {  	[smem:$0x3F9B] =	sst s2  }
0xb: {  	[smem:$0x3F9C] =	sst s3  }
0xc: {  	[smem:$0x3F9D] =	sst s4  }
0xd: {  	[smem:$0x3F9E] =	sst s5  }
0xe: {  	[smem:$0x3F9F] =	sst s6  }
0xf: {  	[smem:$0x3FA0] =	sst s7  }
0x10: {  	[smem:$0x3FA1] =	sst s8  }
0x11: {  	[smem:$0x3FA2] =	sst s9;
	s0 =	simm.s32 @!p0 $0x0  }
0x12: {  	s1 =	sld [smem:$0x3F88];
	s0 =	simm.s32 @p0 $0x1  }
0x13: {  	[smem:$0x3FA3] =	sst s0;
	s0 =	simm.s32 @!p1 $0x0  }
0x14: {  	s2 =	sld [smem:$0x3F87];
	s0 =	simm.s32 @p1 $0x1  }
0x15: {  	[smem:$0x3FA4] =	sst s0;
	s0 =	simm.s32 @!p2 $0x0  }
0x16: {  	s3 =	sld [smem:$0x3FDB];
	s0 =	simm.s32 @p2 $0x1  }
0x17: {  	s4 =	simm.s32 $0x1BF5;
	[smem:$0x3FA6] =	sst s0  }
0x18: {  	s0 =	sld [smem:$0x3F89];
	_ =	swait.ge [sflag:s4], $0x0  }
0x19: {  	s7 =	sld [smem:$0x3F8A]  }
0x1a: {  	s8 =	sadd.s32 $0xFFFFE003, lr  }
0x1b: {  	s9 =	sadd.s32 $0xFFFFFEF7, lr;
	s5 =	simm.s32 $0xFFFFFFFF;
	p2 =	slt.u32 s8, $0xFFFFF086  }
0x1c: {  	p1 =	slt.u32 s9, $0xF7A;
	s5 =	simm.s32 @!p2 $0x0  }
0x1d: {  	s5 =	simm.s32 @p1 $0x1;
	p0 =	seq.s32 s7, s2  }
0x1e: {  	s7 =	smul.u32 @!p0 $0xF7A, s2;
	p2 =	seq.s32 @!p0 s5, $0x0  }
0x1f: {  	s9 =	smul.u32 $0xF7A, s1;
	s8 =	simm.s32 @!p0 $0x1BF5;
	p2 =	por !p2, p0  }
0x20: {  	[sflag:s8] =	ssyncset.s32 @!p0 $0xFFFFF086;
	s6 =	sadd.s32 @!p0 s3, s7;
	s7 =	simm.s32 @!p0 $0x108  }
0x21: {  	s3 =	sadd.s32 s3, s9;
	s6 =	sadd.s32 @!p0 $0x88, s6;
	s7 =	simm.s32 @p2 $0x1082  }
0x22: {  	[simem:s7], [sflag:s8] =	dma.local @!p0 [hbm:s6], $0xF7A  }
0x23: {  	s9 =	sor.u32 $0xD0000000, s2;
	s6 =	simm.s32 $0x108;
	_ =	swait.ge @!p0 [sflag:s8], $0x0  }
0x24: {  	s3 =	sadd.s32 $0x88, s3;
	s6 =	simm.s32 @!p1 $0x1082;
	[sflag:s4] =	ssyncset.s32 $0xFFFFF086  }
0x25: {  	[simem:s6], [sflag:s4] =	dma.local [hbm:s3], $0xF7A  }
0x26: {  	[smem:$0x3F8A] =	sst s1;
	(tag) =	ssettag s2;
	_ =	strace s9  }
0x27: {  	s1 =	sld [smem:$0x3F9A]  }
0x28: {  	s2 =	sld [smem:$0x3F9B]  }
0x29: {  	s4 =	sld [smem:$0x3F9D]  }
0x2a: {  	p0 =	seq.s32 s5, $0x0;
	s5 =	sld [smem:$0x3F9E]  }
0x2b: {  	s6 =	sld [smem:$0x3F9F]  }
0x2c: {  	s7 =	sld [smem:$0x3FA0]  }
0x2d: {  	s3 =	simm.s32 $0x108;
	s8 =	sld [smem:$0x3FA1]  }
0x2e: {  	s3 =	simm.s32 @!p0 $0x1082;
	s9 =	sld [smem:$0x3FA2]  }
0x2f: {  	lr =	sadd.s32 s0, s3;
	s0 =	sld [smem:$0x3F99]  }
0x30: {  	s3 =	sld [smem:$0x3F9C]  }
0x31: {  	[smem:$0x3FA5] =	sst s10  }
0x32: {  	s10 =	sld [smem:$0x3FA3];
	_ =	sdelay $0x3  }
0x33: {  	p0 =	seq.s32 s10, $0x1;
	s10 =	sld [smem:$0x3FA5];
	_ =	sdelay $0x3  }
0x34: {  	[smem:$0x3FA5] =	sst s10  }
0x35: {  	s10 =	sld [smem:$0x3FA4];
	_ =	sdelay $0x3  }
0x36: {  	p1 =	seq.s32 s10, $0x1;
	s10 =	sld [smem:$0x3FA5];
	_ =	sdelay $0x3  }
0x37: {  	[smem:$0x3FA5] =	sst s10  }
0x38: {  	s10 =	sld [smem:$0x3FA6]  }
0x39: {  	_ = 	snop;
	(pc) =	sbr.ind lr, $3  }
0x3a: {  	_ = 	snop  }
0x3b: {  	_ = 	snop  }
0x3c: {  	p2 =	seq.s32 s10, $0x1;
	s10 =	sld [smem:$0x3FA5]  }
0x3d: {  	_ =	shalt  }
0x3e: {  	_ =	shalt  }
0x3f: {  	_ =	shalt  }
0x40: {  	_ =	shalt  }
0x41: {  	_ =	shalt  }
0x42: {  	_ =	shalt  }
0x43: {  	_ =	shalt  }
0x44: {  	_ =	shalt  }
0x45: {  	_ =	shalt  }
0x46: {  	_ =	shalt  }
0x47: {  	_ =	shalt  }
0x48: {  	_ =	shalt  }
0x49: {  	_ =	shalt  }
0x4a: {  	_ =	shalt  }
0x4b: {  	_ =	shalt  }
0x4c: {  	_ =	shalt  }
0x4d: {  	_ =	shalt  }
0x4e: {  	_ =	shalt  }
0x4f: {  	_ =	shalt  }
0x50: {  	_ =	shalt  }
0x51: {  	_ =	shalt  }
0x52: {  	_ =	shalt  }
0x53: {  	_ =	shalt  }
0x54: {  	_ =	shalt  }
0x55: {  	_ =	shalt  }
0x56: {  	_ =	shalt  }
0x57: {  	_ =	shalt  }
0x58: {  	_ =	shalt  }
0x59: {  	_ =	shalt  }
0x5a: {  	_ =	shalt  }
0x5b: {  	_ =	shalt  }
0x5c: {  	_ =	shalt  }
0x5d: {  	_ =	shalt  }
0x5e: {  	_ =	shalt  }
0x5f: {  	_ =	shalt  }
0x60: {  	_ =	shalt  }
0x61: {  	_ =	shalt  }
0x62: {  	_ =	shalt  }
0x63: {  	_ =	shalt  }
0x64: {  	_ =	shalt  }
0x65: {  	_ =	shalt  }
0x66: {  	_ =	shalt  }
0x67: {  	_ =	shalt  }
0x68: {  	_ =	shalt  }
0x69: {  	_ =	shalt  }
0x6a: {  	_ =	shalt  }
0x6b: {  	_ =	shalt  }
0x6c: {  	_ =	shalt  }
0x6d: {  	_ =	shalt  }
0x6e: {  	_ =	shalt  }
0x6f: {  	_ =	shalt  }
0x70: {  	_ =	shalt  }
0x71: {  	_ =	shalt  }
0x72: {  	_ =	shalt  }
0x73: {  	_ =	shalt  }
0x74: {  	_ =	shalt  }
0x75: {  	_ =	shalt  }
0x76: {  	_ =	shalt  }
0x77: {  	_ =	shalt  }
0x78: {  	_ =	shalt  }
0x79: {  	_ =	shalt  }
0x7a: {  	_ =	shalt  }
0x7b: {  	_ =	shalt  }
0x7c: {  	_ =	shalt  }
0x7d: {  	_ =	shalt  }
0x7e: {  	_ =	shalt  }
0x7f: {  	_ =	shalt  }
0x80: {  	_ =	shalt  }
0x81: {  	_ =	shalt  }
0x82: {  	_ =	shalt  }
0x83: {  	_ =	shalt  }
0x84: {  	_ =	shalt  }
0x85: {  	_ =	shalt  }
0x86: {  	_ =	shalt  }
0x87: {  	_ =	shalt  }
.Lfunc_end0:
.L_simem_size_0:
called_computation_lowered:
.L_overlay_start_0:
0x88: {  	s2 =	sld [smem:$0x3FD9]  }
0x89: {  	s3 =	sld [smem:$0x3FFE];
	_ =	sdelay $0x1  }
0x8a: {  	s1 =	srdreg.scid  }
0x8b: {  	s0 =	sand.u32 $0x1, s1  }
0x8c: {  	s16 =	sshll.u32 s0, $0xA;
	s2 =	sadd.s32 s3, s2  }
0x8d: {  	s2 =	sadd.s32 s2, s16  }
0x8e: {  	[smem:$0x3FB1] =	sst s2  }
0x8f: {  	_ = 	snop  }
0x90: {  	(tm) =	ssettm $0x1  }
0x91: {  	s17 =	sld [smem:$0x3FFB];
	_ =	sdelay $0x3  }
0x92: {  	_ =	strace s17  }
0x93: {  	s2 =	sld [smem:$0x3FFC];
	_ =	sdelay $0x3  }
0x94: {  	_ =	strace s2  }
0x95: {  	s2 =	sld [smem:$0x3FFD];
	_ =	sdelay $0x3  }
0x96: {  	_ =	strace s2  }
0x97: {  	_ =	strace $0x8FFFFFFF  }
0x98: {  	s18 =	sld [smem:$0x3FDB];
	_ =	sdelay $0x1  }
0x99: {  	s19 =	simm.s32 $_scs_section_size  }
0x9a: {  	s4 =	simm.s32 $_size__tile_overlayer_lowered;
	s5 =	simm.s32 $_tile_overlayer_lowered  }
0x9b: {  	s22 =	simm.s32 $0x1BFF;
	s21 =	sshll.u32 s5, $0x1;
	s2 =	sadd.s32 s19, s18  }
0x9c: {  	s6 =	simm.s32 $0x0;
	s20 =	sshll.u32 s4, $0x1;
	s4 =	sadd.s32 s21, s2  }
0x9d: {  	[timem:s6], [sflag:s22] =	dma.local [hbm:s4], s20  }
0x9e: {  	_ =	swait.ge [sflag:s22], s20  }
0x9f: {  	s3 =	ssub.s32 $0x0, s20;
	[sflag:s22] =	ssyncset.done $0x0  }
0xa0: {  	[sflag:s22] =	ssyncadd.s32 s3;
	_ =	sdelay $0x1  }
0xa1: {  	s23 =	simm.s32 $0x1B8B  }
0xa2: {  	_ =	swait.ge [sflag:s23], $0x1  }
0xa3: {  	[sflag:s23] =	ssyncset.done $0x0  }
0xa4: {  	s25 =	simm.s32 $0x1B8E;
	s24 =	sld [smem:$0x3FFE];
	[sflag:s23] =	ssyncadd.s32 $0xFFFFFFFF  }
0xa5: {  	s26 =	simm.s32 $execute0_lowered;
	[smem:$0x3FD2] =	sst s25  }
0xa6: {  	s4 =	sshll.u32 s26, $0x1;
	_ =	strace $0x80000046;
	[dreg:$0x1] =	wrdreg $0xFFFFFFFF  }
0xa7: {  	s28 =	simm.s32 $_size_execute0_lowered;
	s2 =	sadd.s32 s2, s4;
	[dreg:$0x0] =	wrdreg $0x0  }
0xa8: {  	s4 =	sshll.u32 s28, $0x1;
	[dreg:$0x2] =	wrdreg s2  }
0xa9: {  	[dreg:$0x3] =	wrdreg s4  }
0xaa: {  	[dreg:$0x4] =	wrdreg $0xC0  }
0xab: {  	_ =	task [dreg:s6], $0x5FFFF  }
0xac: {  	[dreg:$0x1] =	wrdreg $0xFFFFFFFF  }
0xad: {  	[dreg:$0x0] =	wrdreg $0x60  }
0xae: {  	[dreg:$0x2] =	wrdreg s24  }
0xaf: {  	[dreg:$0x3] =	wrdreg $0x0  }
0xb0: {  	[dreg:$0x4] =	wrdreg $0x9  }
0xb1: {  	_ =	task.clear_ibuf [dreg:s6], $0x5FFFF;
	_ =	strace $0x90000046  }
0xb2: {  	s29 =	simm.s32 $0x9;
	_ =	strace $0x80000048  }
0xb3: {  	_ =	swait.ge [sflag:s29], $0x1  }
0xb4: {  	[sflag:s29] =	ssyncadd.s32 $0xFFFFFFFF  }
0xb5: {  	_ =	strace $0x90000048  }
0xb6: {  	_ =	sfence  }
0xb7: {  	s30 =	sld [smem:$0x0];
	_ =	sdelay $0x2  }
0xb8: {  	s31 =	sshll.u32 s1, $0xD;
	s1 =	sshrl.u32 s1, $0x2  }
0xb9: {  	s3 =	sand.u32 $0x4000, s31;
	s1 =	sadd.s32 s1, s30  }
0xba: {  	s0 =	sor.u32 s3, s0;
	s1 =	sshll.u32 s1, $0x11  }
0xbb: {  	s0 =	sor.u32 s1, s0  }
0xbc: {  	s0 =	sadd.s32 $0x8F2B, s0  }
0xbd: {  	[sflag:s0] =	ssyncadd.remote.s32 $0x1  }
0xbe: {  	_ =	sfence.sel $0xFFFF  }
0xbf: {  	[dreg:$0x0] =	wrdreg $0xFFFFFFFF;
	(pc) =	sbr.abs _section_cstart, $3  }
0xc0: {  	[dreg:$0x1] =	wrdreg $0xFFFFFFFF  }
0xc1: {  	_ =	task.clear_ibuf [dreg:s6], $0x2FFFF;
	_ =	strace $0x9FFFFFFF  }
0xc2: {  	(tm) =	ssettm $0x7FFFFFFF  }
0xc3: {  	_ =	shalt  }
tec
execute0_lowered:
.L_overlay_start_1:
0x0: {  	(tag) =	ssettag $0x1  }
0x1: {  	s0 =	rddreg [dreg:$0x0]  }
0x2: {  	s2 =	rddreg [dreg:$0x1];
	s20 =	stileid.u32  }
0x3: {  	s3 =	simm.s32 $0x0;
	s1 =	srdreg.scid;
	s4 =	smul.u32 $0x50000, s20  }
0x4: {  	s28 =	simm.s32 $0x18080;
	s29 =	simm.s32 $0x1;
	s5 =	smul.u32 $0x500, s20  }
0x5: {  	s30 =	simm.s32 $0x14000;
	s1 =	sand.u32 $0x1, s1;
	s26 =	smul.u32 $0x2800, s20  }
0x6: {  	s31 =	simm.s32 $0x80;
	[smem:$0x7FF] =	sst s3;
	s7 =	smul.u32 $0x28000, s1  }
0x7: {  	_ =	strace $0x80000047;
	s6 =	ssub.s32 $0x2, s1;
	s1 =	smul.u32 $0x280, s1  }
0x8: {  	s8 =	sshrl.u32 s6, $0x1;
	s4 =	sshrl.u32 s4, $0x2;
	s5 =	sadd.s32 s5, s0  }
0x9: {  	s8 =	ssub.s32 s6, s8;
	s6 =	sadd.s32 s4, s2;
	s0 =	sadd.s32 s7, s0  }
0xa: {  	s1 =	sadd.s32 s1, s5;
	s22 =	smax.u32 s8, $0x1;
	s23 =	sadd.s32 $0x1000, s6  }
0xb: {  	s24 =	sadd.s32 $0x2000, s6;
	s25 =	sadd.s32 $0x3000, s6;
	s9 =	sadd.s32 $0x4000, s6  }
0xc: {  	s10 =	sadd.s32 $0x5000, s6;
	s11 =	sadd.s32 $0x6000, s6;
	s12 =	sadd.s32 $0x7000, s6  }
0xd: {  	s13 =	sadd.s32 $0x8000, s6;
	s14 =	sadd.s32 $0x9000, s6;
	s15 =	sadd.s32 $0xA000, s6  }
0xe: {  	s16 =	sadd.s32 $0xB000, s6;
	s17 =	sadd.s32 $0xC000, s6;
	[dreg:$0x3] =	wrdreg s22  }
0xf: {  	s18 =	sadd.s32 $0xD000, s6;
	s19 =	sadd.s32 $0xE000, s6;
	[dreg:$0x4] =	wrdreg s23  }
0x10: {  	s20 =	sadd.s32 $0xF000, s6;
	s21 =	sadd.s32 $0x10000, s6;
	[dreg:$0x5] =	wrdreg s24  }
0x11: {  	s0 =	sadd.s32 s26, s0;
	s26 =	sadd.s32 $0x13000, s6;
	[dreg:$0x6] =	wrdreg s25  }
0x12: {  	s22 =	sadd.s32 $0x11000, s6;
	s23 =	sadd.s32 $0x12000, s6;
	s24 =	sadd.s32 $0x6000, s1  }
0x13: {  	v0 =	vimm.f32 $0.0e+00;
	v1 =	vimm.f32 $1.000000000e+00;
	s25 =	sadd.s32 $0xB000, s0;
	s0 =	simm.s32 $0x14080;
	s1 =	simm.s32 $0x0  }
.LBB2_1:
0x14: {  	s5 =	simm.s32 $0x0;
	s4 =	simm.s32 $0x200  }
.LBB2_2:
0x15: {  	p0 =	sne.s32 s4, $0x3E00;
	[tilespmem:s5+$0x180F0] =	vst v0  }
0x16: {  	[tilespmem:s5+$0x18080] =	vst v0  }
0x17: {  	[tilespmem:s5+$0x18090] =	vst v0  }
.Ltmp0:
0x18: {  	[tilespmem:s5+$0x180A0] =	vst v0;
	(pc) =	sbr.rel @p0 .LBB2_2-.Ltmp0, $4  }
0x19: {  	[tilespmem:s5+$0x180B0] =	vst v0  }
0x1a: {  	[tilespmem:s5+$0x180C0] =	vst v0  }
0x1b: {  	[tilespmem:s5+$0x180D0] =	vst v0  }
0x1c: {  	[tilespmem:s5+$0x180E0] =	vst v0;
	s5 =	sshra.s32 s4, $0x2;
	s4 =	sadd.s32 $0x200, s4  }
0x1d: {  	[tilespmem:s5+$0x180F0] =	vst v0  }
0x1e: {  	[tilespmem:s5+$0x18080] =	vst v0  }
0x1f: {  	[tilespmem:s5+$0x18090] =	vst v0  }
0x20: {  	[tilespmem:s5+$0x180A0] =	vst v0  }
0x21: {  	[tilespmem:s5+$0x180B0] =	vst v0  }
0x22: {  	[tilespmem:s5+$0x180C0] =	vst v0  }
0x23: {  	[tilespmem:s5+$0x180D0] =	vst v0  }
0x24: {  	[tilespmem:s5+$0x180E0] =	vst v0;
	s5 =	simm.s32 $0x0;
	s4 =	simm.s32 $0x200  }
.LBB2_4:
0x25: {  	p0 =	sne.s32 s4, $0xFE00;
	[tilespmem:s5+$0x140F0] =	vst v1  }
0x26: {  	[tilespmem:s5+$0x14080] =	vst v1  }
0x27: {  	[tilespmem:s5+$0x14090] =	vst v1  }
.Ltmp1:
0x28: {  	[tilespmem:s5+$0x140A0] =	vst v1;
	(pc) =	sbr.rel @p0 .LBB2_4-.Ltmp1, $4  }
0x29: {  	[tilespmem:s5+$0x140B0] =	vst v1  }
0x2a: {  	[tilespmem:s5+$0x140C0] =	vst v1  }
0x2b: {  	[tilespmem:s5+$0x140D0] =	vst v1  }
0x2c: {  	[tilespmem:s5+$0x140E0] =	vst v1;
	s5 =	sshra.s32 s4, $0x2;
	s4 =	sadd.s32 $0x200, s4  }
0x2d: {  	[tilespmem:s5+$0x140F0] =	vst v1  }
0x2e: {  	[tilespmem:s5+$0x14080] =	vst v1  }
0x2f: {  	[tilespmem:s5+$0x14090] =	vst v1  }
0x30: {  	[tilespmem:s5+$0x140A0] =	vst v1  }
0x31: {  	[tilespmem:s5+$0x140B0] =	vst v1  }
0x32: {  	[tilespmem:s5+$0x140C0] =	vst v1  }
0x33: {  	[tilespmem:s5+$0x140D0] =	vst v1  }
0x34: {  	[tilespmem:s5+$0x140E0] =	vst v1  }
0x35: {  	[spmem:s6] =	stream.linear.scatter [tilespmem:s28], [sflag:$0x1], $0x1000, $0x38;
	[tilespmem:$0x19080] =	vst v63  }
0x36: {  	_ =	swait.ge [sflag:s29], $0x1000  }
0x37: {  	[sflag:s29] =	ssyncset.done $0x0  }
0x38: {  	s4 =	rddreg [dreg:$0x4];
	[sflag:s29] =	ssyncadd.s32 $0xFFFFF000  }
0x39: {  	[spmem:s4] =	stream.linear.scatter [tilespmem:s28], [sflag:$0x1], $0x1000, $0x38;
	[tilespmem:$0x19080] =	vst v63  }
0x3a: {  	_ =	swait.ge [sflag:s29], $0x1000  }
0x3b: {  	[sflag:s29] =	ssyncset.done $0x0  }
0x3c: {  	s5 =	rddreg [dreg:$0x5];
	[sflag:s29] =	ssyncadd.s32 $0xFFFFF000  }
0x3d: {  	[spmem:s5] =	stream.linear.scatter [tilespmem:s28], [sflag:$0x1], $0x1000, $0x38;
	[tilespmem:$0x19080] =	vst v63  }
0x3e: {  	_ =	swait.ge [sflag:s29], $0x1000  }
0x3f: {  	[sflag:s29] =	ssyncset.done $0x0  }
0x40: {  	s7 =	rddreg [dreg:$0x6];
	[sflag:s29] =	ssyncadd.s32 $0xFFFFF000  }
0x41: {  	[spmem:s7] =	stream.linear.scatter [tilespmem:s28], [sflag:$0x1], $0x1000, $0x38;
	[tilespmem:$0x19080] =	vst v63  }
0x42: {  	_ =	swait.ge [sflag:s29], $0x1000  }
0x43: {  	[sflag:s29] =	ssyncset.done $0x0  }
0x44: {  	[sflag:s29] =	ssyncadd.s32 $0xFFFFF000  }
0x45: {  	[spmem:s9] =	stream.linear.scatter [tilespmem:s28], [sflag:$0x1], $0x1000, $0x38;
	[tilespmem:$0x19080] =	vst v63  }
0x46: {  	_ =	swait.ge [sflag:s29], $0x1000  }
0x47: {  	[sflag:s29] =	ssyncset.done $0x0  }
0x48: {  	[sflag:s29] =	ssyncadd.s32 $0xFFFFF000  }
0x49: {  	[spmem:s10] =	stream.linear.scatter [tilespmem:s28], [sflag:$0x1], $0x1000, $0x38;
	[tilespmem:$0x19080] =	vst v63  }
0x4a: {  	_ =	swait.ge [sflag:s29], $0x1000  }
0x4b: {  	[sflag:s29] =	ssyncset.done $0x0  }
0x4c: {  	[sflag:s29] =	ssyncadd.s32 $0xFFFFF000  }
0x4d: {  	[spmem:s11] =	stream.linear.scatter [tilespmem:s28], [sflag:$0x1], $0x1000, $0x38;
	[tilespmem:$0x19080] =	vst v63  }
0x4e: {  	_ =	swait.ge [sflag:s29], $0x1000  }
0x4f: {  	[sflag:s29] =	ssyncset.done $0x0  }
0x50: {  	[sflag:s29] =	ssyncadd.s32 $0xFFFFF000  }
0x51: {  	[spmem:s12] =	stream.linear.scatter [tilespmem:s28], [sflag:$0x1], $0x1000, $0x38;
	[tilespmem:$0x19080] =	vst v63  }
0x52: {  	_ =	swait.ge [sflag:s29], $0x1000  }
0x53: {  	[sflag:s29] =	ssyncset.done $0x0  }
0x54: {  	[sflag:s29] =	ssyncadd.s32 $0xFFFFF000  }
0x55: {  	[spmem:s13] =	stream.linear.scatter [tilespmem:s28], [sflag:$0x1], $0x1000, $0x38;
	[tilespmem:$0x19080] =	vst v63  }
0x56: {  	_ =	swait.ge [sflag:s29], $0x1000  }
0x57: {  	[sflag:s29] =	ssyncset.done $0x0  }
0x58: {  	[sflag:s29] =	ssyncadd.s32 $0xFFFFF000  }
0x59: {  	[spmem:s14] =	stream.linear.scatter [tilespmem:s28], [sflag:$0x1], $0x1000, $0x38;
	[tilespmem:$0x19080] =	vst v63  }
0x5a: {  	_ =	swait.ge [sflag:s29], $0x1000  }
0x5b: {  	[sflag:s29] =	ssyncset.done $0x0  }
0x5c: {  	[sflag:s29] =	ssyncadd.s32 $0xFFFFF000  }
0x5d: {  	[spmem:s15] =	stream.linear.scatter [tilespmem:s28], [sflag:$0x1], $0x1000, $0x38;
	[tilespmem:$0x19080] =	vst v63  }
0x5e: {  	_ =	swait.ge [sflag:s29], $0x1000  }
0x5f: {  	[sflag:s29] =	ssyncset.done $0x0  }
0x60: {  	[sflag:s29] =	ssyncadd.s32 $0xFFFFF000  }
0x61: {  	[spmem:s16] =	stream.linear.scatter [tilespmem:s28], [sflag:$0x1], $0x1000, $0x38;
	[tilespmem:$0x19080] =	vst v63  }
0x62: {  	_ =	swait.ge [sflag:s29], $0x1000  }
0x63: {  	[sflag:s29] =	ssyncset.done $0x0  }
0x64: {  	[sflag:s29] =	ssyncadd.s32 $0xFFFFF000  }
0x65: {  	[spmem:s17] =	stream.linear.scatter [tilespmem:s28], [sflag:$0x1], $0x1000, $0x38;
	[tilespmem:$0x19080] =	vst v63  }
0x66: {  	_ =	swait.ge [sflag:s29], $0x1000  }
0x67: {  	[sflag:s29] =	ssyncset.done $0x0  }
0x68: {  	[sflag:s29] =	ssyncadd.s32 $0xFFFFF000  }
0x69: {  	[spmem:s18] =	stream.linear.scatter [tilespmem:s28], [sflag:$0x1], $0x1000, $0x38;
	[tilespmem:$0x19080] =	vst v63  }
0x6a: {  	_ =	swait.ge [sflag:s29], $0x1000  }
0x6b: {  	[sflag:s29] =	ssyncset.done $0x0  }
0x6c: {  	[sflag:s29] =	ssyncadd.s32 $0xFFFFF000  }
0x6d: {  	[spmem:s19] =	stream.linear.scatter [tilespmem:s28], [sflag:$0x1], $0x1000, $0x38;
	[tilespmem:$0x19080] =	vst v63  }
0x6e: {  	_ =	swait.ge [sflag:s29], $0x1000  }
0x6f: {  	[sflag:s29] =	ssyncset.done $0x0  }
0x70: {  	[sflag:s29] =	ssyncadd.s32 $0xFFFFF000  }
0x71: {  	[spmem:s20] =	stream.linear.scatter [tilespmem:s28], [sflag:$0x1], $0x1000, $0x38;
	[tilespmem:$0x19080] =	vst v63  }
0x72: {  	_ =	swait.ge [sflag:s29], $0x1000  }
0x73: {  	[sflag:s29] =	ssyncset.done $0x0  }
0x74: {  	[sflag:s29] =	ssyncadd.s32 $0xFFFFF000  }
0x75: {  	[spmem:s21] =	stream.linear.scatter [tilespmem:s28], [sflag:$0x1], $0x1000, $0x38;
	[tilespmem:$0x19080] =	vst v63  }
0x76: {  	_ =	swait.ge [sflag:s29], $0x1000  }
0x77: {  	[sflag:s29] =	ssyncset.done $0x0  }
0x78: {  	[sflag:s29] =	ssyncadd.s32 $0xFFFFF000  }
0x79: {  	[spmem:s22] =	stream.linear.scatter [tilespmem:s28], [sflag:$0x1], $0x1000, $0x38;
	[tilespmem:$0x19080] =	vst v63  }
0x7a: {  	_ =	swait.ge [sflag:s29], $0x1000  }
0x7b: {  	[sflag:s29] =	ssyncset.done $0x0  }
0x7c: {  	[sflag:s29] =	ssyncadd.s32 $0xFFFFF000  }
0x7d: {  	[spmem:s23] =	stream.linear.scatter [tilespmem:s28], [sflag:$0x1], $0x1000, $0x38;
	[tilespmem:$0x19080] =	vst v63  }
0x7e: {  	_ =	swait.ge [sflag:s29], $0x1000  }
0x7f: {  	[sflag:s29] =	ssyncset.done $0x0  }
0x80: {  	[sflag:s29] =	ssyncadd.s32 $0xFFFFF000  }
0x81: {  	[spmem:s26] =	stream.linear.scatter [tilespmem:s28], [sflag:$0x1], $0x1000, $0x38;
	[tilespmem:$0x19080] =	vst v63  }
0x82: {  	_ =	swait.ge [sflag:s29], $0x1000  }
0x83: {  	[sflag:s29] =	ssyncset.done $0x0  }
0x84: {  	[sflag:s29] =	ssyncadd.s32 $0xFFFFF000  }
0x85: {  	s8 =	sadd.s32 $0x0, s24;
	[bflag:$0x0] =	sbarrier.arrive $0xFFFF  }
0x86: {  	[tilespmem:s30], [sflag:$0x1] =	stream.linear.gather [hbm4b:s8+s3], $0x80, $0x38;
	[tilespmem:$0x19080] =	vst v63  }
0x87: {  	_ =	swait.ge [sflag:s29], $0x80  }
0x88: {  	[sflag:s29] =	ssyncset.done $0x0  }
0x89: {  	[sflag:s29] =	ssyncadd.s32 $0xFFFFFF80  }
0x8a: {  	[spmem:s2] =	stream.indirect.scatter.add.f32 [tilespmem:s0], [sflag:$0x1], $0x80, s30, s31, $0xb8;
	[tilespmem:$0x19080] =	vst v63  }
0x8b: {  	_ =	swait.ge [sflag:s29], $0x4000  }
0x8c: {  	s4 =	simm.s32 $0x20;
	s5 =	simm.s32 $0x10;
	[sflag:s29] =	ssyncset.done $0x0  }
.LBB2_6:
0x8d: {  	s7 =	sadd.s32 s5, s24  }
0x8e: {  	[sflag:s29] =	ssyncadd.s32 $0xFFFFC000;
	s5 =	smov.u32 s4;
	s8 =	sadd.s32 $0x10, s4  }
0x8f: {  	[tilespmem:s30], [sflag:$0x1] =	stream.linear.gather [hbm4b:s7+s3], $0x80, $0x38;
	[tilespmem:$0x19080] =	vst v63  }
0x90: {  	p0 =	sne.s32 s4, $0x270;
	_ =	swait.ge [sflag:s29], $0x80  }
.Ltmp2:
0x91: {  	[sflag:s29] =	ssyncset.done $0x0;
	(pc) =	sbr.rel @p0 .LBB2_6-.Ltmp2, $4  }
0x92: {  	[sflag:s29] =	ssyncadd.s32 $0xFFFFFF80  }
0x93: {  	[spmem:s2] =	stream.indirect.scatter.add.f32 [tilespmem:s0], [sflag:$0x1], $0x80, s30, s31, $0xb8;
	[tilespmem:$0x19080] =	vst v63  }
0x94: {  	_ =	swait.ge [sflag:s29], $0x4000  }
0x95: {  	s4 =	smov.u32 s8;
	[sflag:s29] =	ssyncset.done $0x0  }
0x96: {  	s4 =	sadd.s32 s5, s24;
	[sflag:s29] =	ssyncadd.s32 $0xFFFFC000  }
0x97: {  	[tilespmem:s30], [sflag:$0x1] =	stream.linear.gather [hbm4b:s4+s3], $0x80, $0x38;
	[tilespmem:$0x19080] =	vst v63  }
0x98: {  	_ =	swait.ge [sflag:s29], $0x80  }
0x99: {  	[sflag:s29] =	ssyncset.done $0x0  }
0x9a: {  	[sflag:s29] =	ssyncadd.s32 $0xFFFFFF80  }
0x9b: {  	[spmem:s2] =	stream.indirect.scatter.add.f32 [tilespmem:s0], [sflag:$0x1], $0x80, s30, s31, $0xb8;
	[tilespmem:$0x19080] =	vst v63  }
0x9c: {  	_ =	swait.ge [sflag:s29], $0x4000  }
0x9d: {  	[sflag:s29] =	ssyncset.done $0x0  }
0x9e: {  	[sflag:s29] =	ssyncadd.s32 $0xFFFFC000  }
0x9f: {  	[bflag:$0x0] =	sbarrier.arrive $0xFFFF  }
0xa0: {  	[tilespmem:s28], [sflag:$0x1] =	stream.linear.gather [spmem:s6], $0x1000, $0x38;
	[tilespmem:$0x19080] =	vst v63  }
0xa1: {  	_ =	swait.ge [sflag:s29], $0x1000  }
0xa2: {  	[sflag:s29] =	ssyncset.done $0x0  }
0xa3: {  	s8 =	sadd.s32 $0x0, s25;
	[sflag:s29] =	ssyncadd.s32 $0xFFFFF000  }
0xa4: {  	[hbm4b:s8+s3] =	stream.linear.scatter [tilespmem:s28], [sflag:$0x1], $0x1000, $0x38;
	[tilespmem:$0x19080] =	vst v63  }
0xa5: {  	_ =	swait.ge [sflag:s29], $0x1000  }
0xa6: {  	s5 =	simm.s32 $0x200;
	s4 =	smov.u32 s6;
	[sflag:s29] =	ssyncset.done $0x0  }
.LBB2_8:
0xa7: {  	p0 =	sne.s32 s5, $0x2600;
	[sflag:s29] =	ssyncadd.s32 $0xFFFFF000;
	s4 =	sadd.s32 $0x1000, s4  }
0xa8: {  	[tilespmem:s28], [sflag:$0x1] =	stream.linear.gather [spmem:s4], $0x1000, $0x38;
	[tilespmem:$0x19080] =	vst v63  }
0xa9: {  	s7 =	smov.u32 s5;
	s5 =	sadd.s32 $0x200, s5;
	_ =	swait.ge [sflag:s29], $0x1000  }
.Ltmp3:
0xaa: {  	[sflag:s29] =	ssyncset.done $0x0;
	(pc) =	sbr.rel @p0 .LBB2_8-.Ltmp3, $4  }
0xab: {  	s7 =	sadd.s32 s7, s25;
	[sflag:s29] =	ssyncadd.s32 $0xFFFFF000  }
0xac: {  	[hbm4b:s7+s3] =	stream.linear.scatter [tilespmem:s28], [sflag:$0x1], $0x1000, $0x38;
	[tilespmem:$0x19080] =	vst v63  }
0xad: {  	_ =	swait.ge [sflag:s29], $0x1000  }
0xae: {  	[sflag:s29] =	ssyncset.done $0x0  }
0xaf: {  	s1 =	sadd.s32 $0x1, s1;
	s4 =	rddreg [dreg:$0x3]  }
0xb0: {  	p0 =	sne.s32 s1, s4  }
.Ltmp4:
0xb1: {  	_ = 	snop;
	(pc) =	sbr.rel @p0 .LBB2_1-.Ltmp4, $2  }
0xb2: {  	_ =	sdelay $0x2  }
0xb3: {  	[sflag:s29] =	ssyncadd.s32 $0xFFFFF000  }
0xb4: {  	_ =	sfence.sel $0x180000  }
0xb5: {  	[bflag:$0x0] =	sbarrier.arrive $0xFFFF  }
0xb6: {  	_ =	strace $0x90000047  }
0xb7: {  	s0 =	stileid.u32;
	[bflag:$0x2] =	sbarrier.arrive $0xFFFF  }
0xb8: {  	p0 =	sne.s32 s0, $0x0;
	s0 =	rddreg [dreg:$0x2]  }
0xb9: {  	s0 =	sadd.s32 @!p0 $0x100000, s0  }
0xba: {  	[sflag:s0] =	ssyncadd.tile.s32 @!p0 $0x1;
	_ =	shalt  }
.Lfunc_end2:
_tile_overlayer_lowered:
.L_overlay_start_2:
0xbb: {  	(tag) =	ssettag $0x2  }
0xbc: {  	s0 =	rddreg [dreg:$0x0];
	s2 =	stileid.u32  }
0xbd: {  	s1 =	rddreg [dreg:$0x1];
	p0 =	sne.s32 s2, $0x0  }
0xbe: {  	s3 =	rddreg [dreg:$0x2];
	[bflag:$0x3] =	sbarrier.arrive $0xFFFF;
	s2 =	simm.s32 @!p0 $0x1C01  }
0xbf: {  	[timem:s3], [sflag:s2] =	dma.local @!p0 [hbm:s0], s1  }
0xc0: {  	s0 =	simm.s32 @!p0 $0x1  }
0xc1: {  	_ =	swait.ge @!p0 [sflag:s0], s1  }
0xc2: {  	s1 =	ssub.s32 @!p0 $0x0, s1;
	[sflag:s0] =	ssyncset.done @!p0 $0x0  }
0xc3: {  	[sflag:s0] =	ssyncadd.s32 @!p0 s1  }
0xc4: {  	[bflag:$0x3] =	sbarrier.arrive $0xFFFF  }
0xc5: {  	_ =	shalt  }

// kernel: kernel.13.cloned.1.call-start
scs
__scs_entry_jumppad:
0x0: {  	(pc) =	sbr.rel $0x88, $3  }
0x1: {  	(tag) =	ssettag $0x0;
	lr =	simm.s32 $0x1  }
0x2: {  	[smem:$0x3F8A] =	sst lr;
	_ =	strace $0xD0000000  }
0x3: {  	_ = 	snop  }
0x4: {  	_ = 	snop  }
0x5: {  	_ = 	snop  }
0x6: {  	_ = 	snop  }
0x7: {  	_ = 	snop  }
__scs_overlays_trampoline_lowered:
0x8: {  	[smem:$0x3F99] =	sst s0  }
0x9: {  	[smem:$0x3F9A] =	sst s1  }
0xa: {  	[smem:$0x3F9B] =	sst s2  }
0xb: {  	[smem:$0x3F9C] =	sst s3  }
0xc: {  	[smem:$0x3F9D] =	sst s4  }
0xd: {  	[smem:$0x3F9E] =	sst s5  }
0xe: {  	[smem:$0x3F9F] =	sst s6  }
0xf: {  	[smem:$0x3FA0] =	sst s7  }
0x10: {  	[smem:$0x3FA1] =	sst s8  }
0x11: {  	[smem:$0x3FA2] =	sst s9;
	s0 =	simm.s32 @!p0 $0x0  }
0x12: {  	s1 =	sld [smem:$0x3F88];
	s0 =	simm.s32 @p0 $0x1  }
0x13: {  	[smem:$0x3FA3] =	sst s0;
	s0 =	simm.s32 @!p1 $0x0  }
0x14: {  	s2 =	sld [smem:$0x3F87];
	s0 =	simm.s32 @p1 $0x1  }
0x15: {  	[smem:$0x3FA4] =	sst s0;
	s0 =	simm.s32 @!p2 $0x0  }
0x16: {  	s3 =	sld [smem:$0x3FDB];
	s0 =	simm.s32 @p2 $0x1  }
0x17: {  	s4 =	simm.s32 $0x1BF5;
	[smem:$0x3FA6] =	sst s0  }
0x18: {  	s0 =	sld [smem:$0x3F89];
	_ =	swait.ge [sflag:s4], $0x0  }
0x19: {  	s7 =	sld [smem:$0x3F8A]  }
0x1a: {  	s8 =	sadd.s32 $0xFFFFE003, lr  }
0x1b: {  	s9 =	sadd.s32 $0xFFFFFEF7, lr;
	s5 =	simm.s32 $0xFFFFFFFF;
	p2 =	slt.u32 s8, $0xFFFFF086  }
0x1c: {  	p1 =	slt.u32 s9, $0xF7A;
	s5 =	simm.s32 @!p2 $0x0  }
0x1d: {  	s5 =	simm.s32 @p1 $0x1;
	p0 =	seq.s32 s7, s2  }
0x1e: {  	s7 =	smul.u32 @!p0 $0xF7A, s2;
	p2 =	seq.s32 @!p0 s5, $0x0  }
0x1f: {  	s9 =	smul.u32 $0xF7A, s1;
	s8 =	simm.s32 @!p0 $0x1BF5;
	p2 =	por !p2, p0  }
0x20: {  	[sflag:s8] =	ssyncset.s32 @!p0 $0xFFFFF086;
	s6 =	sadd.s32 @!p0 s3, s7;
	s7 =	simm.s32 @!p0 $0x108  }
0x21: {  	s3 =	sadd.s32 s3, s9;
	s6 =	sadd.s32 @!p0 $0x88, s6;
	s7 =	simm.s32 @p2 $0x1082  }
0x22: {  	[simem:s7], [sflag:s8] =	dma.local @!p0 [hbm:s6], $0xF7A  }
0x23: {  	s9 =	sor.u32 $0xD0000000, s2;
	s6 =	simm.s32 $0x108;
	_ =	swait.ge @!p0 [sflag:s8], $0x0  }
0x24: {  	s3 =	sadd.s32 $0x88, s3;
	s6 =	simm.s32 @!p1 $0x1082;
	[sflag:s4] =	ssyncset.s32 $0xFFFFF086  }
0x25: {  	[simem:s6], [sflag:s4] =	dma.local [hbm:s3], $0xF7A  }
0x26: {  	[smem:$0x3F8A] =	sst s1;
	(tag) =	ssettag s2;
	_ =	strace s9  }
0x27: {  	s1 =	sld [smem:$0x3F9A]  }
0x28: {  	s2 =	sld [smem:$0x3F9B]  }
0x29: {  	s4 =	sld [smem:$0x3F9D]  }
0x2a: {  	p0 =	seq.s32 s5, $0x0;
	s5 =	sld [smem:$0x3F9E]  }
0x2b: {  	s6 =	sld [smem:$0x3F9F]  }
0x2c: {  	s7 =	sld [smem:$0x3FA0]  }
0x2d: {  	s3 =	simm.s32 $0x108;
	s8 =	sld [smem:$0x3FA1]  }
0x2e: {  	s3 =	simm.s32 @!p0 $0x1082;
	s9 =	sld [smem:$0x3FA2]  }
0x2f: {  	lr =	sadd.s32 s0, s3;
	s0 =	sld [smem:$0x3F99]  }
0x30: {  	s3 =	sld [smem:$0x3F9C]  }
0x31: {  	[smem:$0x3FA5] =	sst s10  }
0x32: {  	s10 =	sld [smem:$0x3FA3];
	_ =	sdelay $0x3  }
0x33: {  	p0 =	seq.s32 s10, $0x1;
	s10 =	sld [smem:$0x3FA5];
	_ =	sdelay $0x3  }
0x34: {  	[smem:$0x3FA5] =	sst s10  }
0x35: {  	s10 =	sld [smem:$0x3FA4];
	_ =	sdelay $0x3  }
0x36: {  	p1 =	seq.s32 s10, $0x1;
	s10 =	sld [smem:$0x3FA5];
	_ =	sdelay $0x3  }
0x37: {  	[smem:$0x3FA5] =	sst s10  }
0x38: {  	s10 =	sld [smem:$0x3FA6]  }
0x39: {  	_ = 	snop;
	(pc) =	sbr.ind lr, $3  }
0x3a: {  	_ = 	snop  }
0x3b: {  	_ = 	snop  }
0x3c: {  	p2 =	seq.s32 s10, $0x1;
	s10 =	sld [smem:$0x3FA5]  }
0x3d: {  	_ =	shalt  }
0x3e: {  	_ =	shalt  }
0x3f: {  	_ =	shalt  }
0x40: {  	_ =	shalt  }
0x41: {  	_ =	shalt  }
0x42: {  	_ =	shalt  }
0x43: {  	_ =	shalt  }
0x44: {  	_ =	shalt  }
0x45: {  	_ =	shalt  }
0x46: {  	_ =	shalt  }
0x47: {  	_ =	shalt  }
0x48: {  	_ =	shalt  }
0x49: {  	_ =	shalt  }
0x4a: {  	_ =	shalt  }
0x4b: {  	_ =	shalt  }
0x4c: {  	_ =	shalt  }
0x4d: {  	_ =	shalt  }
0x4e: {  	_ =	shalt  }
0x4f: {  	_ =	shalt  }
0x50: {  	_ =	shalt  }
0x51: {  	_ =	shalt  }
0x52: {  	_ =	shalt  }
0x53: {  	_ =	shalt  }
0x54: {  	_ =	shalt  }
0x55: {  	_ =	shalt  }
0x56: {  	_ =	shalt  }
0x57: {  	_ =	shalt  }
0x58: {  	_ =	shalt  }
0x59: {  	_ =	shalt  }
0x5a: {  	_ =	shalt  }
0x5b: {  	_ =	shalt  }
0x5c: {  	_ =	shalt  }
0x5d: {  	_ =	shalt  }
0x5e: {  	_ =	shalt  }
0x5f: {  	_ =	shalt  }
0x60: {  	_ =	shalt  }
0x61: {  	_ =	shalt  }
0x62: {  	_ =	shalt  }
0x63: {  	_ =	shalt  }
0x64: {  	_ =	shalt  }
0x65: {  	_ =	shalt  }
0x66: {  	_ =	shalt  }
0x67: {  	_ =	shalt  }
0x68: {  	_ =	shalt  }
0x69: {  	_ =	shalt  }
0x6a: {  	_ =	shalt  }
0x6b: {  	_ =	shalt  }
0x6c: {  	_ =	shalt  }
0x6d: {  	_ =	shalt  }
0x6e: {  	_ =	shalt  }
0x6f: {  	_ =	shalt  }
0x70: {  	_ =	shalt  }
0x71: {  	_ =	shalt  }
0x72: {  	_ =	shalt  }
0x73: {  	_ =	shalt  }
0x74: {  	_ =	shalt  }
0x75: {  	_ =	shalt  }
0x76: {  	_ =	shalt  }
0x77: {  	_ =	shalt  }
0x78: {  	_ =	shalt  }
0x79: {  	_ =	shalt  }
0x7a: {  	_ =	shalt  }
0x7b: {  	_ =	shalt  }
0x7c: {  	_ =	shalt  }
0x7d: {  	_ =	shalt  }
0x7e: {  	_ =	shalt  }
0x7f: {  	_ =	shalt  }
0x80: {  	_ =	shalt  }
0x81: {  	_ =	shalt  }
0x82: {  	_ =	shalt  }
0x83: {  	_ =	shalt  }
0x84: {  	_ =	shalt  }
0x85: {  	_ =	shalt  }
0x86: {  	_ =	shalt  }
0x87: {  	_ =	shalt  }
.Lfunc_end0:
.L_simem_size_0:
called_computation.1_lowered:
.L_overlay_start_0:
0x88: {  	s2 =	sld [smem:$0x3FD9]  }
0x89: {  	s3 =	sld [smem:$0x3FFE];
	_ =	sdelay $0x1  }
0x8a: {  	s1 =	srdreg.scid  }
0x8b: {  	s0 =	sand.u32 $0x1, s1  }
0x8c: {  	s17 =	sshll.u32 s0, $0xA;
	s2 =	sadd.s32 s3, s2  }
0x8d: {  	s2 =	sadd.s32 s2, s17  }
0x8e: {  	[smem:$0x3FB1] =	sst s2  }
0x8f: {  	_ = 	snop  }
0x90: {  	(tm) =	ssettm $0x1  }
0x91: {  	s18 =	sld [smem:$0x3FFB];
	_ =	sdelay $0x3  }
0x92: {  	_ =	strace s18  }
0x93: {  	s2 =	sld [smem:$0x3FFC];
	_ =	sdelay $0x3  }
0x94: {  	_ =	strace s2  }
0x95: {  	s2 =	sld [smem:$0x3FFD];
	_ =	sdelay $0x3  }
0x96: {  	_ =	strace s2  }
0x97: {  	_ =	strace $0x8FFFFFFF  }
0x98: {  	s19 =	sld [smem:$0x3FDB];
	_ =	sdelay $0x1  }
0x99: {  	s20 =	simm.s32 $_scs_section_size  }
0x9a: {  	s4 =	simm.s32 $_size__tile_overlayer_lowered;
	s5 =	simm.s32 $_tile_overlayer_lowered  }
0x9b: {  	s6 =	simm.s32 $0x1BFF;
	s21 =	sshll.u32 s5, $0x1;
	s3 =	sadd.s32 s20, s19  }
0x9c: {  	s22 =	simm.s32 $0x0;
	s4 =	sshll.u32 s4, $0x1;
	s5 =	sadd.s32 s21, s3  }
0x9d: {  	[timem:s22], [sflag:s6] =	dma.local [hbm:s5], s4  }
0x9e: {  	_ =	swait.ge [sflag:s6], s4  }
0x9f: {  	s4 =	ssub.s32 $0x0, s4;
	[sflag:s6] =	ssyncset.done $0x0  }
0xa0: {  	[sflag:s6] =	ssyncadd.s32 s4;
	_ =	sdelay $0x1  }
0xa1: {  	s23 =	simm.s32 $0x1B8B  }
0xa2: {  	_ =	swait.ge [sflag:s23], $0x1  }
0xa3: {  	[sflag:s23] =	ssyncset.done $0x0  }
0xa4: {  	[sflag:s23] =	ssyncadd.s32 $0xFFFFFFFF  }
0xa5: {  	s4 =	sld [smem:$0x0]  }
0xa6: {  	s5 =	sand.u32 $0xFFFFFFFE, s1  }
0xa7: {  	p0 =	sne.s32 s1, s5  }
0xa8: {  	s5 =	sshll.u32 @p0 s5, $0xE  }
0xa9: {  	s5 =	sadd.s32 @p0 $0x11B8D, s5;
	s6 =	sshll.u32 @p0 s4, $0x11  }
0xaa: {  	s5 =	sor.u32 @p0 s6, s5  }
0xab: {  	[sflag:s5] =	ssyncadd.remote.s32 @p0 $0x1;
	_ =	sdelay $0x1  }
0xac: {  	s5 =	simm.s32 @p0 $0x1B8D  }
0xad: {  	_ =	swait.eq @p0 [sflag:s5], $0x1  }
0xae: {  	[sflag:s5] =	ssyncadd.s32 @p0 $0xFFFFFFFF  }
0xaf: {  	s6 =	sshll.u32 @!p0 s1, $0xE  }
0xb0: {  	s6 =	sor.u32 @!p0 $0x4000, s6;
	s5 =	simm.s32 @!p0 $0x1B8D  }
0xb1: {  	s4 =	sshll.u32 @!p0 s4, $0x11;
	s6 =	sadd.s32 @!p0 $0x11B8D, s6;
	_ =	swait.eq @!p0 [sflag:s5], $0x1  }
0xb2: {  	s4 =	sor.u32 @!p0 s4, s6;
	[sflag:s5] =	ssyncadd.s32 @!p0 $0xFFFFFFFF  }
0xb3: {  	s25 =	simm.s32 $0x1B8E;
	s24 =	sld [smem:$0x3FFE];
	[sflag:s4] =	ssyncadd.remote.s32 @!p0 $0x1  }
0xb4: {  	s26 =	simm.s32 $execute0_lowered;
	[smem:$0x3FD2] =	sst s25  }
0xb5: {  	s5 =	sshll.u32 s26, $0x1;
	_ =	strace $0x80000049;
	[dreg:$0x1] =	wrdreg $0xFFFFFFFF  }
0xb6: {  	s28 =	simm.s32 $_size_execute0_lowered;
	s3 =	sadd.s32 s3, s5;
	[dreg:$0x0] =	wrdreg $0x0  }
0xb7: {  	s5 =	sshll.u32 s28, $0x1;
	[dreg:$0x2] =	wrdreg s3  }
0xb8: {  	[dreg:$0x3] =	wrdreg s5  }
0xb9: {  	[dreg:$0x4] =	wrdreg $0xC0  }
0xba: {  	_ =	task [dreg:s22], $0x5FFFF  }
0xbb: {  	[dreg:$0x1] =	wrdreg $0xFFFFFFFF  }
0xbc: {  	[dreg:$0x0] =	wrdreg $0x60  }
0xbd: {  	[dreg:$0x2] =	wrdreg s24  }
0xbe: {  	[dreg:$0x3] =	wrdreg $0x0  }
0xbf: {  	[dreg:$0x4] =	wrdreg $0xA  }
0xc0: {  	_ =	task.clear_ibuf [dreg:s22], $0x5FFFF;
	_ =	strace $0x90000049  }
0xc1: {  	s29 =	simm.s32 $0xA;
	_ =	strace $0x8000004B  }
0xc2: {  	_ =	swait.ge [sflag:s29], $0x1  }
0xc3: {  	[sflag:s29] =	ssyncadd.s32 $0xFFFFFFFF  }
0xc4: {  	_ =	strace $0x9000004B  }
0xc5: {  	_ =	sfence  }
0xc6: {  	s30 =	sld [smem:$0x0];
	_ =	sdelay $0x2  }
0xc7: {  	s31 =	sshll.u32 s1, $0xD;
	s1 =	sshrl.u32 s1, $0x2  }
0xc8: {  	s4 =	sand.u32 $0x4000, s31;
	s1 =	sadd.s32 s1, s30  }
0xc9: {  	s0 =	sor.u32 s4, s0;
	s1 =	sshll.u32 s1, $0x11  }
0xca: {  	s0 =	sor.u32 s1, s0  }
0xcb: {  	s0 =	sadd.s32 $0x8F2B, s0  }
0xcc: {  	[sflag:s0] =	ssyncadd.remote.s32 $0x1  }
0xcd: {  	_ =	sfence.sel $0xFFFF  }
0xce: {  	[dreg:$0x0] =	wrdreg $0xFFFFFFFF;
	(pc) =	sbr.abs _section_cstart, $3  }
0xcf: {  	[dreg:$0x1] =	wrdreg $0xFFFFFFFF  }
0xd0: {  	_ =	task.clear_ibuf [dreg:s22], $0x2FFFF;
	_ =	strace $0x9FFFFFFF  }
0xd1: {  	(tm) =	ssettm $0x7FFFFFFF  }
tec
execute0_lowered:
.L_overlay_start_1:
0x0: {  	(tag) =	ssettag $0x1  }
0x1: {  	s0 =	rddreg [dreg:$0x0]  }
0x2: {  	s1 =	rddreg [dreg:$0x1]  }
0x3: {  	s2 =	simm.s32 $0x0;
	s3 =	srdreg.scid;
	s11 =	stileid.u32  }
0x4: {  	s28 =	simm.s32 $0x6;
	s29 =	simm.s32 $0x0;
	[smem:$0x7FF] =	sst s2  }
0x5: {  	s3 =	sand.u32 $0x1, s3;
	s4 =	sadd.s32 $0x60000, s0;
	s8 =	smul.u32 $0x50000, s11  }
0x6: {  	s6 =	sshll.u32 s11, $0x1;
	s5 =	smul.u32 $0x28000, s3;
	s10 =	ssub.s32 $0x2, s3  }
0x7: {  	s7 =	sadd.s32 $0x5B000, s0;
	s9 =	sadd.s32 $0x6000, s0;
	s20 =	sshrl.u32 s10, $0x1  }
0x8: {  	s8 =	sshrl.u32 s8, $0x2;
	s0 =	sadd.s32 s5, s0;
	s5 =	ssub.s32 s10, s20  }
0x9: {  	s24 =	smul.u32 $0x2800, s11;
	s31 =	sadd.s32 s8, s1;
	s5 =	smax.u32 s5, $0x1  }
0xa: {  	_ =	strace $0x8000004A;
	s25 =	sadd.s32 $0x1000, s31;
	[dreg:$0x7] =	wrdreg s5  }
0xb: {  	s6 =	sor.u32 s3, s6;
	s26 =	sadd.s32 $0x2000, s31;
	[dreg:$0x8] =	wrdreg s25  }
0xc: {  	s3 =	smul.u32 $0x1400, s3;
	s30 =	sadd.s32 $0x3000, s31;
	[dreg:$0x9] =	wrdreg s26  }
0xd: {  	s6 =	smul.u32 $0x1400, s6;
	s8 =	sadd.s32 $0x4000, s31;
	[dreg:$0xa] =	wrdreg s30  }
0xe: {  	s3 =	sadd.s32 s3, s24;
	s10 =	sadd.s32 $0x5000, s31;
	[dreg:$0xb] =	wrdreg s8  }
0xf: {  	s6 =	sshrl.u32 s6, $0x3;
	s11 =	sadd.s32 $0x6000, s31;
	[dreg:$0xc] =	wrdreg s10  }
0x10: {  	s12 =	sadd.s32 $0x7000, s31;
	s13 =	sor.u32 $0xF0, s3;
	[dreg:$0xd] =	wrdreg s11  }
0x11: {  	s3 =	sor.u32 $0xA0, s3;
	s14 =	sadd.s32 $0x8000, s31;
	[dreg:$0xe] =	wrdreg s12  }
0x12: {  	s15 =	sadd.s32 $0x9000, s31;
	s0 =	sadd.s32 s24, s0;
	[dreg:$0xf] =	wrdreg s14  }
0x13: {  	s16 =	sadd.s32 $0xA000, s31;
	s17 =	sadd.s32 $0xB000, s31;
	[dreg:$0x10] =	wrdreg s15  }
0x14: {  	s18 =	sadd.s32 $0xC000, s31;
	s24 =	sadd.s32 $0xE000, s31;
	[dreg:$0x11] =	wrdreg s16  }
0x15: {  	s21 =	sadd.s32 s7, s6;
	s22 =	sadd.s32 s9, s6;
	[dreg:$0x12] =	wrdreg s17  }
0x16: {  	s6 =	sor.u32 $0xA, s6;
	s5 =	sshrl.u32 s13, $0x3;
	[dreg:$0x13] =	wrdreg s18  }
0x17: {  	s3 =	sshrl.u32 s3, $0x3;
	s25 =	sadd.s32 $0x2D1000, s0;
	[dreg:$0x15] =	wrdreg s24  }
0x18: {  	s26 =	sadd.s32 $0xF000, s31;
	s30 =	sadd.s32 $0x10000, s31;
	s8 =	simm.s32 $0x19200  }
0x19: {  	s10 =	simm.s32 $0x14000;
	s11 =	simm.s32 $0x14100;
	s12 =	simm.s32 $0x1  }
0x1a: {  	s13 =	simm.s32 $0x50;
	s14 =	simm.s32 $0x14200;
	s15 =	simm.s32 $0x14080  }
0x1b: {  	s16 =	simm.s32 $0x14180;
	s17 =	simm.s32 $0x2;
	[dreg:$0x3] =	wrdreg s21  }
0x1c: {  	s18 =	simm.s32 $0x16A00;
	s24 =	simm.s32 $0x4;
	[dreg:$0x4] =	wrdreg s22  }
0x1d: {  	s23 =	sadd.s32 s7, s6;
	s6 =	sadd.s32 s9, s6;
	s19 =	sadd.s32 s5, s9  }
0x1e: {  	s20 =	sadd.s32 s5, s7;
	s21 =	sadd.s32 s3, s9;
	[dreg:$0x16] =	wrdreg s26  }
0x1f: {  	s22 =	sadd.s32 s3, s7;
	[dreg:$0x17] =	wrdreg s30;
	s3 =	sadd.s32 $0x11000, s31  }
0x20: {  	s7 =	sadd.s32 $0x13000, s31;
	s9 =	simm.s32 $0x7;
	[dreg:$0x5] =	wrdreg s23  }
0x21: {  	s26 =	simm.s32 $0x5;
	[dreg:$0x6] =	wrdreg s6;
	s23 =	sadd.s32 $0xD000, s31  }
0x22: {  	v0 =	vimm.f32 $0.0e+00;
	s6 =	sadd.s32 $0x12000, s31;
	[dreg:$0x14] =	wrdreg s23;
	s23 =	simm.s32 $0x3  }
.LBB2_1:
0x23: {  	s30 =	simm.s32 $0x0;
	s5 =	simm.s32 $0x200  }
.LBB2_2:
0x24: {  	p0 =	sne.s32 s5, $0x3E00;
	[tilespmem:s30+$0x19270] =	vst v0  }
0x25: {  	[tilespmem:s30+$0x19200] =	vst v0  }
0x26: {  	[tilespmem:s30+$0x19210] =	vst v0  }
.Ltmp0:
0x27: {  	[tilespmem:s30+$0x19220] =	vst v0;
	(pc) =	sbr.rel @p0 .LBB2_2-.Ltmp0, $4  }
0x28: {  	[tilespmem:s30+$0x19230] =	vst v0  }
0x29: {  	[tilespmem:s30+$0x19240] =	vst v0  }
0x2a: {  	[tilespmem:s30+$0x19250] =	vst v0  }
0x2b: {  	[tilespmem:s30+$0x19260] =	vst v0;
	s30 =	sshra.s32 s5, $0x2;
	s5 =	sadd.s32 $0x200, s5  }
0x2c: {  	[tilespmem:s30+$0x19270] =	vst v0  }
0x2d: {  	[tilespmem:s30+$0x19200] =	vst v0  }
0x2e: {  	[tilespmem:s30+$0x19210] =	vst v0  }
0x2f: {  	[tilespmem:s30+$0x19220] =	vst v0  }
0x30: {  	[tilespmem:s30+$0x19230] =	vst v0  }
0x31: {  	[tilespmem:s30+$0x19240] =	vst v0  }
0x32: {  	[tilespmem:s30+$0x19250] =	vst v0  }
0x33: {  	[tilespmem:s30+$0x19260] =	vst v0  }
0x34: {  	[spmem:s31] =	stream.linear.scatter [tilespmem:s8], [sflag:$0x7], $0x1000, $0x38;
	[tilespmem:$0x1A200] =	vst v63  }
0x35: {  	_ =	swait.ge [sflag:s9], $0x1000  }
0x36: {  	[sflag:s9] =	ssyncset.done $0x0  }
0x37: {  	s0 =	rddreg [dreg:$0x8];
	[sflag:s9] =	ssyncadd.s32 $0xFFFFF000  }
0x38: {  	[spmem:s0] =	stream.linear.scatter [tilespmem:s8], [sflag:$0x7], $0x1000, $0x38;
	[tilespmem:$0x1A200] =	vst v63  }
0x39: {  	_ =	swait.ge [sflag:s9], $0x1000  }
0x3a: {  	[sflag:s9] =	ssyncset.done $0x0  }
0x3b: {  	s5 =	rddreg [dreg:$0x9];
	[sflag:s9] =	ssyncadd.s32 $0xFFFFF000  }
0x3c: {  	[spmem:s5] =	stream.linear.scatter [tilespmem:s8], [sflag:$0x7], $0x1000, $0x38;
	[tilespmem:$0x1A200] =	vst v63  }
0x3d: {  	_ =	swait.ge [sflag:s9], $0x1000  }
0x3e: {  	[sflag:s9] =	ssyncset.done $0x0  }
0x3f: {  	s5 =	rddreg [dreg:$0xa];
	[sflag:s9] =	ssyncadd.s32 $0xFFFFF000  }
0x40: {  	[spmem:s5] =	stream.linear.scatter [tilespmem:s8], [sflag:$0x7], $0x1000, $0x38;
	[tilespmem:$0x1A200] =	vst v63  }
0x41: {  	_ =	swait.ge [sflag:s9], $0x1000  }
0x42: {  	[sflag:s9] =	ssyncset.done $0x0  }
0x43: {  	s5 =	rddreg [dreg:$0xb];
	[sflag:s9] =	ssyncadd.s32 $0xFFFFF000  }
0x44: {  	[spmem:s5] =	stream.linear.scatter [tilespmem:s8], [sflag:$0x7], $0x1000, $0x38;
	[tilespmem:$0x1A200] =	vst v63  }
0x45: {  	_ =	swait.ge [sflag:s9], $0x1000  }
0x46: {  	[sflag:s9] =	ssyncset.done $0x0  }
0x47: {  	s5 =	rddreg [dreg:$0xc];
	[sflag:s9] =	ssyncadd.s32 $0xFFFFF000  }
0x48: {  	[spmem:s5] =	stream.linear.scatter [tilespmem:s8], [sflag:$0x7], $0x1000, $0x38;
	[tilespmem:$0x1A200] =	vst v63  }
0x49: {  	_ =	swait.ge [sflag:s9], $0x1000  }
0x4a: {  	[sflag:s9] =	ssyncset.done $0x0  }
0x4b: {  	s5 =	rddreg [dreg:$0xd];
	[sflag:s9] =	ssyncadd.s32 $0xFFFFF000  }
0x4c: {  	[spmem:s5] =	stream.linear.scatter [tilespmem:s8], [sflag:$0x7], $0x1000, $0x38;
	[tilespmem:$0x1A200] =	vst v63  }
0x4d: {  	_ =	swait.ge [sflag:s9], $0x1000  }
0x4e: {  	[sflag:s9] =	ssyncset.done $0x0  }
0x4f: {  	s5 =	rddreg [dreg:$0xe];
	[sflag:s9] =	ssyncadd.s32 $0xFFFFF000  }
0x50: {  	[spmem:s5] =	stream.linear.scatter [tilespmem:s8], [sflag:$0x7], $0x1000, $0x38;
	[tilespmem:$0x1A200] =	vst v63  }
0x51: {  	_ =	swait.ge [sflag:s9], $0x1000  }
0x52: {  	[sflag:s9] =	ssyncset.done $0x0  }
0x53: {  	s5 =	rddreg [dreg:$0xf];
	[sflag:s9] =	ssyncadd.s32 $0xFFFFF000  }
0x54: {  	[spmem:s5] =	stream.linear.scatter [tilespmem:s8], [sflag:$0x7], $0x1000, $0x38;
	[tilespmem:$0x1A200] =	vst v63  }
0x55: {  	_ =	swait.ge [sflag:s9], $0x1000  }
0x56: {  	[sflag:s9] =	ssyncset.done $0x0  }
0x57: {  	s5 =	rddreg [dreg:$0x10];
	[sflag:s9] =	ssyncadd.s32 $0xFFFFF000  }
0x58: {  	[spmem:s5] =	stream.linear.scatter [tilespmem:s8], [sflag:$0x7], $0x1000, $0x38;
	[tilespmem:$0x1A200] =	vst v63  }
0x59: {  	_ =	swait.ge [sflag:s9], $0x1000  }
0x5a: {  	[sflag:s9] =	ssyncset.done $0x0  }
0x5b: {  	s5 =	rddreg [dreg:$0x11];
	[sflag:s9] =	ssyncadd.s32 $0xFFFFF000  }
0x5c: {  	[spmem:s5] =	stream.linear.scatter [tilespmem:s8], [sflag:$0x7], $0x1000, $0x38;
	[tilespmem:$0x1A200] =	vst v63  }
0x5d: {  	_ =	swait.ge [sflag:s9], $0x1000  }
0x5e: {  	[sflag:s9] =	ssyncset.done $0x0  }
0x5f: {  	s5 =	rddreg [dreg:$0x12];
	[sflag:s9] =	ssyncadd.s32 $0xFFFFF000  }
0x60: {  	[spmem:s5] =	stream.linear.scatter [tilespmem:s8], [sflag:$0x7], $0x1000, $0x38;
	[tilespmem:$0x1A200] =	vst v63  }
0x61: {  	_ =	swait.ge [sflag:s9], $0x1000  }
0x62: {  	[sflag:s9] =	ssyncset.done $0x0  }
0x63: {  	s5 =	rddreg [dreg:$0x13];
	[sflag:s9] =	ssyncadd.s32 $0xFFFFF000  }
0x64: {  	[spmem:s5] =	stream.linear.scatter [tilespmem:s8], [sflag:$0x7], $0x1000, $0x38;
	[tilespmem:$0x1A200] =	vst v63  }
0x65: {  	_ =	swait.ge [sflag:s9], $0x1000  }
0x66: {  	[sflag:s9] =	ssyncset.done $0x0  }
0x67: {  	s5 =	rddreg [dreg:$0x14];
	[sflag:s9] =	ssyncadd.s32 $0xFFFFF000  }
0x68: {  	[spmem:s5] =	stream.linear.scatter [tilespmem:s8], [sflag:$0x7], $0x1000, $0x38;
	[tilespmem:$0x1A200] =	vst v63  }
0x69: {  	_ =	swait.ge [sflag:s9], $0x1000  }
0x6a: {  	[sflag:s9] =	ssyncset.done $0x0  }
0x6b: {  	s5 =	rddreg [dreg:$0x15];
	[sflag:s9] =	ssyncadd.s32 $0xFFFFF000  }
0x6c: {  	[spmem:s5] =	stream.linear.scatter [tilespmem:s8], [sflag:$0x7], $0x1000, $0x38;
	[tilespmem:$0x1A200] =	vst v63  }
0x6d: {  	_ =	swait.ge [sflag:s9], $0x1000  }
0x6e: {  	[sflag:s9] =	ssyncset.done $0x0  }
0x6f: {  	s5 =	rddreg [dreg:$0x16];
	[sflag:s9] =	ssyncadd.s32 $0xFFFFF000  }
0x70: {  	[spmem:s5] =	stream.linear.scatter [tilespmem:s8], [sflag:$0x7], $0x1000, $0x38;
	[tilespmem:$0x1A200] =	vst v63  }
0x71: {  	_ =	swait.ge [sflag:s9], $0x1000  }
0x72: {  	[sflag:s9] =	ssyncset.done $0x0  }
0x73: {  	s5 =	rddreg [dreg:$0x17];
	[sflag:s9] =	ssyncadd.s32 $0xFFFFF000  }
0x74: {  	[spmem:s5] =	stream.linear.scatter [tilespmem:s8], [sflag:$0x7], $0x1000, $0x38;
	[tilespmem:$0x1A200] =	vst v63  }
0x75: {  	_ =	swait.ge [sflag:s9], $0x1000  }
0x76: {  	[sflag:s9] =	ssyncset.done $0x0  }
0x77: {  	[sflag:s9] =	ssyncadd.s32 $0xFFFFF000  }
0x78: {  	[spmem:s3] =	stream.linear.scatter [tilespmem:s8], [sflag:$0x7], $0x1000, $0x38;
	[tilespmem:$0x1A200] =	vst v63  }
0x79: {  	_ =	swait.ge [sflag:s9], $0x1000  }
0x7a: {  	[sflag:s9] =	ssyncset.done $0x0  }
0x7b: {  	[sflag:s9] =	ssyncadd.s32 $0xFFFFF000  }
0x7c: {  	[spmem:s6] =	stream.linear.scatter [tilespmem:s8], [sflag:$0x7], $0x1000, $0x38;
	[tilespmem:$0x1A200] =	vst v63  }
0x7d: {  	_ =	swait.ge [sflag:s9], $0x1000  }
0x7e: {  	[sflag:s9] =	ssyncset.done $0x0  }
0x7f: {  	[sflag:s9] =	ssyncadd.s32 $0xFFFFF000  }
0x80: {  	[spmem:s7] =	stream.linear.scatter [tilespmem:s8], [sflag:$0x7], $0x1000, $0x38;
	[tilespmem:$0x1A200] =	vst v63  }
0x81: {  	_ =	swait.ge [sflag:s9], $0x1000  }
0x82: {  	[sflag:s9] =	ssyncset.done $0x0  }
0x83: {  	[sflag:s9] =	ssyncadd.s32 $0xFFFFF000  }
0x84: {  	[bflag:$0x0] =	sbarrier.arrive $0xFFFF  }
0x85: {  	s5 =	simm.s32 $0x0;
	s0 =	rddreg [dreg:$0x3]  }
0x86: {  	[tilespmem:s10], [sflag:$0x1] =	stream.linear.gather [hbm4b:s0+s5], $0x50, $0x38;
	[tilespmem:$0x1A200] =	vst v63  }
0x87: {  	s0 =	rddreg [dreg:$0x4]  }
0x88: {  	[tilespmem:s11], [sflag:$0x1] =	stream.linear.gather [hbm4b:s0+s5], $0x50, $0x38;
	[tilespmem:$0x1A200] =	vst v63  }
0x89: {  	_ =	swait.ge [sflag:s12], $0x50  }
0x8a: {  	[sflag:s12] =	ssyncset.done $0x0  }
0x8b: {  	[sflag:s12] =	ssyncadd.s32 $0xFFFFFFB0  }
0x8c: {  	_ =	swait.ge [sflag:s12], $0x50  }
0x8d: {  	[sflag:s12] =	ssyncset.done $0x0  }
0x8e: {  	[sflag:s12] =	ssyncadd.s32 $0xFFFFFFB0  }
0x8f: {  	[tilespmem:s14], [sflag:$0x3] =	stream.indirect.gather [hbm4b:s4+s13], $0x80, s10, s13, $0xb8;
	[tilespmem:$0x1A200] =	vst v63  }
0x90: {  	s0 =	rddreg [dreg:$0x5]  }
0x91: {  	[tilespmem:s15], [sflag:$0x2] =	stream.linear.gather [hbm4b:s0+s5], $0x50, $0x38;
	[tilespmem:$0x1A200] =	vst v63  }
0x92: {  	s0 =	rddreg [dreg:$0x6]  }
0x93: {  	[tilespmem:s16], [sflag:$0x2] =	stream.linear.gather [hbm4b:s0+s5], $0x50, $0x38;
	[tilespmem:$0x1A200] =	vst v63  }
0x94: {  	_ =	swait.ge [sflag:s17], $0x50  }
0x95: {  	[sflag:s17] =	ssyncset.done $0x0  }
0x96: {  	[sflag:s17] =	ssyncadd.s32 $0xFFFFFFB0  }
0x97: {  	_ =	swait.ge [sflag:s17], $0x50  }
0x98: {  	[sflag:s17] =	ssyncset.done $0x0  }
0x99: {  	[sflag:s17] =	ssyncadd.s32 $0xFFFFFFB0  }
0x9a: {  	[tilespmem:s18], [sflag:$0x4] =	stream.indirect.gather [hbm4b:s4+s13], $0x80, s15, s13, $0xb8;
	[tilespmem:$0x1A200] =	vst v63  }
0x9b: {  	_ =	swait.ge [sflag:s23], $0x2800  }
0x9c: {  	[sflag:s23] =	ssyncset.done $0x0  }
0x9d: {  	[sflag:s23] =	ssyncadd.s32 $0xFFFFD800  }
0x9e: {  	[spmem:s1] =	stream.indirect.scatter.add.f32 [tilespmem:s14], [sflag:$0x5], $0x80, s11, s13, $0xb8;
	[tilespmem:$0x1A200] =	vst v63  }
0x9f: {  	_ =	swait.ge [sflag:s24], $0x2800  }
0xa0: {  	[sflag:s24] =	ssyncset.done $0x0  }
0xa1: {  	[sflag:s24] =	ssyncadd.s32 $0xFFFFD800  }
0xa2: {  	[spmem:s1] =	stream.indirect.scatter.add.f32 [tilespmem:s18], [sflag:$0x6], $0x80, s16, s13, $0xb8;
	[tilespmem:$0x1A200] =	vst v63  }
0xa3: {  	_ =	swait.ge [sflag:s26], $0x2800  }
0xa4: {  	[sflag:s26] =	ssyncset.done $0x0  }
0xa5: {  	s0 =	sadd.s32 $0x0, s22;
	[sflag:s26] =	ssyncadd.s32 $0xFFFFD800  }
0xa6: {  	[tilespmem:s10], [sflag:$0x1] =	stream.linear.gather [hbm4b:s0+s2], $0x50, $0x38;
	[tilespmem:$0x1A200] =	vst v63  }
0xa7: {  	s0 =	sadd.s32 $0x0, s21  }
0xa8: {  	[tilespmem:s11], [sflag:$0x1] =	stream.linear.gather [hbm4b:s0+s2], $0x50, $0x38;
	[tilespmem:$0x1A200] =	vst v63  }
0xa9: {  	_ =	swait.ge [sflag:s12], $0x50  }
0xaa: {  	[sflag:s12] =	ssyncset.done $0x0  }
0xab: {  	[sflag:s12] =	ssyncadd.s32 $0xFFFFFFB0  }
0xac: {  	_ =	swait.ge [sflag:s12], $0x50  }
0xad: {  	[sflag:s12] =	ssyncset.done $0x0  }
0xae: {  	[sflag:s12] =	ssyncadd.s32 $0xFFFFFFB0  }
0xaf: {  	[tilespmem:s14], [sflag:$0x3] =	stream.indirect.gather [hbm4b:s4+s13], $0x80, s10, s13, $0xb8;
	[tilespmem:$0x1A200] =	vst v63  }
0xb0: {  	_ =	swait.ge [sflag:s28], $0x2800  }
0xb1: {  	[sflag:s28] =	ssyncset.done $0x0  }
0xb2: {  	s0 =	sadd.s32 $0x0, s20;
	[sflag:s28] =	ssyncadd.s32 $0xFFFFD800  }
0xb3: {  	[tilespmem:s15], [sflag:$0x2] =	stream.linear.gather [hbm4b:s0+s2], $0x50, $0x38;
	[tilespmem:$0x1A200] =	vst v63  }
0xb4: {  	s0 =	sadd.s32 $0x0, s19  }
0xb5: {  	[tilespmem:s16], [sflag:$0x2] =	stream.linear.gather [hbm4b:s0+s2], $0x50, $0x38;
	[tilespmem:$0x1A200] =	vst v63  }
0xb6: {  	_ =	swait.ge [sflag:s17], $0x50  }
0xb7: {  	[sflag:s17] =	ssyncset.done $0x0  }
0xb8: {  	[sflag:s17] =	ssyncadd.s32 $0xFFFFFFB0  }
0xb9: {  	_ =	swait.ge [sflag:s17], $0x50  }
0xba: {  	[sflag:s17] =	ssyncset.done $0x0  }
0xbb: {  	s30 =	simm.s32 $0x14;
	[sflag:s17] =	ssyncadd.s32 $0xFFFFFFB0  }
.LBB2_4:
0xbc: {  	[tilespmem:s18], [sflag:$0x4] =	stream.indirect.gather [hbm4b:s4+s13], $0x80, s15, s13, $0xb8;
	[tilespmem:$0x1A200] =	vst v63  }
0xbd: {  	s5 =	smov.u32 s30  }
0xbe: {  	p0 =	sne.s32 s30, $0x258;
	s30 =	sadd.s32 $0x14, s30;
	_ =	swait.ge [sflag:s23], $0x2800  }
0xbf: {  	[sflag:s23] =	ssyncset.done $0x0  }
0xc0: {  	[sflag:s23] =	ssyncadd.s32 $0xFFFFD800  }
0xc1: {  	[spmem:s1] =	stream.indirect.scatter.add.f32 [tilespmem:s14], [sflag:$0x5], $0x80, s11, s13, $0xb8;
	[tilespmem:$0x1A200] =	vst v63  }
0xc2: {  	_ =	swait.ge [sflag:s24], $0x2800  }
0xc3: {  	[sflag:s24] =	ssyncset.done $0x0  }
0xc4: {  	[sflag:s24] =	ssyncadd.s32 $0xFFFFD800  }
0xc5: {  	[spmem:s1] =	stream.indirect.scatter.add.f32 [tilespmem:s18], [sflag:$0x6], $0x80, s16, s13, $0xb8;
	[tilespmem:$0x1A200] =	vst v63  }
0xc6: {  	_ =	swait.ge [sflag:s26], $0x2800  }
0xc7: {  	[sflag:s26] =	ssyncset.done $0x0  }
0xc8: {  	s0 =	sadd.s32 s5, s22;
	[sflag:s26] =	ssyncadd.s32 $0xFFFFD800  }
0xc9: {  	[tilespmem:s10], [sflag:$0x1] =	stream.linear.gather [hbm4b:s0+s2], $0x50, $0x38;
	[tilespmem:$0x1A200] =	vst v63  }
0xca: {  	s0 =	sadd.s32 s5, s21  }
0xcb: {  	[tilespmem:s11], [sflag:$0x1] =	stream.linear.gather [hbm4b:s0+s2], $0x50, $0x38;
	[tilespmem:$0x1A200] =	vst v63  }
0xcc: {  	_ =	swait.ge [sflag:s12], $0x50  }
0xcd: {  	[sflag:s12] =	ssyncset.done $0x0  }
0xce: {  	[sflag:s12] =	ssyncadd.s32 $0xFFFFFFB0  }
0xcf: {  	_ =	swait.ge [sflag:s12], $0x50  }
0xd0: {  	[sflag:s12] =	ssyncset.done $0x0  }
0xd1: {  	[sflag:s12] =	ssyncadd.s32 $0xFFFFFFB0  }
0xd2: {  	[tilespmem:s14], [sflag:$0x3] =	stream.indirect.gather [hbm4b:s4+s13], $0x80, s10, s13, $0xb8;
	[tilespmem:$0x1A200] =	vst v63  }
0xd3: {  	_ =	swait.ge [sflag:s28], $0x2800  }
0xd4: {  	[sflag:s28] =	ssyncset.done $0x0  }
0xd5: {  	s0 =	sadd.s32 s5, s20;
	[sflag:s28] =	ssyncadd.s32 $0xFFFFD800  }
0xd6: {  	[tilespmem:s15], [sflag:$0x2] =	stream.linear.gather [hbm4b:s0+s2], $0x50, $0x38;
	[tilespmem:$0x1A200] =	vst v63  }
0xd7: {  	s0 =	sadd.s32 s5, s19  }
0xd8: {  	[tilespmem:s16], [sflag:$0x2] =	stream.linear.gather [hbm4b:s0+s2], $0x50, $0x38;
	[tilespmem:$0x1A200] =	vst v63  }
0xd9: {  	_ =	swait.ge [sflag:s17], $0x50  }
.Ltmp1:
0xda: {  	[sflag:s17] =	ssyncset.done $0x0;
	(pc) =	sbr.rel @p0 .LBB2_4-.Ltmp1, $4  }
0xdb: {  	[sflag:s17] =	ssyncadd.s32 $0xFFFFFFB0  }
0xdc: {  	_ =	swait.ge [sflag:s17], $0x50  }
0xdd: {  	[sflag:s17] =	ssyncset.done $0x0  }
0xde: {  	[sflag:s17] =	ssyncadd.s32 $0xFFFFFFB0  }
0xdf: {  	[tilespmem:s18], [sflag:$0x4] =	stream.indirect.gather [hbm4b:s4+s13], $0x80, s15, s13, $0xb8;
	[tilespmem:$0x1A200] =	vst v63  }
0xe0: {  	_ =	swait.ge [sflag:s23], $0x2800  }
0xe1: {  	[sflag:s23] =	ssyncset.done $0x0  }
0xe2: {  	[sflag:s23] =	ssyncadd.s32 $0xFFFFD800  }
0xe3: {  	[spmem:s1] =	stream.indirect.scatter.add.f32 [tilespmem:s14], [sflag:$0x5], $0x80, s11, s13, $0xb8;
	[tilespmem:$0x1A200] =	vst v63  }
0xe4: {  	_ =	swait.ge [sflag:s24], $0x2800  }
0xe5: {  	[sflag:s24] =	ssyncset.done $0x0  }
0xe6: {  	[sflag:s24] =	ssyncadd.s32 $0xFFFFD800  }
0xe7: {  	[spmem:s1] =	stream.indirect.scatter.add.f32 [tilespmem:s18], [sflag:$0x6], $0x80, s16, s13, $0xb8;
	[tilespmem:$0x1A200] =	vst v63  }
0xe8: {  	_ =	swait.ge [sflag:s26], $0x2800  }
0xe9: {  	[sflag:s26] =	ssyncset.done $0x0  }
0xea: {  	[sflag:s26] =	ssyncadd.s32 $0xFFFFD800  }
0xeb: {  	_ =	swait.ge [sflag:s28], $0x2800  }
0xec: {  	[sflag:s28] =	ssyncset.done $0x0  }
0xed: {  	[sflag:s28] =	ssyncadd.s32 $0xFFFFD800  }
0xee: {  	[bflag:$0x0] =	sbarrier.arrive $0xFFFF  }
0xef: {  	[tilespmem:s8], [sflag:$0x7] =	stream.linear.gather [spmem:s31], $0x1000, $0x38;
	[tilespmem:$0x1A200] =	vst v63  }
0xf0: {  	_ =	swait.ge [sflag:s9], $0x1000  }
0xf1: {  	[sflag:s9] =	ssyncset.done $0x0  }
0xf2: {  	s0 =	sadd.s32 $0x0, s25;
	[sflag:s9] =	ssyncadd.s32 $0xFFFFF000  }
0xf3: {  	[hbm4b:s0+s2] =	stream.linear.scatter [tilespmem:s8], [sflag:$0x7], $0x1000, $0x38;
	[tilespmem:$0x1A200] =	vst v63  }
0xf4: {  	_ =	swait.ge [sflag:s9], $0x1000  }
0xf5: {  	s30 =	simm.s32 $0x200;
	s5 =	smov.u32 s31;
	[sflag:s9] =	ssyncset.done $0x0  }
.LBB2_6:
0xf6: {  	p0 =	sne.s32 s30, $0x2600;
	[sflag:s9] =	ssyncadd.s32 $0xFFFFF000;
	s5 =	sadd.s32 $0x1000, s5  }
0xf7: {  	[tilespmem:s8], [sflag:$0x7] =	stream.linear.gather [spmem:s5], $0x1000, $0x38;
	[tilespmem:$0x1A200] =	vst v63  }
0xf8: {  	s0 =	smov.u32 s30;
	s30 =	sadd.s32 $0x200, s30;
	_ =	swait.ge [sflag:s9], $0x1000  }
.Ltmp2:
0xf9: {  	[sflag:s9] =	ssyncset.done $0x0;
	(pc) =	sbr.rel @p0 .LBB2_6-.Ltmp2, $4  }
0xfa: {  	s0 =	sadd.s32 s0, s25;
	[sflag:s9] =	ssyncadd.s32 $0xFFFFF000  }
0xfb: {  	[hbm4b:s0+s2] =	stream.linear.scatter [tilespmem:s8], [sflag:$0x7], $0x1000, $0x38;
	[tilespmem:$0x1A200] =	vst v63  }
0xfc: {  	_ =	swait.ge [sflag:s9], $0x1000  }
0xfd: {  	[sflag:s9] =	ssyncset.done $0x0  }
0xfe: {  	s29 =	sadd.s32 $0x1, s29;
	s0 =	rddreg [dreg:$0x7]  }
0xff: {  	p0 =	sne.s32 s29, s0  }
.Ltmp3:
0x100: {  	_ = 	snop;
	(pc) =	sbr.rel @p0 .LBB2_1-.Ltmp3, $2  }
0x101: {  	_ =	sdelay $0x2  }
0x102: {  	[sflag:s9] =	ssyncadd.s32 $0xFFFFF000  }
0x103: {  	_ =	sfence.sel $0x180000  }
0x104: {  	[bflag:$0x0] =	sbarrier.arrive $0xFFFF  }
0x105: {  	_ =	strace $0x9000004A  }
0x106: {  	s0 =	stileid.u32;
	[bflag:$0x2] =	sbarrier.arrive $0xFFFF  }
0x107: {  	p0 =	sne.s32 s0, $0x0;
	s0 =	rddreg [dreg:$0x2]  }
0x108: {  	s0 =	sadd.s32 @!p0 $0x100000, s0  }
0x109: {  	[sflag:s0] =	ssyncadd.tile.s32 @!p0 $0x1;
	_ =	shalt  }
.Lfunc_end2:
_tile_overlayer_lowered:
.L_overlay_start_2:
0x10a: {  	(tag) =	ssettag $0x2  }
0x10b: {  	s0 =	rddreg [dreg:$0x0];
	s2 =	stileid.u32  }
0x10c: {  	s1 =	rddreg [dreg:$0x1];
	p0 =	sne.s32 s2, $0x0  }
0x10d: {  	s3 =	rddreg [dreg:$0x2];
	[bflag:$0x3] =	sbarrier.arrive $0xFFFF;
	s2 =	simm.s32 @!p0 $0x1C07  }
0x10e: {  	[timem:s3], [sflag:s2] =	dma.local @!p0 [hbm:s0], s1  }
0x10f: {  	s0 =	simm.s32 @!p0 $0x7  }
0x110: {  	_ =	swait.ge @!p0 [sflag:s0], s1  }
0x111: {  	s1 =	ssub.s32 @!p0 $0x0, s1;
	[sflag:s0] =	ssyncset.done @!p0 $0x0  }
0x112: {  	[sflag:s0] =	ssyncadd.s32 @!p0 s1  }
0x113: {  	[bflag:$0x3] =	sbarrier.arrive $0xFFFF  }
0x114: {  	_ =	shalt  }

// kernel: kernel.16.cloned.1.call-start
scs
__scs_entry_jumppad:
0x0: {  	(pc) =	sbr.rel $0x88, $3  }
0x1: {  	(tag) =	ssettag $0x0;
	lr =	simm.s32 $0x1  }
0x2: {  	[smem:$0x3F8A] =	sst lr;
	_ =	strace $0xD0000000  }
0x3: {  	_ = 	snop  }
0x4: {  	_ = 	snop  }
0x5: {  	_ = 	snop  }
0x6: {  	_ = 	snop  }
0x7: {  	_ = 	snop  }
__scs_overlays_trampoline_lowered:
0x8: {  	[smem:$0x3F99] =	sst s0  }
0x9: {  	[smem:$0x3F9A] =	sst s1  }
0xa: {  	[smem:$0x3F9B] =	sst s2  }
0xb: {  	[smem:$0x3F9C] =	sst s3  }
0xc: {  	[smem:$0x3F9D] =	sst s4  }
0xd: {  	[smem:$0x3F9E] =	sst s5  }
0xe: {  	[smem:$0x3F9F] =	sst s6  }
0xf: {  	[smem:$0x3FA0] =	sst s7  }
0x10: {  	[smem:$0x3FA1] =	sst s8  }
0x11: {  	[smem:$0x3FA2] =	sst s9;
	s0 =	simm.s32 @!p0 $0x0  }
0x12: {  	s1 =	sld [smem:$0x3F88];
	s0 =	simm.s32 @p0 $0x1  }
0x13: {  	[smem:$0x3FA3] =	sst s0;
	s0 =	simm.s32 @!p1 $0x0  }
0x14: {  	s2 =	sld [smem:$0x3F87];
	s0 =	simm.s32 @p1 $0x1  }
0x15: {  	[smem:$0x3FA4] =	sst s0;
	s0 =	simm.s32 @!p2 $0x0  }
0x16: {  	s3 =	sld [smem:$0x3FDB];
	s0 =	simm.s32 @p2 $0x1  }
0x17: {  	s4 =	simm.s32 $0x1BF5;
	[smem:$0x3FA6] =	sst s0  }
0x18: {  	s0 =	sld [smem:$0x3F89];
	_ =	swait.ge [sflag:s4], $0x0  }
0x19: {  	s7 =	sld [smem:$0x3F8A]  }
0x1a: {  	s8 =	sadd.s32 $0xFFFFE003, lr  }
0x1b: {  	s9 =	sadd.s32 $0xFFFFFEF7, lr;
	s5 =	simm.s32 $0xFFFFFFFF;
	p2 =	slt.u32 s8, $0xFFFFF086  }
0x1c: {  	p1 =	slt.u32 s9, $0xF7A;
	s5 =	simm.s32 @!p2 $0x0  }
0x1d: {  	s5 =	simm.s32 @p1 $0x1;
	p0 =	seq.s32 s7, s2  }
0x1e: {  	s7 =	smul.u32 @!p0 $0xF7A, s2;
	p2 =	seq.s32 @!p0 s5, $0x0  }
0x1f: {  	s9 =	smul.u32 $0xF7A, s1;
	s8 =	simm.s32 @!p0 $0x1BF5;
	p2 =	por !p2, p0  }
0x20: {  	[sflag:s8] =	ssyncset.s32 @!p0 $0xFFFFF086;
	s6 =	sadd.s32 @!p0 s3, s7;
	s7 =	simm.s32 @!p0 $0x108  }
0x21: {  	s3 =	sadd.s32 s3, s9;
	s6 =	sadd.s32 @!p0 $0x88, s6;
	s7 =	simm.s32 @p2 $0x1082  }
0x22: {  	[simem:s7], [sflag:s8] =	dma.local @!p0 [hbm:s6], $0xF7A  }
0x23: {  	s9 =	sor.u32 $0xD0000000, s2;
	s6 =	simm.s32 $0x108;
	_ =	swait.ge @!p0 [sflag:s8], $0x0  }
0x24: {  	s3 =	sadd.s32 $0x88, s3;
	s6 =	simm.s32 @!p1 $0x1082;
	[sflag:s4] =	ssyncset.s32 $0xFFFFF086  }
0x25: {  	[simem:s6], [sflag:s4] =	dma.local [hbm:s3], $0xF7A  }
0x26: {  	[smem:$0x3F8A] =	sst s1;
	(tag) =	ssettag s2;
	_ =	strace s9  }
0x27: {  	s1 =	sld [smem:$0x3F9A]  }
0x28: {  	s2 =	sld [smem:$0x3F9B]  }
0x29: {  	s4 =	sld [smem:$0x3F9D]  }
0x2a: {  	p0 =	seq.s32 s5, $0x0;
	s5 =	sld [smem:$0x3F9E]  }
0x2b: {  	s6 =	sld [smem:$0x3F9F]  }
0x2c: {  	s7 =	sld [smem:$0x3FA0]  }
0x2d: {  	s3 =	simm.s32 $0x108;
	s8 =	sld [smem:$0x3FA1]  }
0x2e: {  	s3 =	simm.s32 @!p0 $0x1082;
	s9 =	sld [smem:$0x3FA2]  }
0x2f: {  	lr =	sadd.s32 s0, s3;
	s0 =	sld [smem:$0x3F99]  }
0x30: {  	s3 =	sld [smem:$0x3F9C]  }
0x31: {  	[smem:$0x3FA5] =	sst s10  }
0x32: {  	s10 =	sld [smem:$0x3FA3];
	_ =	sdelay $0x3  }
0x33: {  	p0 =	seq.s32 s10, $0x1;
	s10 =	sld [smem:$0x3FA5];
	_ =	sdelay $0x3  }
0x34: {  	[smem:$0x3FA5] =	sst s10  }
0x35: {  	s10 =	sld [smem:$0x3FA4];
	_ =	sdelay $0x3  }
0x36: {  	p1 =	seq.s32 s10, $0x1;
	s10 =	sld [smem:$0x3FA5];
	_ =	sdelay $0x3  }
0x37: {  	[smem:$0x3FA5] =	sst s10  }
0x38: {  	s10 =	sld [smem:$0x3FA6]  }
0x39: {  	_ = 	snop;
	(pc) =	sbr.ind lr, $3  }
0x3a: {  	_ = 	snop  }
0x3b: {  	_ = 	snop  }
0x3c: {  	p2 =	seq.s32 s10, $0x1;
	s10 =	sld [smem:$0x3FA5]  }
0x3d: {  	_ =	shalt  }
0x3e: {  	_ =	shalt  }
0x3f: {  	_ =	shalt  }
0x40: {  	_ =	shalt  }
0x41: {  	_ =	shalt  }
0x42: {  	_ =	shalt  }
0x43: {  	_ =	shalt  }
0x44: {  	_ =	shalt  }
0x45: {  	_ =	shalt  }
0x46: {  	_ =	shalt  }
0x47: {  	_ =	shalt  }
0x48: {  	_ =	shalt  }
0x49: {  	_ =	shalt  }
0x4a: {  	_ =	shalt  }
0x4b: {  	_ =	shalt  }
0x4c: {  	_ =	shalt  }
0x4d: {  	_ =	shalt  }
0x4e: {  	_ =	shalt  }
0x4f: {  	_ =	shalt  }
0x50: {  	_ =	shalt  }
0x51: {  	_ =	shalt  }
0x52: {  	_ =	shalt  }
0x53: {  	_ =	shalt  }
0x54: {  	_ =	shalt  }
0x55: {  	_ =	shalt  }
0x56: {  	_ =	shalt  }
0x57: {  	_ =	shalt  }
0x58: {  	_ =	shalt  }
0x59: {  	_ =	shalt  }
0x5a: {  	_ =	shalt  }
0x5b: {  	_ =	shalt  }
0x5c: {  	_ =	shalt  }
0x5d: {  	_ =	shalt  }
0x5e: {  	_ =	shalt  }
0x5f: {  	_ =	shalt  }
0x60: {  	_ =	shalt  }
0x61: {  	_ =	shalt  }
0x62: {  	_ =	shalt  }
0x63: {  	_ =	shalt  }
0x64: {  	_ =	shalt  }
0x65: {  	_ =	shalt  }
0x66: {  	_ =	shalt  }
0x67: {  	_ =	shalt  }
0x68: {  	_ =	shalt  }
0x69: {  	_ =	shalt  }
0x6a: {  	_ =	shalt  }
0x6b: {  	_ =	shalt  }
0x6c: {  	_ =	shalt  }
0x6d: {  	_ =	shalt  }
0x6e: {  	_ =	shalt  }
0x6f: {  	_ =	shalt  }
0x70: {  	_ =	shalt  }
0x71: {  	_ =	shalt  }
0x72: {  	_ =	shalt  }
0x73: {  	_ =	shalt  }
0x74: {  	_ =	shalt  }
0x75: {  	_ =	shalt  }
0x76: {  	_ =	shalt  }
0x77: {  	_ =	shalt  }
0x78: {  	_ =	shalt  }
0x79: {  	_ =	shalt  }
0x7a: {  	_ =	shalt  }
0x7b: {  	_ =	shalt  }
0x7c: {  	_ =	shalt  }
0x7d: {  	_ =	shalt  }
0x7e: {  	_ =	shalt  }
0x7f: {  	_ =	shalt  }
0x80: {  	_ =	shalt  }
0x81: {  	_ =	shalt  }
0x82: {  	_ =	shalt  }
0x83: {  	_ =	shalt  }
0x84: {  	_ =	shalt  }
0x85: {  	_ =	shalt  }
0x86: {  	_ =	shalt  }
0x87: {  	_ =	shalt  }
.Lfunc_end0:
.L_simem_size_0:
called_computation.2_lowered:
.L_overlay_start_0:
0x88: {  	s2 =	sld [smem:$0x3FD9]  }
0x89: {  	s3 =	sld [smem:$0x3FFE];
	_ =	sdelay $0x1  }
0x8a: {  	s1 =	srdreg.scid  }
0x8b: {  	s0 =	sand.u32 $0x1, s1  }
0x8c: {  	s16 =	sshll.u32 s0, $0xA;
	s2 =	sadd.s32 s3, s2  }
0x8d: {  	s2 =	sadd.s32 s2, s16  }
0x8e: {  	[smem:$0x3FB1] =	sst s2  }
0x8f: {  	_ = 	snop  }
0x90: {  	(tm) =	ssettm $0x1  }
0x91: {  	s17 =	sld [smem:$0x3FFB];
	_ =	sdelay $0x3  }
0x92: {  	_ =	strace s17  }
0x93: {  	s2 =	sld [smem:$0x3FFC];
	_ =	sdelay $0x3  }
0x94: {  	_ =	strace s2  }
0x95: {  	s2 =	sld [smem:$0x3FFD];
	_ =	sdelay $0x3  }
0x96: {  	_ =	strace s2  }
0x97: {  	_ =	strace $0x8FFFFFFF  }
0x98: {  	s18 =	sld [smem:$0x3FDB];
	_ =	sdelay $0x1  }
0x99: {  	s19 =	simm.s32 $_scs_section_size  }
0x9a: {  	s4 =	simm.s32 $_size__tile_overlayer_lowered;
	s5 =	simm.s32 $_tile_overlayer_lowered  }
0x9b: {  	s22 =	simm.s32 $0x1BFF;
	s21 =	sshll.u32 s5, $0x1;
	s2 =	sadd.s32 s19, s18  }
0x9c: {  	s6 =	simm.s32 $0x0;
	s20 =	sshll.u32 s4, $0x1;
	s4 =	sadd.s32 s21, s2  }
0x9d: {  	[timem:s6], [sflag:s22] =	dma.local [hbm:s4], s20  }
0x9e: {  	_ =	swait.ge [sflag:s22], s20  }
0x9f: {  	s3 =	ssub.s32 $0x0, s20;
	[sflag:s22] =	ssyncset.done $0x0  }
0xa0: {  	[sflag:s22] =	ssyncadd.s32 s3;
	_ =	sdelay $0x1  }
0xa1: {  	s23 =	simm.s32 $0x1B8B  }
0xa2: {  	_ =	swait.ge [sflag:s23], $0x1  }
0xa3: {  	[sflag:s23] =	ssyncset.done $0x0  }
0xa4: {  	s25 =	simm.s32 $0x1B8E;
	s24 =	sld [smem:$0x3FFE];
	[sflag:s23] =	ssyncadd.s32 $0xFFFFFFFF  }
0xa5: {  	s26 =	simm.s32 $execute0_lowered;
	[smem:$0x3FD2] =	sst s25  }
0xa6: {  	s4 =	sshll.u32 s26, $0x1;
	_ =	strace $0x8000004C;
	[dreg:$0x1] =	wrdreg $0xFFFFFFFF  }
0xa7: {  	s28 =	simm.s32 $_size_execute0_lowered;
	s2 =	sadd.s32 s2, s4;
	[dreg:$0x0] =	wrdreg $0x0  }
0xa8: {  	s4 =	sshll.u32 s28, $0x1;
	[dreg:$0x2] =	wrdreg s2  }
0xa9: {  	[dreg:$0x3] =	wrdreg s4  }
0xaa: {  	[dreg:$0x4] =	wrdreg $0xC0  }
0xab: {  	_ =	task [dreg:s6], $0x5FFFF  }
0xac: {  	[dreg:$0x1] =	wrdreg $0xFFFFFFFF  }
0xad: {  	[dreg:$0x0] =	wrdreg $0x60  }
0xae: {  	[dreg:$0x2] =	wrdreg s24  }
0xaf: {  	[dreg:$0x3] =	wrdreg $0x0  }
0xb0: {  	[dreg:$0x4] =	wrdreg $0x9  }
0xb1: {  	_ =	task.clear_ibuf [dreg:s6], $0x5FFFF;
	_ =	strace $0x9000004C  }
0xb2: {  	s29 =	simm.s32 $0x9;
	_ =	strace $0x8000004E  }
0xb3: {  	_ =	swait.ge [sflag:s29], $0x1  }
0xb4: {  	[sflag:s29] =	ssyncadd.s32 $0xFFFFFFFF  }
0xb5: {  	_ =	strace $0x9000004E  }
0xb6: {  	_ =	sfence  }
0xb7: {  	s30 =	sld [smem:$0x0];
	_ =	sdelay $0x2  }
0xb8: {  	s31 =	sshll.u32 s1, $0xD;
	s1 =	sshrl.u32 s1, $0x2  }
0xb9: {  	s3 =	sand.u32 $0x4000, s31;
	s1 =	sadd.s32 s1, s30  }
0xba: {  	s0 =	sor.u32 s3, s0;
	s1 =	sshll.u32 s1, $0x11  }
0xbb: {  	s0 =	sor.u32 s1, s0  }
0xbc: {  	s0 =	sadd.s32 $0x8F2B, s0  }
0xbd: {  	[sflag:s0] =	ssyncadd.remote.s32 $0x1  }
0xbe: {  	_ =	sfence.sel $0xFFFF  }
0xbf: {  	[dreg:$0x0] =	wrdreg $0xFFFFFFFF;
	(pc) =	sbr.abs _section_cstart, $3  }
0xc0: {  	[dreg:$0x1] =	wrdreg $0xFFFFFFFF  }
0xc1: {  	_ =	task.clear_ibuf [dreg:s6], $0x2FFFF;
	_ =	strace $0x9FFFFFFF  }
0xc2: {  	(tm) =	ssettm $0x7FFFFFFF  }
0xc3: {  	_ =	shalt  }
tec
execute0_lowered:
.L_overlay_start_1:
0x0: {  	(tag) =	ssettag $0x1  }
0x1: {  	s0 =	rddreg [dreg:$0x0]  }
0x2: {  	s1 =	rddreg [dreg:$0x1]  }
0x3: {  	s2 =	simm.s32 $0x0;
	s3 =	srdreg.scid;
	s11 =	stileid.u32  }
0x4: {  	s28 =	simm.s32 $0x6;
	s29 =	simm.s32 $0x0;
	[smem:$0x7FF] =	sst s2  }
0x5: {  	s3 =	sand.u32 $0x1, s3;
	s4 =	sadd.s32 $0x60000, s0;
	s8 =	smul.u32 $0x50000, s11  }
0x6: {  	s6 =	sshll.u32 s11, $0x1;
	s5 =	smul.u32 $0x28000, s3;
	s10 =	ssub.s32 $0x2, s3  }
0x7: {  	s7 =	sadd.s32 $0x5B000, s0;
	s9 =	sadd.s32 $0x6000, s0;
	s20 =	sshrl.u32 s10, $0x1  }
0x8: {  	s8 =	sshrl.u32 s8, $0x2;
	s0 =	sadd.s32 s5, s0;
	s5 =	ssub.s32 s10, s20  }
0x9: {  	s24 =	smul.u32 $0x2800, s11;
	s31 =	sadd.s32 s8, s1;
	s5 =	smax.u32 s5, $0x1  }
0xa: {  	_ =	strace $0x8000004D;
	s25 =	sadd.s32 $0x1000, s31;
	[dreg:$0x7] =	wrdreg s5  }
0xb: {  	s6 =	sor.u32 s3, s6;
	s26 =	sadd.s32 $0x2000, s31;
	[dreg:$0x8] =	wrdreg s25  }
0xc: {  	s3 =	smul.u32 $0x1400, s3;
	s30 =	sadd.s32 $0x3000, s31;
	[dreg:$0x9] =	wrdreg s26  }
0xd: {  	s6 =	smul.u32 $0x1400, s6;
	s8 =	sadd.s32 $0x4000, s31;
	[dreg:$0xa] =	wrdreg s30  }
0xe: {  	s3 =	sadd.s32 s3, s24;
	s10 =	sadd.s32 $0x5000, s31;
	[dreg:$0xb] =	wrdreg s8  }
0xf: {  	s6 =	sshrl.u32 s6, $0x3;
	s11 =	sadd.s32 $0x6000, s31;
	[dreg:$0xc] =	wrdreg s10  }
0x10: {  	s12 =	sadd.s32 $0x7000, s31;
	s13 =	sor.u32 $0xF0, s3;
	[dreg:$0xd] =	wrdreg s11  }
0x11: {  	s3 =	sor.u32 $0xA0, s3;
	s14 =	sadd.s32 $0x8000, s31;
	[dreg:$0xe] =	wrdreg s12  }
0x12: {  	s15 =	sadd.s32 $0x9000, s31;
	s0 =	sadd.s32 s24, s0;
	[dreg:$0xf] =	wrdreg s14  }
0x13: {  	s16 =	sadd.s32 $0xA000, s31;
	s17 =	sadd.s32 $0xB000, s31;
	[dreg:$0x10] =	wrdreg s15  }
0x14: {  	s18 =	sadd.s32 $0xC000, s31;
	s24 =	sadd.s32 $0xE000, s31;
	[dreg:$0x11] =	wrdreg s16  }
0x15: {  	s21 =	sadd.s32 s7, s6;
	s22 =	sadd.s32 s9, s6;
	[dreg:$0x12] =	wrdreg s17  }
0x16: {  	s6 =	sor.u32 $0xA, s6;
	s5 =	sshrl.u32 s13, $0x3;
	[dreg:$0x13] =	wrdreg s18  }
0x17: {  	s3 =	sshrl.u32 s3, $0x3;
	s25 =	sadd.s32 $0x2D1000, s0;
	[dreg:$0x15] =	wrdreg s24  }
0x18: {  	s26 =	sadd.s32 $0xF000, s31;
	s30 =	sadd.s32 $0x10000, s31;
	s8 =	simm.s32 $0x19200  }
0x19: {  	s10 =	simm.s32 $0x14000;
	s11 =	simm.s32 $0x14100;
	s12 =	simm.s32 $0x1  }
0x1a: {  	s13 =	simm.s32 $0x50;
	s14 =	simm.s32 $0x14200;
	s15 =	simm.s32 $0x14080  }
0x1b: {  	s16 =	simm.s32 $0x14180;
	s17 =	simm.s32 $0x2;
	[dreg:$0x3] =	wrdreg s21  }
0x1c: {  	s18 =	simm.s32 $0x16A00;
	s24 =	simm.s32 $0x4;
	[dreg:$0x4] =	wrdreg s22  }
0x1d: {  	s23 =	sadd.s32 s7, s6;
	s6 =	sadd.s32 s9, s6;
	s19 =	sadd.s32 s5, s9  }
0x1e: {  	s20 =	sadd.s32 s5, s7;
	s21 =	sadd.s32 s3, s9;
	[dreg:$0x16] =	wrdreg s26  }
0x1f: {  	s22 =	sadd.s32 s3, s7;
	[dreg:$0x17] =	wrdreg s30;
	s3 =	sadd.s32 $0x11000, s31  }
0x20: {  	s7 =	sadd.s32 $0x13000, s31;
	s9 =	simm.s32 $0x7;
	[dreg:$0x5] =	wrdreg s23  }
0x21: {  	s26 =	simm.s32 $0x5;
	[dreg:$0x6] =	wrdreg s6;
	s23 =	sadd.s32 $0xD000, s31  }
0x22: {  	v0 =	vimm.f32 $0.0e+00;
	s6 =	sadd.s32 $0x12000, s31;
	[dreg:$0x14] =	wrdreg s23;
	s23 =	simm.s32 $0x3  }
.LBB2_1:
0x23: {  	s30 =	simm.s32 $0x0;
	s5 =	simm.s32 $0x200  }
.LBB2_2:
0x24: {  	p0 =	sne.s32 s5, $0x3E00;
	[tilespmem:s30+$0x19270] =	vst v0  }
0x25: {  	[tilespmem:s30+$0x19200] =	vst v0  }
0x26: {  	[tilespmem:s30+$0x19210] =	vst v0  }
.Ltmp0:
0x27: {  	[tilespmem:s30+$0x19220] =	vst v0;
	(pc) =	sbr.rel @p0 .LBB2_2-.Ltmp0, $4  }
0x28: {  	[tilespmem:s30+$0x19230] =	vst v0  }
0x29: {  	[tilespmem:s30+$0x19240] =	vst v0  }
0x2a: {  	[tilespmem:s30+$0x19250] =	vst v0  }
0x2b: {  	[tilespmem:s30+$0x19260] =	vst v0;
	s30 =	sshra.s32 s5, $0x2;
	s5 =	sadd.s32 $0x200, s5  }
0x2c: {  	[tilespmem:s30+$0x19270] =	vst v0  }
0x2d: {  	[tilespmem:s30+$0x19200] =	vst v0  }
0x2e: {  	[tilespmem:s30+$0x19210] =	vst v0  }
0x2f: {  	[tilespmem:s30+$0x19220] =	vst v0  }
0x30: {  	[tilespmem:s30+$0x19230] =	vst v0  }
0x31: {  	[tilespmem:s30+$0x19240] =	vst v0  }
0x32: {  	[tilespmem:s30+$0x19250] =	vst v0  }
0x33: {  	[tilespmem:s30+$0x19260] =	vst v0  }
0x34: {  	[spmem:s31] =	stream.linear.scatter [tilespmem:s8], [sflag:$0x7], $0x1000, $0x38;
	[tilespmem:$0x1A200] =	vst v63  }
0x35: {  	_ =	swait.ge [sflag:s9], $0x1000  }
0x36: {  	[sflag:s9] =	ssyncset.done $0x0  }
0x37: {  	s0 =	rddreg [dreg:$0x8];
	[sflag:s9] =	ssyncadd.s32 $0xFFFFF000  }
0x38: {  	[spmem:s0] =	stream.linear.scatter [tilespmem:s8], [sflag:$0x7], $0x1000, $0x38;
	[tilespmem:$0x1A200] =	vst v63  }
0x39: {  	_ =	swait.ge [sflag:s9], $0x1000  }
0x3a: {  	[sflag:s9] =	ssyncset.done $0x0  }
0x3b: {  	s5 =	rddreg [dreg:$0x9];
	[sflag:s9] =	ssyncadd.s32 $0xFFFFF000  }
0x3c: {  	[spmem:s5] =	stream.linear.scatter [tilespmem:s8], [sflag:$0x7], $0x1000, $0x38;
	[tilespmem:$0x1A200] =	vst v63  }
0x3d: {  	_ =	swait.ge [sflag:s9], $0x1000  }
0x3e: {  	[sflag:s9] =	ssyncset.done $0x0  }
0x3f: {  	s5 =	rddreg [dreg:$0xa];
	[sflag:s9] =	ssyncadd.s32 $0xFFFFF000  }
0x40: {  	[spmem:s5] =	stream.linear.scatter [tilespmem:s8], [sflag:$0x7], $0x1000, $0x38;
	[tilespmem:$0x1A200] =	vst v63  }
0x41: {  	_ =	swait.ge [sflag:s9], $0x1000  }
0x42: {  	[sflag:s9] =	ssyncset.done $0x0  }
0x43: {  	s5 =	rddreg [dreg:$0xb];
	[sflag:s9] =	ssyncadd.s32 $0xFFFFF000  }
0x44: {  	[spmem:s5] =	stream.linear.scatter [tilespmem:s8], [sflag:$0x7], $0x1000, $0x38;
	[tilespmem:$0x1A200] =	vst v63  }
0x45: {  	_ =	swait.ge [sflag:s9], $0x1000  }
0x46: {  	[sflag:s9] =	ssyncset.done $0x0  }
0x47: {  	s5 =	rddreg [dreg:$0xc];
	[sflag:s9] =	ssyncadd.s32 $0xFFFFF000  }
0x48: {  	[spmem:s5] =	stream.linear.scatter [tilespmem:s8], [sflag:$0x7], $0x1000, $0x38;
	[tilespmem:$0x1A200] =	vst v63  }
0x49: {  	_ =	swait.ge [sflag:s9], $0x1000  }
0x4a: {  	[sflag:s9] =	ssyncset.done $0x0  }
0x4b: {  	s5 =	rddreg [dreg:$0xd];
	[sflag:s9] =	ssyncadd.s32 $0xFFFFF000  }
0x4c: {  	[spmem:s5] =	stream.linear.scatter [tilespmem:s8], [sflag:$0x7], $0x1000, $0x38;
	[tilespmem:$0x1A200] =	vst v63  }
0x4d: {  	_ =	swait.ge [sflag:s9], $0x1000  }
0x4e: {  	[sflag:s9] =	ssyncset.done $0x0  }
0x4f: {  	s5 =	rddreg [dreg:$0xe];
	[sflag:s9] =	ssyncadd.s32 $0xFFFFF000  }
0x50: {  	[spmem:s5] =	stream.linear.scatter [tilespmem:s8], [sflag:$0x7], $0x1000, $0x38;
	[tilespmem:$0x1A200] =	vst v63  }
0x51: {  	_ =	swait.ge [sflag:s9], $0x1000  }
0x52: {  	[sflag:s9] =	ssyncset.done $0x0  }
0x53: {  	s5 =	rddreg [dreg:$0xf];
	[sflag:s9] =	ssyncadd.s32 $0xFFFFF000  }
0x54: {  	[spmem:s5] =	stream.linear.scatter [tilespmem:s8], [sflag:$0x7], $0x1000, $0x38;
	[tilespmem:$0x1A200] =	vst v63  }
0x55: {  	_ =	swait.ge [sflag:s9], $0x1000  }
0x56: {  	[sflag:s9] =	ssyncset.done $0x0  }
0x57: {  	s5 =	rddreg [dreg:$0x10];
	[sflag:s9] =	ssyncadd.s32 $0xFFFFF000  }
0x58: {  	[spmem:s5] =	stream.linear.scatter [tilespmem:s8], [sflag:$0x7], $0x1000, $0x38;
	[tilespmem:$0x1A200] =	vst v63  }
0x59: {  	_ =	swait.ge [sflag:s9], $0x1000  }
0x5a: {  	[sflag:s9] =	ssyncset.done $0x0  }
0x5b: {  	s5 =	rddreg [dreg:$0x11];
	[sflag:s9] =	ssyncadd.s32 $0xFFFFF000  }
0x5c: {  	[spmem:s5] =	stream.linear.scatter [tilespmem:s8], [sflag:$0x7], $0x1000, $0x38;
	[tilespmem:$0x1A200] =	vst v63  }
0x5d: {  	_ =	swait.ge [sflag:s9], $0x1000  }
0x5e: {  	[sflag:s9] =	ssyncset.done $0x0  }
0x5f: {  	s5 =	rddreg [dreg:$0x12];
	[sflag:s9] =	ssyncadd.s32 $0xFFFFF000  }
0x60: {  	[spmem:s5] =	stream.linear.scatter [tilespmem:s8], [sflag:$0x7], $0x1000, $0x38;
	[tilespmem:$0x1A200] =	vst v63  }
0x61: {  	_ =	swait.ge [sflag:s9], $0x1000  }
0x62: {  	[sflag:s9] =	ssyncset.done $0x0  }
0x63: {  	s5 =	rddreg [dreg:$0x13];
	[sflag:s9] =	ssyncadd.s32 $0xFFFFF000  }
0x64: {  	[spmem:s5] =	stream.linear.scatter [tilespmem:s8], [sflag:$0x7], $0x1000, $0x38;
	[tilespmem:$0x1A200] =	vst v63  }
0x65: {  	_ =	swait.ge [sflag:s9], $0x1000  }
0x66: {  	[sflag:s9] =	ssyncset.done $0x0  }
0x67: {  	s5 =	rddreg [dreg:$0x14];
	[sflag:s9] =	ssyncadd.s32 $0xFFFFF000  }
0x68: {  	[spmem:s5] =	stream.linear.scatter [tilespmem:s8], [sflag:$0x7], $0x1000, $0x38;
	[tilespmem:$0x1A200] =	vst v63  }
0x69: {  	_ =	swait.ge [sflag:s9], $0x1000  }
0x6a: {  	[sflag:s9] =	ssyncset.done $0x0  }
0x6b: {  	s5 =	rddreg [dreg:$0x15];
	[sflag:s9] =	ssyncadd.s32 $0xFFFFF000  }
0x6c: {  	[spmem:s5] =	stream.linear.scatter [tilespmem:s8], [sflag:$0x7], $0x1000, $0x38;
	[tilespmem:$0x1A200] =	vst v63  }
0x6d: {  	_ =	swait.ge [sflag:s9], $0x1000  }
0x6e: {  	[sflag:s9] =	ssyncset.done $0x0  }
0x6f: {  	s5 =	rddreg [dreg:$0x16];
	[sflag:s9] =	ssyncadd.s32 $0xFFFFF000  }
0x70: {  	[spmem:s5] =	stream.linear.scatter [tilespmem:s8], [sflag:$0x7], $0x1000, $0x38;
	[tilespmem:$0x1A200] =	vst v63  }
0x71: {  	_ =	swait.ge [sflag:s9], $0x1000  }
0x72: {  	[sflag:s9] =	ssyncset.done $0x0  }
0x73: {  	s5 =	rddreg [dreg:$0x17];
	[sflag:s9] =	ssyncadd.s32 $0xFFFFF000  }
0x74: {  	[spmem:s5] =	stream.linear.scatter [tilespmem:s8], [sflag:$0x7], $0x1000, $0x38;
	[tilespmem:$0x1A200] =	vst v63  }
0x75: {  	_ =	swait.ge [sflag:s9], $0x1000  }
0x76: {  	[sflag:s9] =	ssyncset.done $0x0  }
0x77: {  	[sflag:s9] =	ssyncadd.s32 $0xFFFFF000  }
0x78: {  	[spmem:s3] =	stream.linear.scatter [tilespmem:s8], [sflag:$0x7], $0x1000, $0x38;
	[tilespmem:$0x1A200] =	vst v63  }
0x79: {  	_ =	swait.ge [sflag:s9], $0x1000  }
0x7a: {  	[sflag:s9] =	ssyncset.done $0x0  }
0x7b: {  	[sflag:s9] =	ssyncadd.s32 $0xFFFFF000  }
0x7c: {  	[spmem:s6] =	stream.linear.scatter [tilespmem:s8], [sflag:$0x7], $0x1000, $0x38;
	[tilespmem:$0x1A200] =	vst v63  }
0x7d: {  	_ =	swait.ge [sflag:s9], $0x1000  }
0x7e: {  	[sflag:s9] =	ssyncset.done $0x0  }
0x7f: {  	[sflag:s9] =	ssyncadd.s32 $0xFFFFF000  }
0x80: {  	[spmem:s7] =	stream.linear.scatter [tilespmem:s8], [sflag:$0x7], $0x1000, $0x38;
	[tilespmem:$0x1A200] =	vst v63  }
0x81: {  	_ =	swait.ge [sflag:s9], $0x1000  }
0x82: {  	[sflag:s9] =	ssyncset.done $0x0  }
0x83: {  	[sflag:s9] =	ssyncadd.s32 $0xFFFFF000  }
0x84: {  	[bflag:$0x0] =	sbarrier.arrive $0xFFFF  }
0x85: {  	s5 =	simm.s32 $0x0;
	s0 =	rddreg [dreg:$0x3]  }
0x86: {  	[tilespmem:s10], [sflag:$0x1] =	stream.linear.gather [hbm4b:s0+s5], $0x50, $0x38;
	[tilespmem:$0x1A200] =	vst v63  }
0x87: {  	s0 =	rddreg [dreg:$0x4]  }
0x88: {  	[tilespmem:s11], [sflag:$0x1] =	stream.linear.gather [hbm4b:s0+s5], $0x50, $0x38;
	[tilespmem:$0x1A200] =	vst v63  }
0x89: {  	_ =	swait.ge [sflag:s12], $0x50  }
0x8a: {  	[sflag:s12] =	ssyncset.done $0x0  }
0x8b: {  	[sflag:s12] =	ssyncadd.s32 $0xFFFFFFB0  }
0x8c: {  	_ =	swait.ge [sflag:s12], $0x50  }
0x8d: {  	[sflag:s12] =	ssyncset.done $0x0  }
0x8e: {  	[sflag:s12] =	ssyncadd.s32 $0xFFFFFFB0  }
0x8f: {  	[tilespmem:s14], [sflag:$0x3] =	stream.indirect.gather [hbm4b:s4+s13], $0x80, s10, s13, $0xb8;
	[tilespmem:$0x1A200] =	vst v63  }
0x90: {  	s0 =	rddreg [dreg:$0x5]  }
0x91: {  	[tilespmem:s15], [sflag:$0x2] =	stream.linear.gather [hbm4b:s0+s5], $0x50, $0x38;
	[tilespmem:$0x1A200] =	vst v63  }
0x92: {  	s0 =	rddreg [dreg:$0x6]  }
0x93: {  	[tilespmem:s16], [sflag:$0x2] =	stream.linear.gather [hbm4b:s0+s5], $0x50, $0x38;
	[tilespmem:$0x1A200] =	vst v63  }
0x94: {  	_ =	swait.ge [sflag:s17], $0x50  }
0x95: {  	[sflag:s17] =	ssyncset.done $0x0  }
0x96: {  	[sflag:s17] =	ssyncadd.s32 $0xFFFFFFB0  }
0x97: {  	_ =	swait.ge [sflag:s17], $0x50  }
0x98: {  	[sflag:s17] =	ssyncset.done $0x0  }
0x99: {  	[sflag:s17] =	ssyncadd.s32 $0xFFFFFFB0  }
0x9a: {  	[tilespmem:s18], [sflag:$0x4] =	stream.indirect.gather [hbm4b:s4+s13], $0x80, s15, s13, $0xb8;
	[tilespmem:$0x1A200] =	vst v63  }
0x9b: {  	_ =	swait.ge [sflag:s23], $0x2800  }
0x9c: {  	[sflag:s23] =	ssyncset.done $0x0  }
0x9d: {  	[sflag:s23] =	ssyncadd.s32 $0xFFFFD800  }
0x9e: {  	[spmem:s1] =	stream.indirect.scatter.add.f32 [tilespmem:s14], [sflag:$0x5], $0x80, s11, s13, $0xb8;
	[tilespmem:$0x1A200] =	vst v63  }
0x9f: {  	_ =	swait.ge [sflag:s24], $0x2800  }
0xa0: {  	[sflag:s24] =	ssyncset.done $0x0  }
0xa1: {  	[sflag:s24] =	ssyncadd.s32 $0xFFFFD800  }
0xa2: {  	[spmem:s1] =	stream.indirect.scatter.add.f32 [tilespmem:s18], [sflag:$0x6], $0x80, s16, s13, $0xb8;
	[tilespmem:$0x1A200] =	vst v63  }
0xa3: {  	_ =	swait.ge [sflag:s26], $0x2800  }
0xa4: {  	[sflag:s26] =	ssyncset.done $0x0  }
0xa5: {  	s0 =	sadd.s32 $0x0, s22;
	[sflag:s26] =	ssyncadd.s32 $0xFFFFD800  }
0xa6: {  	[tilespmem:s10], [sflag:$0x1] =	stream.linear.gather [hbm4b:s0+s2], $0x50, $0x38;
	[tilespmem:$0x1A200] =	vst v63  }
0xa7: {  	s0 =	sadd.s32 $0x0, s21  }
0xa8: {  	[tilespmem:s11], [sflag:$0x1] =	stream.linear.gather [hbm4b:s0+s2], $0x50, $0x38;
	[tilespmem:$0x1A200] =	vst v63  }
0xa9: {  	_ =	swait.ge [sflag:s12], $0x50  }
0xaa: {  	[sflag:s12] =	ssyncset.done $0x0  }
0xab: {  	[sflag:s12] =	ssyncadd.s32 $0xFFFFFFB0  }
0xac: {  	_ =	swait.ge [sflag:s12], $0x50  }
0xad: {  	[sflag:s12] =	ssyncset.done $0x0  }
0xae: {  	[sflag:s12] =	ssyncadd.s32 $0xFFFFFFB0  }
0xaf: {  	[tilespmem:s14], [sflag:$0x3] =	stream.indirect.gather [hbm4b:s4+s13], $0x80, s10, s13, $0xb8;
	[tilespmem:$0x1A200] =	vst v63  }
0xb0: {  	_ =	swait.ge [sflag:s28], $0x2800  }
0xb1: {  	[sflag:s28] =	ssyncset.done $0x0  }
0xb2: {  	s0 =	sadd.s32 $0x0, s20;
	[sflag:s28] =	ssyncadd.s32 $0xFFFFD800  }
0xb3: {  	[tilespmem:s15], [sflag:$0x2] =	stream.linear.gather [hbm4b:s0+s2], $0x50, $0x38;
	[tilespmem:$0x1A200] =	vst v63  }
0xb4: {  	s0 =	sadd.s32 $0x0, s19  }
0xb5: {  	[tilespmem:s16], [sflag:$0x2] =	stream.linear.gather [hbm4b:s0+s2], $0x50, $0x38;
	[tilespmem:$0x1A200] =	vst v63  }
0xb6: {  	_ =	swait.ge [sflag:s17], $0x50  }
0xb7: {  	[sflag:s17] =	ssyncset.done $0x0  }
0xb8: {  	[sflag:s17] =	ssyncadd.s32 $0xFFFFFFB0  }
0xb9: {  	_ =	swait.ge [sflag:s17], $0x50  }
0xba: {  	[sflag:s17] =	ssyncset.done $0x0  }
0xbb: {  	s30 =	simm.s32 $0x14;
	[sflag:s17] =	ssyncadd.s32 $0xFFFFFFB0  }
.LBB2_4:
0xbc: {  	[tilespmem:s18], [sflag:$0x4] =	stream.indirect.gather [hbm4b:s4+s13], $0x80, s15, s13, $0xb8;
	[tilespmem:$0x1A200] =	vst v63  }
0xbd: {  	s5 =	smov.u32 s30  }
0xbe: {  	p0 =	sne.s32 s30, $0x258;
	s30 =	sadd.s32 $0x14, s30;
	_ =	swait.ge [sflag:s23], $0x2800  }
0xbf: {  	[sflag:s23] =	ssyncset.done $0x0  }
0xc0: {  	[sflag:s23] =	ssyncadd.s32 $0xFFFFD800  }
0xc1: {  	[spmem:s1] =	stream.indirect.scatter.add.f32 [tilespmem:s14], [sflag:$0x5], $0x80, s11, s13, $0xb8;
	[tilespmem:$0x1A200] =	vst v63  }
0xc2: {  	_ =	swait.ge [sflag:s24], $0x2800  }
0xc3: {  	[sflag:s24] =	ssyncset.done $0x0  }
0xc4: {  	[sflag:s24] =	ssyncadd.s32 $0xFFFFD800  }
0xc5: {  	[spmem:s1] =	stream.indirect.scatter.add.f32 [tilespmem:s18], [sflag:$0x6], $0x80, s16, s13, $0xb8;
	[tilespmem:$0x1A200] =	vst v63  }
0xc6: {  	_ =	swait.ge [sflag:s26], $0x2800  }
0xc7: {  	[sflag:s26] =	ssyncset.done $0x0  }
0xc8: {  	s0 =	sadd.s32 s5, s22;
	[sflag:s26] =	ssyncadd.s32 $0xFFFFD800  }
0xc9: {  	[tilespmem:s10], [sflag:$0x1] =	stream.linear.gather [hbm4b:s0+s2], $0x50, $0x38;
	[tilespmem:$0x1A200] =	vst v63  }
0xca: {  	s0 =	sadd.s32 s5, s21  }
0xcb: {  	[tilespmem:s11], [sflag:$0x1] =	stream.linear.gather [hbm4b:s0+s2], $0x50, $0x38;
	[tilespmem:$0x1A200] =	vst v63  }
0xcc: {  	_ =	swait.ge [sflag:s12], $0x50  }
0xcd: {  	[sflag:s12] =	ssyncset.done $0x0  }
0xce: {  	[sflag:s12] =	ssyncadd.s32 $0xFFFFFFB0  }
0xcf: {  	_ =	swait.ge [sflag:s12], $0x50  }
0xd0: {  	[sflag:s12] =	ssyncset.done $0x0  }
0xd1: {  	[sflag:s12] =	ssyncadd.s32 $0xFFFFFFB0  }
0xd2: {  	[tilespmem:s14], [sflag:$0x3] =	stream.indirect.gather [hbm4b:s4+s13], $0x80, s10, s13, $0xb8;
	[tilespmem:$0x1A200] =	vst v63  }
0xd3: {  	_ =	swait.ge [sflag:s28], $0x2800  }
0xd4: {  	[sflag:s28] =	ssyncset.done $0x0  }
0xd5: {  	s0 =	sadd.s32 s5, s20;
	[sflag:s28] =	ssyncadd.s32 $0xFFFFD800  }
0xd6: {  	[tilespmem:s15], [sflag:$0x2] =	stream.linear.gather [hbm4b:s0+s2], $0x50, $0x38;
	[tilespmem:$0x1A200] =	vst v63  }
0xd7: {  	s0 =	sadd.s32 s5, s19  }
0xd8: {  	[tilespmem:s16], [sflag:$0x2] =	stream.linear.gather [hbm4b:s0+s2], $0x50, $0x38;
	[tilespmem:$0x1A200] =	vst v63  }
0xd9: {  	_ =	swait.ge [sflag:s17], $0x50  }
.Ltmp1:
0xda: {  	[sflag:s17] =	ssyncset.done $0x0;
	(pc) =	sbr.rel @p0 .LBB2_4-.Ltmp1, $4  }
0xdb: {  	[sflag:s17] =	ssyncadd.s32 $0xFFFFFFB0  }
0xdc: {  	_ =	swait.ge [sflag:s17], $0x50  }
0xdd: {  	[sflag:s17] =	ssyncset.done $0x0  }
0xde: {  	[sflag:s17] =	ssyncadd.s32 $0xFFFFFFB0  }
0xdf: {  	[tilespmem:s18], [sflag:$0x4] =	stream.indirect.gather [hbm4b:s4+s13], $0x80, s15, s13, $0xb8;
	[tilespmem:$0x1A200] =	vst v63  }
0xe0: {  	_ =	swait.ge [sflag:s23], $0x2800  }
0xe1: {  	[sflag:s23] =	ssyncset.done $0x0  }
0xe2: {  	[sflag:s23] =	ssyncadd.s32 $0xFFFFD800  }
0xe3: {  	[spmem:s1] =	stream.indirect.scatter.add.f32 [tilespmem:s14], [sflag:$0x5], $0x80, s11, s13, $0xb8;
	[tilespmem:$0x1A200] =	vst v63  }
0xe4: {  	_ =	swait.ge [sflag:s24], $0x2800  }
0xe5: {  	[sflag:s24] =	ssyncset.done $0x0  }
0xe6: {  	[sflag:s24] =	ssyncadd.s32 $0xFFFFD800  }
0xe7: {  	[spmem:s1] =	stream.indirect.scatter.add.f32 [tilespmem:s18], [sflag:$0x6], $0x80, s16, s13, $0xb8;
	[tilespmem:$0x1A200] =	vst v63  }
0xe8: {  	_ =	swait.ge [sflag:s26], $0x2800  }
0xe9: {  	[sflag:s26] =	ssyncset.done $0x0  }
0xea: {  	[sflag:s26] =	ssyncadd.s32 $0xFFFFD800  }
0xeb: {  	_ =	swait.ge [sflag:s28], $0x2800  }
0xec: {  	[sflag:s28] =	ssyncset.done $0x0  }
0xed: {  	[sflag:s28] =	ssyncadd.s32 $0xFFFFD800  }
0xee: {  	[bflag:$0x0] =	sbarrier.arrive $0xFFFF  }
0xef: {  	[tilespmem:s8], [sflag:$0x7] =	stream.linear.gather [spmem:s31], $0x1000, $0x38;
	[tilespmem:$0x1A200] =	vst v63  }
0xf0: {  	_ =	swait.ge [sflag:s9], $0x1000  }
0xf1: {  	[sflag:s9] =	ssyncset.done $0x0  }
0xf2: {  	s0 =	sadd.s32 $0x0, s25;
	[sflag:s9] =	ssyncadd.s32 $0xFFFFF000  }
0xf3: {  	[hbm4b:s0+s2] =	stream.linear.scatter [tilespmem:s8], [sflag:$0x7], $0x1000, $0x38;
	[tilespmem:$0x1A200] =	vst v63  }
0xf4: {  	_ =	swait.ge [sflag:s9], $0x1000  }
0xf5: {  	s30 =	simm.s32 $0x200;
	s5 =	smov.u32 s31;
	[sflag:s9] =	ssyncset.done $0x0  }
.LBB2_6:
0xf6: {  	p0 =	sne.s32 s30, $0x2600;
	[sflag:s9] =	ssyncadd.s32 $0xFFFFF000;
	s5 =	sadd.s32 $0x1000, s5  }
0xf7: {  	[tilespmem:s8], [sflag:$0x7] =	stream.linear.gather [spmem:s5], $0x1000, $0x38;
	[tilespmem:$0x1A200] =	vst v63  }
0xf8: {  	s0 =	smov.u32 s30;
	s30 =	sadd.s32 $0x200, s30;
	_ =	swait.ge [sflag:s9], $0x1000  }
.Ltmp2:
0xf9: {  	[sflag:s9] =	ssyncset.done $0x0;
	(pc) =	sbr.rel @p0 .LBB2_6-.Ltmp2, $4  }
0xfa: {  	s0 =	sadd.s32 s0, s25;
	[sflag:s9] =	ssyncadd.s32 $0xFFFFF000  }
0xfb: {  	[hbm4b:s0+s2] =	stream.linear.scatter [tilespmem:s8], [sflag:$0x7], $0x1000, $0x38;
	[tilespmem:$0x1A200] =	vst v63  }
0xfc: {  	_ =	swait.ge [sflag:s9], $0x1000  }
0xfd: {  	[sflag:s9] =	ssyncset.done $0x0  }
0xfe: {  	s29 =	sadd.s32 $0x1, s29;
	s0 =	rddreg [dreg:$0x7]  }
0xff: {  	p0 =	sne.s32 s29, s0  }
.Ltmp3:
0x100: {  	_ = 	snop;
	(pc) =	sbr.rel @p0 .LBB2_1-.Ltmp3, $2  }
0x101: {  	_ =	sdelay $0x2  }
0x102: {  	[sflag:s9] =	ssyncadd.s32 $0xFFFFF000  }
0x103: {  	_ =	sfence.sel $0x180000  }
0x104: {  	[bflag:$0x0] =	sbarrier.arrive $0xFFFF  }
0x105: {  	_ =	strace $0x9000004D  }
0x106: {  	s0 =	stileid.u32;
	[bflag:$0x2] =	sbarrier.arrive $0xFFFF  }
0x107: {  	p0 =	sne.s32 s0, $0x0;
	s0 =	rddreg [dreg:$0x2]  }
0x108: {  	s0 =	sadd.s32 @!p0 $0x100000, s0  }
0x109: {  	[sflag:s0] =	ssyncadd.tile.s32 @!p0 $0x1;
	_ =	shalt  }
.Lfunc_end2:
_tile_overlayer_lowered:
.L_overlay_start_2:
0x10a: {  	(tag) =	ssettag $0x2  }
0x10b: {  	s0 =	rddreg [dreg:$0x0];
	s2 =	stileid.u32  }
0x10c: {  	s1 =	rddreg [dreg:$0x1];
	p0 =	sne.s32 s2, $0x0  }
0x10d: {  	s3 =	rddreg [dreg:$0x2];
	[bflag:$0x3] =	sbarrier.arrive $0xFFFF;
	s2 =	simm.s32 @!p0 $0x1C07  }
0x10e: {  	[timem:s3], [sflag:s2] =	dma.local @!p0 [hbm:s0], s1  }
0x10f: {  	s0 =	simm.s32 @!p0 $0x7  }
0x110: {  	_ =	swait.ge @!p0 [sflag:s0], s1  }
0x111: {  	s1 =	ssub.s32 @!p0 $0x0, s1;
	[sflag:s0] =	ssyncset.done @!p0 $0x0  }
0x112: {  	[sflag:s0] =	ssyncadd.s32 @!p0 s1  }
0x113: {  	[bflag:$0x3] =	sbarrier.arrive $0xFFFF  }
0x114: {  	_ =	shalt  }

</sc_bundles>
